<compile_context>
chip_gen: v7x
topology: tpu7x:2x2x1
jax: 0.10.2.dev20260603
libtpu: 0.0.44.dev20260713+nightly
codegen_flags: <defaults>
</compile_context>

<pallas_src>
import functools

import jax
import jax.numpy as jnp
from jax import lax
from jax.experimental import pallas as pl
from jax.experimental.pallas import tpu as pltpu
from jax.experimental.pallas import tpu_sc as plsc

N = 10000
E = 160000
DF = 128
DE = 16
H0 = 8
IH = 10

NC, NS = 2, 16
NW = NC * NS
EPW = 5120
EPAD = NW * EPW
NAG = 10112
RPT = NAG // NS

_f32 = jnp.float32



def _lane():
    return lax.iota(jnp.int32, 16)


def _zz_segments(col_lo, src_of):
    segs = []
    for l in range(16):
        s = src_of(col_lo + l)
        if not segs or segs[-1][1] != s:
            segs.append((l, s))
    return segs


def _build_zz(segs, zrow, zlane_of_k):
    lane = _lane()

    def val(spec):
        if isinstance(spec, tuple):
            return jnp.full((16,), zrow[zlane_of_k(spec[1])], _f32)
        return jnp.full((16,), spec, _f32)

    zz = val(segs[0][1])
    for b, spec in segs[1:]:
        zz = jnp.where(lane >= b, val(spec), zz)
    return zz


def _make_sc_layer(ch, tw, zw, mw, fold_pairs, nch0, nch1):
    assert NS * (nch0 + nch1) * ch == EPAD
    nj = ch // 128
    mesh = plsc.VectorSubcoreMesh(core_axis_name="c", subcore_axis_name="s")

    @functools.partial(
        pl.kernel,
        out_type=jax.ShapeDtypeStruct((NC, NAG, mw), _f32),
        mesh=mesh,
        compiler_params=pltpu.CompilerParams(use_tc_tiling_on_sc=False),
        scratch_types=[
            pltpu.VMEM((nj, 128), jnp.int32),
            pltpu.VMEM((nj, 128), jnp.int32),
            pltpu.VMEM((ch, zw), _f32),
            pltpu.VMEM((ch, tw), _f32),
            pltpu.VMEM((ch, mw), _f32),
            pltpu.VMEM_SHARED((NAG, mw), _f32),
            pltpu.SemaphoreType.DMA,
        ],
    )
    def sc_layer(t_hbm, zx_hbm, src_hbm, dst_hbm, agg_hbm,
                 src_v, dst_v, zx_v, rows_v, msg_v, agg_sh, sem):
        c = lax.axis_index("c")
        s = lax.axis_index("s")
        cbase = jnp.where(c == 0, s * nch0, NS * nch0 + s * nch1)
        nch_me = jnp.where(c == 0, nch0, nch1)

        @plsc.parallel_loop(0, ch, 1, unroll=8)
        def zrow_body(r):
            for j in range(mw // 16):
                msg_v[r, pl.ds(j * 16, 16)] = jnp.zeros((16,), _f32)

        done = 0
        while done < RPT:
            n = min(ch, RPT - done)
            pltpu.sync_copy(msg_v.at[pl.ds(0, n)],
                            agg_sh.at[pl.ds(s * RPT + done, n)])
            done += n
        plsc.subcore_barrier()

        def chunk(ci, carry):
            ebase = (cbase + ci) * ch
            rbase = (cbase + ci) * nj
            pltpu.sync_copy(src_hbm.at[pl.ds(rbase, nj)], src_v)
            pltpu.sync_copy(dst_hbm.at[pl.ds(rbase, nj)], dst_v)
            pltpu.sync_copy(zx_hbm.at[pl.ds(ebase, ch)], zx_v)
            cps = [pltpu.async_copy(t_hbm.at[src_v.at[j]],
                                    rows_v.at[pl.ds(j * 128, 128)], sem)
                   for j in range(nj)]
            for cp in cps:
                cp.wait()

            @plsc.parallel_loop(0, ch, 1, unroll=8)
            def edge(e):
                if not fold_pairs:
                    acc = rows_v[e, pl.ds(0, 16)] * zx_v[e, pl.ds(0, 16)]
                    for j in range(1, 6):
                        acc = acc + rows_v[e, pl.ds(j * 16, 16)] *                             zx_v[e, pl.ds(j * 16, 16)]
                    msg_v[e, pl.ds(0, 16)] = acc
                else:
                    prods = [rows_v[e, pl.ds(j * 16, 16)] *
                             zx_v[e, pl.ds(j * 16, 16)]
                             for j in range(tw // 16)]
                    for j in range(5):
                        v = prods[j] + prods[j + 5] if j < 2 else prods[j]
                        msg_v[e, pl.ds(j * 16, 16)] = v

            for j in range(nj):
                pltpu.sync_copy(msg_v.at[pl.ds(j * 128, 128)],
                                agg_sh.at[dst_v.at[j]], add=True)
            return carry

        lax.fori_loop(0, nch_me, chunk, 0)
        plsc.subcore_barrier()
        pltpu.sync_copy(agg_sh.at[pl.ds(s * RPT, RPT)],
                        agg_hbm.at[c].at[pl.ds(s * RPT, RPT)])

    return sc_layer


def _make_sc_ep(ch, nch0, nch1):
    assert NS * (nch0 + nch1) * ch == EPAD
    nj = ch // 128
    mesh = plsc.VectorSubcoreMesh(core_axis_name="c", subcore_axis_name="s")

    @functools.partial(
        pl.kernel,
        out_type=jax.ShapeDtypeStruct((EPAD, 16), _f32),
        mesh=mesh,
        compiler_params=pltpu.CompilerParams(use_tc_tiling_on_sc=False),
        scratch_types=[
            pltpu.VMEM((nj, 128), jnp.int32),
            pltpu.VMEM((ch, 16), _f32),
            pltpu.VMEM((ch, 16), _f32),
            pltpu.VMEM((ch, 16), _f32),
            pltpu.SemaphoreType.DMA,
        ],
    )
    def sc_ep(q_hbm, a_hbm, src_hbm, out_hbm, src_v, a_v, q_v, r_v, sem):
        c = lax.axis_index("c")
        s = lax.axis_index("s")
        cbase = jnp.where(c == 0, s * nch0, NS * nch0 + s * nch1)
        nch_me = jnp.where(c == 0, nch0, nch1)

        def chunk(ci, carry):
            ebase = (cbase + ci) * ch
            rbase = (cbase + ci) * nj
            pltpu.sync_copy(src_hbm.at[pl.ds(rbase, nj)], src_v)
            pltpu.sync_copy(a_hbm.at[pl.ds(ebase, ch)], a_v)
            cps = [pltpu.async_copy(q_hbm.at[src_v.at[j]],
                                    q_v.at[pl.ds(j * 128, 128)], sem)
                   for j in range(nj)]
            for cp in cps:
                cp.wait()

            @plsc.parallel_loop(0, ch, 1, unroll=8)
            def edge(e):
                v = a_v[e, pl.ds(0, 16)] + q_v[e, pl.ds(0, 16)]
                r_v[e, pl.ds(0, 16)] = jnp.maximum(v, 0.0)

            pltpu.sync_copy(r_v, out_hbm.at[pl.ds(ebase, ch)])
            return carry

        lax.fori_loop(0, nch_me, chunk, 0)

    return sc_ep


_sc_l0 = _make_sc_layer(ch=256, tw=128, zw=128, mw=16, fold_pairs=False,
                        nch0=20, nch1=20)
_sc_l1 = _make_sc_layer(ch=256, tw=112, zw=112, mw=80, fold_pairs=True,
                        nch0=20, nch1=20)
_sc_ep = _make_sc_ep(ch=512, nch0=10, nch1=10)




def _zx_k(z_ref, s_ref, zx_ref):
    be = z_ref.shape[0]
    zh = jnp.concatenate([z_ref[...], jnp.ones((be, 1), _f32),
                          jnp.zeros((be, 5), _f32)], axis=1)
    zx_ref[...] = jnp.dot(zh, s_ref[...], preferred_element_type=_f32,
                          precision=lax.Precision.HIGHEST)


def _zx_expand(z, s, zw):
    be, grid = 1600, E // 1600
    return pl.pallas_call(
        _zx_k,
        grid=(grid,),
        in_specs=[
            pl.BlockSpec((be, 10), lambda i: (i, 0)),
            pl.BlockSpec((16, s.shape[1]), lambda i: (0, 0)),
        ],
        out_specs=pl.BlockSpec((be, zw), lambda i: (i, 0)),
        out_shape=jax.ShapeDtypeStruct((EPAD, zw), _f32),
    )(z, s)



def kernel(x, edge_attr, edge_index, nn0_W1, nn0_b1, nn0_W2, nn0_b2, root0,
           bias0, nn1_W1, nn1_b1, nn1_W2, nn1_b2, root1, bias1, ep_W1, ep_b1,
           ep_W2, ep_b2):
    src = jnp.concatenate([edge_index[0], jnp.zeros((EPAD - E,), jnp.int32)])
    dst = jnp.concatenate([edge_index[1],
                           jnp.full((EPAD - E,), N, jnp.int32)])
    src2d = src.reshape(EPAD // 128, 128)
    dst2d = dst.reshape(EPAD // 128, 128)

    z0 = jnp.maximum(edge_attr @ nn0_W1 + nn0_b1, 0.0)
    z1 = jnp.maximum(edge_attr @ nn1_W1 + nn1_b1, 0.0)
    epad = EPAD - E

    k0 = jnp.arange(128) // 8
    s0 = (jnp.arange(16)[:, None] == jnp.where(k0 < 10, k0, 10)[None, :]
          ).astype(_f32) * (jnp.arange(128) < 88)[None, :]
    k1 = jnp.arange(112) // 10
    s1 = (jnp.arange(16)[:, None] == jnp.where(k1 < 10, k1, 10)[None, :]
          ).astype(_f32) * (jnp.arange(112) < 110)[None, :]
    zx0 = _zx_expand(z0, s0, 128)
    zx1 = _zx_expand(z1, s1, 112)

    m0 = nn0_W2.reshape(IH, DF, H0).transpose(1, 0, 2).reshape(DF, IH * H0)
    t0 = x @ jnp.concatenate([m0, nn0_b2.reshape(DF, H0),
                              jnp.zeros((DF, 40), _f32)], axis=1)

    agg0 = _sc_l0(t0, zx0, src2d, dst2d)
    a0 = agg0[0] + agg0[1]
    h1 = jnp.maximum(a0[:N, :8] + a0[:N, 8:] + x @ root0 + bias0, 0.0)

    m1 = nn1_W2.reshape(IH, H0, IH).transpose(1, 0, 2).reshape(H0, IH * IH)
    t1 = jnp.concatenate(
        [h1 @ jnp.concatenate([m1, nn1_b2.reshape(H0, IH)], axis=1),
         jnp.zeros((N, 2), _f32)], axis=1)

    agg1 = _sc_l1(t1, zx1, src2d, dst2d)
    a1 = agg1[0][:N] + agg1[1][:N]
    pre = h1 @ root1 + bias1
    for k in range(8):
        pre = pre + a1[:, k * 10:k * 10 + 10]
    h2 = jnp.maximum(pre, 0.0)

    a_e = jnp.concatenate([edge_attr @ ep_W1[:DE] + ep_b1,
                           jnp.zeros((E, 6), _f32)], axis=1)
    a_e = jnp.pad(a_e, ((0, epad), (0, 0)))
    q = jnp.concatenate([h2 @ ep_W1[DE:], jnp.zeros((N, 6), _f32)], axis=1)

    s2d = _sc_ep(q, a_e, src2d)
    scores = s2d[:E, :10] @ ep_W2 + ep_b2
    return scores[:, 0]

# --- scband reference (transcript-rebuilt; emitter-appended) ---
"""Pipeline reference for scband-edge-model-4750233829497 (READ-ONLY COPY).

The authoritative reference and input builder live on the scoring server;
editing this copy changes nothing except your own understanding.
"""

import jax, jax.numpy as jnp
import numpy as np

N_NODES = 10000
N_EDGES = 160000
D_FEAT = 128
D_EDGE = 16
H0 = 8
IH = 10


def _lin(k, fan_in, fan_out):
    return jax.random.normal(k, (fan_in, fan_out), dtype=jnp.float32) * (1.0 / np.sqrt(fan_in))


def setup_inputs(seed: int = 0) -> dict:
    key = jax.random.key(seed)
    ks = [jax.random.fold_in(key, i) for i in range(20)]
    x = jax.random.normal(ks[0], (N_NODES, D_FEAT), dtype=jnp.float32)
    edge_attr = jax.random.normal(ks[1], (N_EDGES, D_EDGE), dtype=jnp.float32)
    edge_index = jax.random.randint(ks[2], (2, N_EDGES), 0, N_NODES, dtype=jnp.int32)
    return {
        'x': x,
        'edge_attr': edge_attr,
        'edge_index': edge_index,
        # conv[0]: NNConv(128 -> 8), edge nn: Linear(16,10)+ReLU+Linear(10,128*8)
        'nn0_W1': _lin(ks[3], D_EDGE, IH), 'nn0_b1': jnp.zeros((IH,), jnp.float32),
        'nn0_W2': _lin(ks[4], IH, D_FEAT * H0), 'nn0_b2': jnp.zeros((D_FEAT * H0,), jnp.float32),
        'root0': _lin(ks[5], D_FEAT, H0), 'bias0': jnp.zeros((H0,), jnp.float32),
        # conv[1]: NNConv(8 -> 10), edge nn: Linear(16,10)+ReLU+Linear(10,10*8)
        'nn1_W1': _lin(ks[6], D_EDGE, IH), 'nn1_b1': jnp.zeros((IH,), jnp.float32),
        'nn1_W2': _lin(ks[7], IH, H0 * IH), 'nn1_b2': jnp.zeros((H0 * IH,), jnp.float32),
        'root1': _lin(ks[8], H0, IH), 'bias1': jnp.zeros((IH,), jnp.float32),
        # edge_predictor: Linear(16+10,10)+ReLU+Linear(10,1)
        'ep_W1': _lin(ks[9], D_EDGE + IH, IH), 'ep_b1': jnp.zeros((IH,), jnp.float32),
        'ep_W2': _lin(ks[10], IH, 1), 'ep_b2': jnp.zeros((1,), jnp.float32),
    }


def reference(x, edge_attr, edge_index, nn0_W1, nn0_b1, nn0_W2, nn0_b2, root0, bias0,
              nn1_W1, nn1_b1, nn1_W2, nn1_b2, root1, bias1, ep_W1, ep_b1, ep_W2, ep_b2):
    N = x.shape[0]
    src = edge_index[0]
    dst = edge_index[1]

    def nnconv(h_in, W1, b1, W2, b2, root, bias, in_ch, out_ch):
        # per-edge weight matrix from edge features (PyG NNConv semantics)
        w = jnp.maximum(edge_attr @ W1 + b1, 0.0) @ W2 + b2
        w = w.reshape(-1, in_ch, out_ch)
        msg = jnp.einsum('ei,eio->eo', h_in[src], w)
        agg = jax.ops.segment_sum(msg, dst, num_segments=N)
        return agg + h_in @ root + bias

    h = jnp.maximum(nnconv(x, nn0_W1, nn0_b1, nn0_W2, nn0_b2, root0, bias0, D_FEAT, H0), 0.0)
    h = jnp.maximum(nnconv(h, nn1_W1, nn1_b1, nn1_W2, nn1_b2, root1, bias1, H0, IH), 0.0)

    src_node_attrs = h[src]
    conv_attributes = jnp.concatenate([edge_attr, src_node_attrs], axis=1)
    edge_scores = jnp.maximum(conv_attributes @ ep_W1 + ep_b1, 0.0) @ ep_W2 + ep_b2
    return edge_scores.squeeze()

if __name__ == "__main__":
    import jax
    _d = setup_inputs()
    print(jax.jit(kernel)(*tuple(_d.values())))

</pallas_src>

<mosaic_0001>
#map = affine_map<(d0, d1) -> (0, 0)>
#map1 = affine_map<(d0, d1) -> (0, 0, 0)>
module attributes {stable_mosaic.version = 14 : i64} {
  func.func @sc_layer(%arg0: i32, %arg1: i32, %arg2: memref<10000x128xf32, #tpu.memory_space<hbm>>, %arg3: memref<163840x128xf32, #tpu.memory_space<hbm>>, %arg4: memref<1280x128xi32, #tpu.memory_space<hbm>>, %arg5: memref<1280x128xi32, #tpu.memory_space<hbm>>, %arg6: memref<2x10112x16xf32, #tpu.memory_space<hbm>>, %arg7: memref<2x128xi32, #tpu.memory_space<vmem>>, %arg8: memref<2x128xi32, #tpu.memory_space<vmem>>, %arg9: memref<256x128xf32, #tpu.memory_space<vmem>>, %arg10: memref<256x128xf32, #tpu.memory_space<vmem>>, %arg11: memref<256x16xf32, #tpu.memory_space<vmem>>, %arg12: memref<10112x16xf32, #tpu.memory_space<vmem_shared>>, %arg13: memref<!tpu.dma_semaphore, #tpu.memory_space<semaphore_mem>>) attributes {dimension_semantics = [#tpu.dimension_semantics<core_parallel>, #tpu.dimension_semantics<subcore_parallel>], iteration_bounds = array<i64: 2, 16>, scalar_prefetch = 0 : i64, scratch_operands = 7 : i64, tpu.core_type = #tpu.core_type<sc_vector_subcore>, window_params = [{transform_indices = #map}, {transform_indices = #map}, {transform_indices = #map}, {transform_indices = #map}, {transform_indices = #map1}]} {
    %eq3A = arith.constant 0 : i32
    %eq3A_0 = arith.cmpi eq, %arg0, %eq3A : i32
    %mul3A = arith.constant 20 : i32
    %mul3A_1 = arith.muli %arg1, %mul3A : i32
    %mul3A_2 = arith.constant 20 : i32
    %mul3A_3 = arith.muli %arg1, %mul3A_2 : i32
    %add3A = arith.constant 320 : i32
    %add3A_4 = arith.addi %add3A, %mul3A_3 : i32
    %select_n3A = arith.select %eq3A_0, %mul3A_1, %add3A_4 : i32
    %eq3A_5 = arith.constant 0 : i32
    %eq3A_6 = arith.cmpi eq, %arg0, %eq3A_5 : i32
    %jit3A = arith.constant 20 : i32
    %jit3A_7 = arith.constant 20 : i32
    %select_n3A_8 = arith.select %eq3A_6, %jit3A, %jit3A_7 : i32
    %parallel_loop3A = arith.constant 0 : i32
    %parallel_loop3A_9 = arith.constant 256 : i32
    %parallel_loop3A_10 = arith.constant 1 : i32
    scf.for %parallel_loop3A_37 = %parallel_loop3A to %parallel_loop3A_9 step %parallel_loop3A_10  : i32 {
      %parallel_loop3A_38 = arith.constant 0.000000e+00 : f32
      %parallel_loop3A_39 = vector.broadcast %parallel_loop3A_38 : f32 to vector<16xf32>
      %parallel_loop3A_40 = arith.index_cast %parallel_loop3A_37 : i32 to index
      %parallel_loop3A_41 = arith.constant 0 : index
      %parallel_loop3A_42 = tpu.vector_load %arg11[%parallel_loop3A_40, %parallel_loop3A_41] {strides = array<i32>} : memref<256x16xf32, #tpu.memory_space<vmem>>, vector<1x16xf32>,
      %parallel_loop3A_43 = vector.shape_cast %parallel_loop3A_42 : vector<1x16xf32> to vector<16xf32>
      %parallel_loop3A_44 = vector.shape_cast %parallel_loop3A_39 : vector<16xf32> to vector<1x16xf32>
      tpu.vector_store %arg11[%parallel_loop3A_40, %parallel_loop3A_41], %parallel_loop3A_44 {strides = array<i32>} : memref<256x16xf32, #tpu.memory_space<vmem>>, vector<1x16xf32>,
    } {sc.loop_unroll_factor = 8 : i64, sc.parallel_access}
    %mul3A_11 = arith.constant 632 : i32
    %mul3A_12 = arith.muli %arg1, %mul3A_11 : i32
    %add3A_13 = arith.constant 0 : i32
    %add3A_14 = arith.addi %mul3A_12, %add3A_13 : i32
    "tpu.region"() ({
      %run_scoped3A = tpu.sem_alloc : memref<!tpu.dma_semaphore, #tpu.memory_space<semaphore_mem>>
      %dma_start3A = arith.constant 0 : i32
      %dma_start3A_37 = arith.constant 0 : i32
      %dma_start3A_38 = tpu.memref_slice %arg11[%dma_start3A, %dma_start3A_37] : memref<256x16xf32, #tpu.memory_space<vmem>> -> memref<256x16xf32, #tpu.memory_space<vmem>>
      %dma_start3A_39 = arith.constant 0 : i32
      %dma_start3A_40 = tpu.memref_slice %arg12[%add3A_14, %dma_start3A_39] : memref<10112x16xf32, #tpu.memory_space<vmem_shared>> -> memref<256x16xf32, #tpu.memory_space<vmem_shared>>
      %dma_start3A_41 = arith.constant 0 : i32
      %dma_start3A_42 = tpu.memref_slice %arg12[%add3A_14, %dma_start3A_41] : memref<10112x16xf32, #tpu.memory_space<vmem_shared>> -> memref<256x16xf32, #tpu.memory_space<vmem_shared>>
      %dma_start3A_43 = arith.constant 0 : i32
      %dma_start3A_44 = arith.constant 0 : i32
      %dma_start3A_45 = tpu.memref_slice %arg11[%dma_start3A_43, %dma_start3A_44] : memref<256x16xf32, #tpu.memory_space<vmem>> -> memref<256x16xf32, #tpu.memory_space<vmem>>
      tpu.enqueue_dma source(%dma_start3A_45 : memref<256x16xf32, #tpu.memory_space<vmem>>) target(%dma_start3A_42 : memref<256x16xf32, #tpu.memory_space<vmem_shared>>) target_semaphore(%run_scoped3A : memref<!tpu.dma_semaphore, #tpu.memory_space<semaphore_mem>>)
      %dma_wait3A = arith.constant 0 : i32
      %dma_wait3A_46 = arith.constant 0 : i32
      %dma_wait3A_47 = tpu.memref_slice %arg11[%dma_wait3A, %dma_wait3A_46] : memref<256x16xf32, #tpu.memory_space<vmem>> -> memref<256x16xf32, #tpu.memory_space<vmem>>
      %dma_wait3A_48 = arith.constant 0 : i32
      %dma_wait3A_49 = tpu.memref_slice %arg12[%add3A_14, %dma_wait3A_48] : memref<10112x16xf32, #tpu.memory_space<vmem_shared>> -> memref<256x16xf32, #tpu.memory_space<vmem_shared>>
      %dma_wait3A_50 = arith.constant 0 : i32
      %dma_wait3A_51 = tpu.memref_slice %arg12[%add3A_14, %dma_wait3A_50] : memref<10112x16xf32, #tpu.memory_space<vmem_shared>> -> memref<256x16xf32, #tpu.memory_space<vmem_shared>>
      %dma_wait3A_52 = arith.constant 0 : i32
      %dma_wait3A_53 = arith.constant 0 : i32
      %dma_wait3A_54 = tpu.memref_slice %arg11[%dma_wait3A_52, %dma_wait3A_53] : memref<256x16xf32, #tpu.memory_space<vmem>> -> memref<256x16xf32, #tpu.memory_space<vmem>>
      tpu.wait_dma2 semaphore(%run_scoped3A : memref<!tpu.dma_semaphore, #tpu.memory_space<semaphore_mem>>) src(%dma_wait3A_54 : memref<256x16xf32, #tpu.memory_space<vmem>>) dst(%dma_wait3A_51 : memref<256x16xf32, #tpu.memory_space<vmem_shared>>)
      tpu.yield
    }) : () -> ()
    %mul3A_15 = arith.constant 632 : i32
    %mul3A_16 = arith.muli %arg1, %mul3A_15 : i32
    %add3A_17 = arith.constant 256 : i32
    %add3A_18 = arith.addi %mul3A_16, %add3A_17 : i32
    "tpu.region"() ({
      %run_scoped3A = tpu.sem_alloc : memref<!tpu.dma_semaphore, #tpu.memory_space<semaphore_mem>>
      %dma_start3A = arith.constant 0 : i32
      %dma_start3A_37 = arith.constant 0 : i32
      %dma_start3A_38 = tpu.memref_slice %arg11[%dma_start3A, %dma_start3A_37] : memref<256x16xf32, #tpu.memory_space<vmem>> -> memref<256x16xf32, #tpu.memory_space<vmem>>
      %dma_start3A_39 = arith.constant 0 : i32
      %dma_start3A_40 = tpu.memref_slice %arg12[%add3A_18, %dma_start3A_39] : memref<10112x16xf32, #tpu.memory_space<vmem_shared>> -> memref<256x16xf32, #tpu.memory_space<vmem_shared>>
      %dma_start3A_41 = arith.constant 0 : i32
      %dma_start3A_42 = tpu.memref_slice %arg12[%add3A_18, %dma_start3A_41] : memref<10112x16xf32, #tpu.memory_space<vmem_shared>> -> memref<256x16xf32, #tpu.memory_space<vmem_shared>>
      %dma_start3A_43 = arith.constant 0 : i32
      %dma_start3A_44 = arith.constant 0 : i32
      %dma_start3A_45 = tpu.memref_slice %arg11[%dma_start3A_43, %dma_start3A_44] : memref<256x16xf32, #tpu.memory_space<vmem>> -> memref<256x16xf32, #tpu.memory_space<vmem>>
      tpu.enqueue_dma source(%dma_start3A_45 : memref<256x16xf32, #tpu.memory_space<vmem>>) target(%dma_start3A_42 : memref<256x16xf32, #tpu.memory_space<vmem_shared>>) target_semaphore(%run_scoped3A : memref<!tpu.dma_semaphore, #tpu.memory_space<semaphore_mem>>)
      %dma_wait3A = arith.constant 0 : i32
      %dma_wait3A_46 = arith.constant 0 : i32
      %dma_wait3A_47 = tpu.memref_slice %arg11[%dma_wait3A, %dma_wait3A_46] : memref<256x16xf32, #tpu.memory_space<vmem>> -> memref<256x16xf32, #tpu.memory_space<vmem>>
      %dma_wait3A_48 = arith.constant 0 : i32
      %dma_wait3A_49 = tpu.memref_slice %arg12[%add3A_18, %dma_wait3A_48] : memref<10112x16xf32, #tpu.memory_space<vmem_shared>> -> memref<256x16xf32, #tpu.memory_space<vmem_shared>>
      %dma_wait3A_50 = arith.constant 0 : i32
      %dma_wait3A_51 = tpu.memref_slice %arg12[%add3A_18, %dma_wait3A_50] : memref<10112x16xf32, #tpu.memory_space<vmem_shared>> -> memref<256x16xf32, #tpu.memory_space<vmem_shared>>
      %dma_wait3A_52 = arith.constant 0 : i32
      %dma_wait3A_53 = arith.constant 0 : i32
      %dma_wait3A_54 = tpu.memref_slice %arg11[%dma_wait3A_52, %dma_wait3A_53] : memref<256x16xf32, #tpu.memory_space<vmem>> -> memref<256x16xf32, #tpu.memory_space<vmem>>
      tpu.wait_dma2 semaphore(%run_scoped3A : memref<!tpu.dma_semaphore, #tpu.memory_space<semaphore_mem>>) src(%dma_wait3A_54 : memref<256x16xf32, #tpu.memory_space<vmem>>) dst(%dma_wait3A_51 : memref<256x16xf32, #tpu.memory_space<vmem_shared>>)
      tpu.yield
    }) : () -> ()
    %mul3A_19 = arith.constant 632 : i32
    %mul3A_20 = arith.muli %arg1, %mul3A_19 : i32
    %add3A_21 = arith.constant 512 : i32
    %add3A_22 = arith.addi %mul3A_20, %add3A_21 : i32
    "tpu.region"() ({
      %run_scoped3A = tpu.sem_alloc : memref<!tpu.dma_semaphore, #tpu.memory_space<semaphore_mem>>
      %dma_start3A = arith.constant 0 : i32
      %dma_start3A_37 = arith.constant 0 : i32
      %dma_start3A_38 = tpu.memref_slice %arg11[%dma_start3A, %dma_start3A_37] : memref<256x16xf32, #tpu.memory_space<vmem>> -> memref<120x16xf32, #tpu.memory_space<vmem>>
      %dma_start3A_39 = arith.constant 0 : i32
      %dma_start3A_40 = tpu.memref_slice %arg12[%add3A_22, %dma_start3A_39] : memref<10112x16xf32, #tpu.memory_space<vmem_shared>> -> memref<120x16xf32, #tpu.memory_space<vmem_shared>>
      %dma_start3A_41 = arith.constant 0 : i32
      %dma_start3A_42 = tpu.memref_slice %arg12[%add3A_22, %dma_start3A_41] : memref<10112x16xf32, #tpu.memory_space<vmem_shared>> -> memref<120x16xf32, #tpu.memory_space<vmem_shared>>
      %dma_start3A_43 = arith.constant 0 : i32
      %dma_start3A_44 = arith.constant 0 : i32
      %dma_start3A_45 = tpu.memref_slice %arg11[%dma_start3A_43, %dma_start3A_44] : memref<256x16xf32, #tpu.memory_space<vmem>> -> memref<120x16xf32, #tpu.memory_space<vmem>>
      tpu.enqueue_dma source(%dma_start3A_45 : memref<120x16xf32, #tpu.memory_space<vmem>>) target(%dma_start3A_42 : memref<120x16xf32, #tpu.memory_space<vmem_shared>>) target_semaphore(%run_scoped3A : memref<!tpu.dma_semaphore, #tpu.memory_space<semaphore_mem>>)
      %dma_wait3A = arith.constant 0 : i32
      %dma_wait3A_46 = arith.constant 0 : i32
      %dma_wait3A_47 = tpu.memref_slice %arg11[%dma_wait3A, %dma_wait3A_46] : memref<256x16xf32, #tpu.memory_space<vmem>> -> memref<120x16xf32, #tpu.memory_space<vmem>>
      %dma_wait3A_48 = arith.constant 0 : i32
      %dma_wait3A_49 = tpu.memref_slice %arg12[%add3A_22, %dma_wait3A_48] : memref<10112x16xf32, #tpu.memory_space<vmem_shared>> -> memref<120x16xf32, #tpu.memory_space<vmem_shared>>
      %dma_wait3A_50 = arith.constant 0 : i32
      %dma_wait3A_51 = tpu.memref_slice %arg12[%add3A_22, %dma_wait3A_50] : memref<10112x16xf32, #tpu.memory_space<vmem_shared>> -> memref<120x16xf32, #tpu.memory_space<vmem_shared>>
      %dma_wait3A_52 = arith.constant 0 : i32
      %dma_wait3A_53 = arith.constant 0 : i32
      %dma_wait3A_54 = tpu.memref_slice %arg11[%dma_wait3A_52, %dma_wait3A_53] : memref<256x16xf32, #tpu.memory_space<vmem>> -> memref<120x16xf32, #tpu.memory_space<vmem>>
      tpu.wait_dma2 semaphore(%run_scoped3A : memref<!tpu.dma_semaphore, #tpu.memory_space<semaphore_mem>>) src(%dma_wait3A_54 : memref<120x16xf32, #tpu.memory_space<vmem>>) dst(%dma_wait3A_51 : memref<120x16xf32, #tpu.memory_space<vmem_shared>>)
      tpu.yield
    }) : () -> ()
    %barrier3A = arith.constant 0 : index
    tpu.barrier barrier_id(%barrier3A)
    %while3A = arith.constant 0 : i32
    %while3A_23 = arith.constant 0 : i32
    %while3A_24 = arith.subi %select_n3A_8, %while3A_23 : i32
    %while3A_25 = arith.addi %while3A_23, %while3A_24 : i32
    %while3A_26 = arith.constant 1 : i32
    %while3A_27 = arith.divsi %while3A_24, %while3A_26 : i32
    %while3A_28 = arith.muli %while3A_27, %while3A_26 : i32
    %while3A_29 = arith.addi %while3A_23, %while3A_28 : i32
    %while3A_30 = arith.constant 1 : i32
    scf.for %while3A_37 = %while3A_23 to %while3A_29 step %while3A_30  : i32 {
      %add3A_38 = arith.addi %select_n3A, %while3A_37 : i32
      %mul3A_39 = arith.constant 256 : i32
      %mul3A_40 = arith.muli %add3A_38, %mul3A_39 : i32
      %add3A_41 = arith.addi %select_n3A, %while3A_37 : i32
      %mul3A_42 = arith.constant 2 : i32
      %mul3A_43 = arith.muli %add3A_41, %mul3A_42 : i32
      "tpu.region"() ({
        %run_scoped3A_86 = tpu.sem_alloc : memref<!tpu.dma_semaphore, #tpu.memory_space<semaphore_mem>>
        %dma_start3A_87 = arith.constant 0 : i32
        %dma_start3A_88 = tpu.memref_slice %arg4[%mul3A_43, %dma_start3A_87] : memref<1280x128xi32, #tpu.memory_space<hbm>> -> memref<2x128xi32, #tpu.memory_space<hbm>>
        %dma_start3A_89 = arith.constant 0 : i32
        %dma_start3A_90 = tpu.memref_slice %arg4[%mul3A_43, %dma_start3A_89] : memref<1280x128xi32, #tpu.memory_space<hbm>> -> memref<2x128xi32, #tpu.memory_space<hbm>>
        tpu.enqueue_dma source(%dma_start3A_90 : memref<2x128xi32, #tpu.memory_space<hbm>>) target(%arg7 : memref<2x128xi32, #tpu.memory_space<vmem>>) target_semaphore(%run_scoped3A_86 : memref<!tpu.dma_semaphore, #tpu.memory_space<semaphore_mem>>)
        %dma_wait3A_91 = arith.constant 0 : i32
        %dma_wait3A_92 = tpu.memref_slice %arg4[%mul3A_43, %dma_wait3A_91] : memref<1280x128xi32, #tpu.memory_space<hbm>> -> memref<2x128xi32, #tpu.memory_space<hbm>>
        %dma_wait3A_93 = arith.constant 0 : i32
        %dma_wait3A_94 = tpu.memref_slice %arg4[%mul3A_43, %dma_wait3A_93] : memref<1280x128xi32, #tpu.memory_space<hbm>> -> memref<2x128xi32, #tpu.memory_space<hbm>>
        tpu.wait_dma2 semaphore(%run_scoped3A_86 : memref<!tpu.dma_semaphore, #tpu.memory_space<semaphore_mem>>) src(%dma_wait3A_94 : memref<2x128xi32, #tpu.memory_space<hbm>>) dst(%arg7 : memref<2x128xi32, #tpu.memory_space<vmem>>)
        tpu.yield
      }) : () -> ()
      "tpu.region"() ({
        %run_scoped3A_86 = tpu.sem_alloc : memref<!tpu.dma_semaphore, #tpu.memory_space<semaphore_mem>>
        %dma_start3A_87 = arith.constant 0 : i32
        %dma_start3A_88 = tpu.memref_slice %arg5[%mul3A_43, %dma_start3A_87] : memref<1280x128xi32, #tpu.memory_space<hbm>> -> memref<2x128xi32, #tpu.memory_space<hbm>>
        %dma_start3A_89 = arith.constant 0 : i32
        %dma_start3A_90 = tpu.memref_slice %arg5[%mul3A_43, %dma_start3A_89] : memref<1280x128xi32, #tpu.memory_space<hbm>> -> memref<2x128xi32, #tpu.memory_space<hbm>>
        tpu.enqueue_dma source(%dma_start3A_90 : memref<2x128xi32, #tpu.memory_space<hbm>>) target(%arg8 : memref<2x128xi32, #tpu.memory_space<vmem>>) target_semaphore(%run_scoped3A_86 : memref<!tpu.dma_semaphore, #tpu.memory_space<semaphore_mem>>)
        %dma_wait3A_91 = arith.constant 0 : i32
        %dma_wait3A_92 = tpu.memref_slice %arg5[%mul3A_43, %dma_wait3A_91] : memref<1280x128xi32, #tpu.memory_space<hbm>> -> memref<2x128xi32, #tpu.memory_space<hbm>>
        %dma_wait3A_93 = arith.constant 0 : i32
        %dma_wait3A_94 = tpu.memref_slice %arg5[%mul3A_43, %dma_wait3A_93] : memref<1280x128xi32, #tpu.memory_space<hbm>> -> memref<2x128xi32, #tpu.memory_space<hbm>>
        tpu.wait_dma2 semaphore(%run_scoped3A_86 : memref<!tpu.dma_semaphore, #tpu.memory_space<semaphore_mem>>) src(%dma_wait3A_94 : memref<2x128xi32, #tpu.memory_space<hbm>>) dst(%arg8 : memref<2x128xi32, #tpu.memory_space<vmem>>)
        tpu.yield
      }) : () -> ()
      "tpu.region"() ({
        %run_scoped3A_86 = tpu.sem_alloc : memref<!tpu.dma_semaphore, #tpu.memory_space<semaphore_mem>>
        %dma_start3A_87 = arith.constant 0 : i32
        %dma_start3A_88 = tpu.memref_slice %arg3[%mul3A_40, %dma_start3A_87] : memref<163840x128xf32, #tpu.memory_space<hbm>> -> memref<256x128xf32, #tpu.memory_space<hbm>>
        %dma_start3A_89 = arith.constant 0 : i32
        %dma_start3A_90 = tpu.memref_slice %arg3[%mul3A_40, %dma_start3A_89] : memref<163840x128xf32, #tpu.memory_space<hbm>> -> memref<256x128xf32, #tpu.memory_space<hbm>>
        tpu.enqueue_dma source(%dma_start3A_90 : memref<256x128xf32, #tpu.memory_space<hbm>>) target(%arg9 : memref<256x128xf32, #tpu.memory_space<vmem>>) target_semaphore(%run_scoped3A_86 : memref<!tpu.dma_semaphore, #tpu.memory_space<semaphore_mem>>)
        %dma_wait3A_91 = arith.constant 0 : i32
        %dma_wait3A_92 = tpu.memref_slice %arg3[%mul3A_40, %dma_wait3A_91] : memref<163840x128xf32, #tpu.memory_space<hbm>> -> memref<256x128xf32, #tpu.memory_space<hbm>>
        %dma_wait3A_93 = arith.constant 0 : i32
        %dma_wait3A_94 = tpu.memref_slice %arg3[%mul3A_40, %dma_wait3A_93] : memref<163840x128xf32, #tpu.memory_space<hbm>> -> memref<256x128xf32, #tpu.memory_space<hbm>>
        tpu.wait_dma2 semaphore(%run_scoped3A_86 : memref<!tpu.dma_semaphore, #tpu.memory_space<semaphore_mem>>) src(%dma_wait3A_94 : memref<256x128xf32, #tpu.memory_space<hbm>>) dst(%arg9 : memref<256x128xf32, #tpu.memory_space<vmem>>)
        tpu.yield
      }) : () -> ()
      %dma_start3A = arith.constant 0 : i32
      %dma_start3A_44 = arith.constant 0 : i32
      %dma_start3A_45 = arith.constant 0 : i32
      %dma_start3A_46 = tpu.memref_slice %arg10[%dma_start3A_44, %dma_start3A_45] : memref<256x128xf32, #tpu.memory_space<vmem>> -> memref<128x128xf32, #tpu.memory_space<vmem>>
      %dma_start3A_47 = arith.constant 0 : i32
      %dma_start3A_48 = tpu.memref_slice %arg7[%dma_start3A, %dma_start3A_47] : memref<2x128xi32, #tpu.memory_space<vmem>> -> memref<1x128xi32, #tpu.memory_space<vmem>>
      %dma_start3A_49 = tpu.memref_squeeze %dma_start3A_48 : memref<1x128xi32, #tpu.memory_space<vmem>> -> memref<128xi32, #tpu.memory_space<vmem>>
      %dma_start3A_50 = arith.constant 0 : i32
      %dma_start3A_51 = arith.constant 0 : i32
      %dma_start3A_52 = tpu.memref_slice %arg2[%dma_start3A_50, %dma_start3A_51] : memref<10000x128xf32, #tpu.memory_space<hbm>> -> memref<10000x128xf32, #tpu.memory_space<hbm>>
      tpu.enqueue_indirect_dma source(%dma_start3A_52 : memref<10000x128xf32, #tpu.memory_space<hbm>>) target(%dma_start3A_46 : memref<128x128xf32, #tpu.memory_space<vmem>>) offsets(%dma_start3A_49 : memref<128xi32, #tpu.memory_space<vmem>>) semaphore(%arg13 : memref<!tpu.dma_semaphore, #tpu.memory_space<semaphore_mem>>)
      %dma_start3A_53 = arith.constant 1 : i32
      %dma_start3A_54 = arith.constant 128 : i32
      %dma_start3A_55 = arith.constant 0 : i32
      %dma_start3A_56 = tpu.memref_slice %arg10[%dma_start3A_54, %dma_start3A_55] : memref<256x128xf32, #tpu.memory_space<vmem>> -> memref<128x128xf32, #tpu.memory_space<vmem>>
      %dma_start3A_57 = arith.constant 0 : i32
      %dma_start3A_58 = tpu.memref_slice %arg7[%dma_start3A_53, %dma_start3A_57] : memref<2x128xi32, #tpu.memory_space<vmem>> -> memref<1x128xi32, #tpu.memory_space<vmem>>
      %dma_start3A_59 = tpu.memref_squeeze %dma_start3A_58 : memref<1x128xi32, #tpu.memory_space<vmem>> -> memref<128xi32, #tpu.memory_space<vmem>>
      %dma_start3A_60 = arith.constant 0 : i32
      %dma_start3A_61 = arith.constant 0 : i32
      %dma_start3A_62 = tpu.memref_slice %arg2[%dma_start3A_60, %dma_start3A_61] : memref<10000x128xf32, #tpu.memory_space<hbm>> -> memref<10000x128xf32, #tpu.memory_space<hbm>>
      tpu.enqueue_indirect_dma source(%dma_start3A_62 : memref<10000x128xf32, #tpu.memory_space<hbm>>) target(%dma_start3A_56 : memref<128x128xf32, #tpu.memory_space<vmem>>) offsets(%dma_start3A_59 : memref<128xi32, #tpu.memory_space<vmem>>) semaphore(%arg13 : memref<!tpu.dma_semaphore, #tpu.memory_space<semaphore_mem>>)
      %dma_wait3A = arith.constant 0 : i32
      %dma_wait3A_63 = arith.constant 0 : i32
      %dma_wait3A_64 = arith.constant 0 : i32
      %dma_wait3A_65 = tpu.memref_slice %arg10[%dma_wait3A_63, %dma_wait3A_64] : memref<256x128xf32, #tpu.memory_space<vmem>> -> memref<128x128xf32, #tpu.memory_space<vmem>>
      %dma_wait3A_66 = arith.constant 0 : i32
      %dma_wait3A_67 = tpu.memref_slice %arg7[%dma_wait3A, %dma_wait3A_66] : memref<2x128xi32, #tpu.memory_space<vmem>> -> memref<1x128xi32, #tpu.memory_space<vmem>>
      %dma_wait3A_68 = tpu.memref_squeeze %dma_wait3A_67 : memref<1x128xi32, #tpu.memory_space<vmem>> -> memref<128xi32, #tpu.memory_space<vmem>>
      %dma_wait3A_69 = arith.constant 0 : i32
      %dma_wait3A_70 = arith.constant 0 : i32
      %dma_wait3A_71 = tpu.memref_slice %arg2[%dma_wait3A_69, %dma_wait3A_70] : memref<10000x128xf32, #tpu.memory_space<hbm>> -> memref<10000x128xf32, #tpu.memory_space<hbm>>
      tpu.wait_indirect_dma semaphore(%arg13 : memref<!tpu.dma_semaphore, #tpu.memory_space<semaphore_mem>>) src(%dma_wait3A_71 : memref<10000x128xf32, #tpu.memory_space<hbm>>) dst(%dma_wait3A_65 : memref<128x128xf32, #tpu.memory_space<vmem>>)
      %dma_wait3A_72 = arith.constant 1 : i32
      %dma_wait3A_73 = arith.constant 128 : i32
      %dma_wait3A_74 = arith.constant 0 : i32
      %dma_wait3A_75 = tpu.memref_slice %arg10[%dma_wait3A_73, %dma_wait3A_74] : memref<256x128xf32, #tpu.memory_space<vmem>> -> memref<128x128xf32, #tpu.memory_space<vmem>>
      %dma_wait3A_76 = arith.constant 0 : i32
      %dma_wait3A_77 = tpu.memref_slice %arg7[%dma_wait3A_72, %dma_wait3A_76] : memref<2x128xi32, #tpu.memory_space<vmem>> -> memref<1x128xi32, #tpu.memory_space<vmem>>
      %dma_wait3A_78 = tpu.memref_squeeze %dma_wait3A_77 : memref<1x128xi32, #tpu.memory_space<vmem>> -> memref<128xi32, #tpu.memory_space<vmem>>
      %dma_wait3A_79 = arith.constant 0 : i32
      %dma_wait3A_80 = arith.constant 0 : i32
      %dma_wait3A_81 = tpu.memref_slice %arg2[%dma_wait3A_79, %dma_wait3A_80] : memref<10000x128xf32, #tpu.memory_space<hbm>> -> memref<10000x128xf32, #tpu.memory_space<hbm>>
      tpu.wait_indirect_dma semaphore(%arg13 : memref<!tpu.dma_semaphore, #tpu.memory_space<semaphore_mem>>) src(%dma_wait3A_81 : memref<10000x128xf32, #tpu.memory_space<hbm>>) dst(%dma_wait3A_75 : memref<128x128xf32, #tpu.memory_space<vmem>>)
      %parallel_loop3A_82 = arith.constant 0 : i32
      %parallel_loop3A_83 = arith.constant 256 : i32
      %parallel_loop3A_84 = arith.constant 1 : i32
      scf.for %parallel_loop3A_86 = %parallel_loop3A_82 to %parallel_loop3A_83 step %parallel_loop3A_84  : i32 {
        %parallel_loop3A_87 = arith.index_cast %parallel_loop3A_86 : i32 to index
        %parallel_loop3A_88 = arith.constant 0 : index
        %parallel_loop3A_89 = tpu.vector_load %arg10[%parallel_loop3A_87, %parallel_loop3A_88] {strides = array<i32>} : memref<256x128xf32, #tpu.memory_space<vmem>>, vector<1x16xf32>,
        %parallel_loop3A_90 = vector.shape_cast %parallel_loop3A_89 : vector<1x16xf32> to vector<16xf32>
        %parallel_loop3A_91 = arith.index_cast %parallel_loop3A_86 : i32 to index
        %parallel_loop3A_92 = arith.constant 0 : index
        %parallel_loop3A_93 = tpu.vector_load %arg9[%parallel_loop3A_91, %parallel_loop3A_92] {strides = array<i32>} : memref<256x128xf32, #tpu.memory_space<vmem>>, vector<1x16xf32>,
        %parallel_loop3A_94 = vector.shape_cast %parallel_loop3A_93 : vector<1x16xf32> to vector<16xf32>
        %parallel_loop3A_95 = arith.mulf %parallel_loop3A_90, %parallel_loop3A_94 : vector<16xf32>
        %parallel_loop3A_96 = arith.index_cast %parallel_loop3A_86 : i32 to index
        %parallel_loop3A_97 = arith.constant 16 : index
        %parallel_loop3A_98 = tpu.vector_load %arg10[%parallel_loop3A_96, %parallel_loop3A_97] {strides = array<i32>} : memref<256x128xf32, #tpu.memory_space<vmem>>, vector<1x16xf32>,
        %parallel_loop3A_99 = vector.shape_cast %parallel_loop3A_98 : vector<1x16xf32> to vector<16xf32>
        %parallel_loop3A_100 = arith.index_cast %parallel_loop3A_86 : i32 to index
        %parallel_loop3A_101 = arith.constant 16 : index
        %parallel_loop3A_102 = tpu.vector_load %arg9[%parallel_loop3A_100, %parallel_loop3A_101] {strides = array<i32>} : memref<256x128xf32, #tpu.memory_space<vmem>>, vector<1x16xf32>,
        %parallel_loop3A_103 = vector.shape_cast %parallel_loop3A_102 : vector<1x16xf32> to vector<16xf32>
        %parallel_loop3A_104 = arith.mulf %parallel_loop3A_99, %parallel_loop3A_103 : vector<16xf32>
        %parallel_loop3A_105 = arith.addf %parallel_loop3A_95, %parallel_loop3A_104 : vector<16xf32>
        %parallel_loop3A_106 = arith.index_cast %parallel_loop3A_86 : i32 to index
        %parallel_loop3A_107 = arith.constant 32 : index
        %parallel_loop3A_108 = tpu.vector_load %arg10[%parallel_loop3A_106, %parallel_loop3A_107] {strides = array<i32>} : memref<256x128xf32, #tpu.memory_space<vmem>>, vector<1x16xf32>,
        %parallel_loop3A_109 = vector.shape_cast %parallel_loop3A_108 : vector<1x16xf32> to vector<16xf32>
        %parallel_loop3A_110 = arith.index_cast %parallel_loop3A_86 : i32 to index
        %parallel_loop3A_111 = arith.constant 32 : index
        %parallel_loop3A_112 = tpu.vector_load %arg9[%parallel_loop3A_110, %parallel_loop3A_111] {strides = array<i32>} : memref<256x128xf32, #tpu.memory_space<vmem>>, vector<1x16xf32>,
        %parallel_loop3A_113 = vector.shape_cast %parallel_loop3A_112 : vector<1x16xf32> to vector<16xf32>
        %parallel_loop3A_114 = arith.mulf %parallel_loop3A_109, %parallel_loop3A_113 : vector<16xf32>
        %parallel_loop3A_115 = arith.addf %parallel_loop3A_105, %parallel_loop3A_114 : vector<16xf32>
        %parallel_loop3A_116 = arith.index_cast %parallel_loop3A_86 : i32 to index
        %parallel_loop3A_117 = arith.constant 48 : index
        %parallel_loop3A_118 = tpu.vector_load %arg10[%parallel_loop3A_116, %parallel_loop3A_117] {strides = array<i32>} : memref<256x128xf32, #tpu.memory_space<vmem>>, vector<1x16xf32>,
        %parallel_loop3A_119 = vector.shape_cast %parallel_loop3A_118 : vector<1x16xf32> to vector<16xf32>
        %parallel_loop3A_120 = arith.index_cast %parallel_loop3A_86 : i32 to index
        %parallel_loop3A_121 = arith.constant 48 : index
        %parallel_loop3A_122 = tpu.vector_load %arg9[%parallel_loop3A_120, %parallel_loop3A_121] {strides = array<i32>} : memref<256x128xf32, #tpu.memory_space<vmem>>, vector<1x16xf32>,
        %parallel_loop3A_123 = vector.shape_cast %parallel_loop3A_122 : vector<1x16xf32> to vector<16xf32>
        %parallel_loop3A_124 = arith.mulf %parallel_loop3A_119, %parallel_loop3A_123 : vector<16xf32>
        %parallel_loop3A_125 = arith.addf %parallel_loop3A_115, %parallel_loop3A_124 : vector<16xf32>
        %parallel_loop3A_126 = arith.index_cast %parallel_loop3A_86 : i32 to index
        %parallel_loop3A_127 = arith.constant 64 : index
        %parallel_loop3A_128 = tpu.vector_load %arg10[%parallel_loop3A_126, %parallel_loop3A_127] {strides = array<i32>} : memref<256x128xf32, #tpu.memory_space<vmem>>, vector<1x16xf32>,
        %parallel_loop3A_129 = vector.shape_cast %parallel_loop3A_128 : vector<1x16xf32> to vector<16xf32>
        %parallel_loop3A_130 = arith.index_cast %parallel_loop3A_86 : i32 to index
        %parallel_loop3A_131 = arith.constant 64 : index
        %parallel_loop3A_132 = tpu.vector_load %arg9[%parallel_loop3A_130, %parallel_loop3A_131] {strides = array<i32>} : memref<256x128xf32, #tpu.memory_space<vmem>>, vector<1x16xf32>,
        %parallel_loop3A_133 = vector.shape_cast %parallel_loop3A_132 : vector<1x16xf32> to vector<16xf32>
        %parallel_loop3A_134 = arith.mulf %parallel_loop3A_129, %parallel_loop3A_133 : vector<16xf32>
        %parallel_loop3A_135 = arith.addf %parallel_loop3A_125, %parallel_loop3A_134 : vector<16xf32>
        %parallel_loop3A_136 = arith.index_cast %parallel_loop3A_86 : i32 to index
        %parallel_loop3A_137 = arith.constant 80 : index
        %parallel_loop3A_138 = tpu.vector_load %arg10[%parallel_loop3A_136, %parallel_loop3A_137] {strides = array<i32>} : memref<256x128xf32, #tpu.memory_space<vmem>>, vector<1x16xf32>,
        %parallel_loop3A_139 = vector.shape_cast %parallel_loop3A_138 : vector<1x16xf32> to vector<16xf32>
        %parallel_loop3A_140 = arith.index_cast %parallel_loop3A_86 : i32 to index
        %parallel_loop3A_141 = arith.constant 80 : index
        %parallel_loop3A_142 = tpu.vector_load %arg9[%parallel_loop3A_140, %parallel_loop3A_141] {strides = array<i32>} : memref<256x128xf32, #tpu.memory_space<vmem>>, vector<1x16xf32>,
        %parallel_loop3A_143 = vector.shape_cast %parallel_loop3A_142 : vector<1x16xf32> to vector<16xf32>
        %parallel_loop3A_144 = arith.mulf %parallel_loop3A_139, %parallel_loop3A_143 : vector<16xf32>
        %parallel_loop3A_145 = arith.addf %parallel_loop3A_135, %parallel_loop3A_144 : vector<16xf32>
        %parallel_loop3A_146 = arith.index_cast %parallel_loop3A_86 : i32 to index
        %parallel_loop3A_147 = arith.constant 0 : index
        %parallel_loop3A_148 = tpu.vector_load %arg11[%parallel_loop3A_146, %parallel_loop3A_147] {strides = array<i32>} : memref<256x16xf32, #tpu.memory_space<vmem>>, vector<1x16xf32>,
        %parallel_loop3A_149 = vector.shape_cast %parallel_loop3A_148 : vector<1x16xf32> to vector<16xf32>
        %parallel_loop3A_150 = vector.shape_cast %parallel_loop3A_145 : vector<16xf32> to vector<1x16xf32>
        tpu.vector_store %arg11[%parallel_loop3A_146, %parallel_loop3A_147], %parallel_loop3A_150 {strides = array<i32>} : memref<256x16xf32, #tpu.memory_space<vmem>>, vector<1x16xf32>,
      } {sc.loop_unroll_factor = 8 : i64, sc.parallel_access}
      %run_scoped3A = arith.constant 0 : i32
      "tpu.region"() ({
        %run_scoped3A_86 = tpu.sem_alloc : memref<!tpu.dma_semaphore, #tpu.memory_space<semaphore_mem>>
        %dma_start3A_87 = arith.constant 0 : i32
        %dma_start3A_88 = arith.constant 0 : i32
        %dma_start3A_89 = tpu.memref_slice %arg11[%dma_start3A_87, %dma_start3A_88] : memref<256x16xf32, #tpu.memory_space<vmem>> -> memref<128x16xf32, #tpu.memory_space<vmem>>
        %dma_start3A_90 = arith.constant 0 : i32
        %dma_start3A_91 = tpu.memref_slice %arg8[%run_scoped3A, %dma_start3A_90] : memref<2x128xi32, #tpu.memory_space<vmem>> -> memref<1x128xi32, #tpu.memory_space<vmem>>
        %dma_start3A_92 = tpu.memref_squeeze %dma_start3A_91 : memref<1x128xi32, #tpu.memory_space<vmem>> -> memref<128xi32, #tpu.memory_space<vmem>>
        %dma_start3A_93 = arith.constant 0 : i32
        %dma_start3A_94 = arith.constant 0 : i32
        %dma_start3A_95 = tpu.memref_slice %arg12[%dma_start3A_93, %dma_start3A_94] : memref<10112x16xf32, #tpu.memory_space<vmem_shared>> -> memref<10112x16xf32, #tpu.memory_space<vmem_shared>>
        tpu.enqueue_indirect_dma source(%dma_start3A_89 : memref<128x16xf32, #tpu.memory_space<vmem>>) target(%dma_start3A_95 : memref<10112x16xf32, #tpu.memory_space<vmem_shared>>) offsets(%dma_start3A_92 : memref<128xi32, #tpu.memory_space<vmem>>) semaphore(%run_scoped3A_86 : memref<!tpu.dma_semaphore, #tpu.memory_space<semaphore_mem>>) {add = true}
        %dma_wait3A_96 = arith.constant 0 : i32
        %dma_wait3A_97 = arith.constant 0 : i32
        %dma_wait3A_98 = tpu.memref_slice %arg11[%dma_wait3A_96, %dma_wait3A_97] : memref<256x16xf32, #tpu.memory_space<vmem>> -> memref<128x16xf32, #tpu.memory_space<vmem>>
        %dma_wait3A_99 = arith.constant 0 : i32
        %dma_wait3A_100 = tpu.memref_slice %arg8[%run_scoped3A, %dma_wait3A_99] : memref<2x128xi32, #tpu.memory_space<vmem>> -> memref<1x128xi32, #tpu.memory_space<vmem>>
        %dma_wait3A_101 = tpu.memref_squeeze %dma_wait3A_100 : memref<1x128xi32, #tpu.memory_space<vmem>> -> memref<128xi32, #tpu.memory_space<vmem>>
        %dma_wait3A_102 = arith.constant 0 : i32
        %dma_wait3A_103 = arith.constant 0 : i32
        %dma_wait3A_104 = tpu.memref_slice %arg12[%dma_wait3A_102, %dma_wait3A_103] : memref<10112x16xf32, #tpu.memory_space<vmem_shared>> -> memref<10112x16xf32, #tpu.memory_space<vmem_shared>>
        tpu.wait_indirect_dma semaphore(%run_scoped3A_86 : memref<!tpu.dma_semaphore, #tpu.memory_space<semaphore_mem>>) src(%dma_wait3A_98 : memref<128x16xf32, #tpu.memory_space<vmem>>) dst(%dma_wait3A_104 : memref<10112x16xf32, #tpu.memory_space<vmem_shared>>)
        tpu.yield
      }) : () -> ()
      %run_scoped3A_85 = arith.constant 1 : i32
      "tpu.region"() ({
        %run_scoped3A_86 = tpu.sem_alloc : memref<!tpu.dma_semaphore, #tpu.memory_space<semaphore_mem>>
        %dma_start3A_87 = arith.constant 128 : i32
        %dma_start3A_88 = arith.constant 0 : i32
        %dma_start3A_89 = tpu.memref_slice %arg11[%dma_start3A_87, %dma_start3A_88] : memref<256x16xf32, #tpu.memory_space<vmem>> -> memref<128x16xf32, #tpu.memory_space<vmem>>
        %dma_start3A_90 = arith.constant 0 : i32
        %dma_start3A_91 = tpu.memref_slice %arg8[%run_scoped3A_85, %dma_start3A_90] : memref<2x128xi32, #tpu.memory_space<vmem>> -> memref<1x128xi32, #tpu.memory_space<vmem>>
        %dma_start3A_92 = tpu.memref_squeeze %dma_start3A_91 : memref<1x128xi32, #tpu.memory_space<vmem>> -> memref<128xi32, #tpu.memory_space<vmem>>
        %dma_start3A_93 = arith.constant 0 : i32
        %dma_start3A_94 = arith.constant 0 : i32
        %dma_start3A_95 = tpu.memref_slice %arg12[%dma_start3A_93, %dma_start3A_94] : memref<10112x16xf32, #tpu.memory_space<vmem_shared>> -> memref<10112x16xf32, #tpu.memory_space<vmem_shared>>
        tpu.enqueue_indirect_dma source(%dma_start3A_89 : memref<128x16xf32, #tpu.memory_space<vmem>>) target(%dma_start3A_95 : memref<10112x16xf32, #tpu.memory_space<vmem_shared>>) offsets(%dma_start3A_92 : memref<128xi32, #tpu.memory_space<vmem>>) semaphore(%run_scoped3A_86 : memref<!tpu.dma_semaphore, #tpu.memory_space<semaphore_mem>>) {add = true}
        %dma_wait3A_96 = arith.constant 128 : i32
        %dma_wait3A_97 = arith.constant 0 : i32
        %dma_wait3A_98 = tpu.memref_slice %arg11[%dma_wait3A_96, %dma_wait3A_97] : memref<256x16xf32, #tpu.memory_space<vmem>> -> memref<128x16xf32, #tpu.memory_space<vmem>>
        %dma_wait3A_99 = arith.constant 0 : i32
        %dma_wait3A_100 = tpu.memref_slice %arg8[%run_scoped3A_85, %dma_wait3A_99] : memref<2x128xi32, #tpu.memory_space<vmem>> -> memref<1x128xi32, #tpu.memory_space<vmem>>
        %dma_wait3A_101 = tpu.memref_squeeze %dma_wait3A_100 : memref<1x128xi32, #tpu.memory_space<vmem>> -> memref<128xi32, #tpu.memory_space<vmem>>
        %dma_wait3A_102 = arith.constant 0 : i32
        %dma_wait3A_103 = arith.constant 0 : i32
        %dma_wait3A_104 = tpu.memref_slice %arg12[%dma_wait3A_102, %dma_wait3A_103] : memref<10112x16xf32, #tpu.memory_space<vmem_shared>> -> memref<10112x16xf32, #tpu.memory_space<vmem_shared>>
        tpu.wait_indirect_dma semaphore(%run_scoped3A_86 : memref<!tpu.dma_semaphore, #tpu.memory_space<semaphore_mem>>) src(%dma_wait3A_98 : memref<128x16xf32, #tpu.memory_space<vmem>>) dst(%dma_wait3A_104 : memref<10112x16xf32, #tpu.memory_space<vmem_shared>>)
        tpu.yield
      }) : () -> ()
    }
    %while3A_31 = arith.constant 1 : i32
    scf.for %while3A_37 = %while3A_29 to %while3A_25 step %while3A_31  : i32 {
      %add3A_38 = arith.addi %select_n3A, %while3A_37 : i32
      %mul3A_39 = arith.constant 256 : i32
      %mul3A_40 = arith.muli %add3A_38, %mul3A_39 : i32
      %add3A_41 = arith.addi %select_n3A, %while3A_37 : i32
      %mul3A_42 = arith.constant 2 : i32
      %mul3A_43 = arith.muli %add3A_41, %mul3A_42 : i32
      "tpu.region"() ({
        %run_scoped3A_86 = tpu.sem_alloc : memref<!tpu.dma_semaphore, #tpu.memory_space<semaphore_mem>>
        %dma_start3A_87 = arith.constant 0 : i32
        %dma_start3A_88 = tpu.memref_slice %arg4[%mul3A_43, %dma_start3A_87] : memref<1280x128xi32, #tpu.memory_space<hbm>> -> memref<2x128xi32, #tpu.memory_space<hbm>>
        %dma_start3A_89 = arith.constant 0 : i32
        %dma_start3A_90 = tpu.memref_slice %arg4[%mul3A_43, %dma_start3A_89] : memref<1280x128xi32, #tpu.memory_space<hbm>> -> memref<2x128xi32, #tpu.memory_space<hbm>>
        tpu.enqueue_dma source(%dma_start3A_90 : memref<2x128xi32, #tpu.memory_space<hbm>>) target(%arg7 : memref<2x128xi32, #tpu.memory_space<vmem>>) target_semaphore(%run_scoped3A_86 : memref<!tpu.dma_semaphore, #tpu.memory_space<semaphore_mem>>)
        %dma_wait3A_91 = arith.constant 0 : i32
        %dma_wait3A_92 = tpu.memref_slice %arg4[%mul3A_43, %dma_wait3A_91] : memref<1280x128xi32, #tpu.memory_space<hbm>> -> memref<2x128xi32, #tpu.memory_space<hbm>>
        %dma_wait3A_93 = arith.constant 0 : i32
        %dma_wait3A_94 = tpu.memref_slice %arg4[%mul3A_43, %dma_wait3A_93] : memref<1280x128xi32, #tpu.memory_space<hbm>> -> memref<2x128xi32, #tpu.memory_space<hbm>>
        tpu.wait_dma2 semaphore(%run_scoped3A_86 : memref<!tpu.dma_semaphore, #tpu.memory_space<semaphore_mem>>) src(%dma_wait3A_94 : memref<2x128xi32, #tpu.memory_space<hbm>>) dst(%arg7 : memref<2x128xi32, #tpu.memory_space<vmem>>)
        tpu.yield
      }) : () -> ()
      "tpu.region"() ({
        %run_scoped3A_86 = tpu.sem_alloc : memref<!tpu.dma_semaphore, #tpu.memory_space<semaphore_mem>>
        %dma_start3A_87 = arith.constant 0 : i32
        %dma_start3A_88 = tpu.memref_slice %arg5[%mul3A_43, %dma_start3A_87] : memref<1280x128xi32, #tpu.memory_space<hbm>> -> memref<2x128xi32, #tpu.memory_space<hbm>>
        %dma_start3A_89 = arith.constant 0 : i32
        %dma_start3A_90 = tpu.memref_slice %arg5[%mul3A_43, %dma_start3A_89] : memref<1280x128xi32, #tpu.memory_space<hbm>> -> memref<2x128xi32, #tpu.memory_space<hbm>>
        tpu.enqueue_dma source(%dma_start3A_90 : memref<2x128xi32, #tpu.memory_space<hbm>>) target(%arg8 : memref<2x128xi32, #tpu.memory_space<vmem>>) target_semaphore(%run_scoped3A_86 : memref<!tpu.dma_semaphore, #tpu.memory_space<semaphore_mem>>)
        %dma_wait3A_91 = arith.constant 0 : i32
        %dma_wait3A_92 = tpu.memref_slice %arg5[%mul3A_43, %dma_wait3A_91] : memref<1280x128xi32, #tpu.memory_space<hbm>> -> memref<2x128xi32, #tpu.memory_space<hbm>>
        %dma_wait3A_93 = arith.constant 0 : i32
        %dma_wait3A_94 = tpu.memref_slice %arg5[%mul3A_43, %dma_wait3A_93] : memref<1280x128xi32, #tpu.memory_space<hbm>> -> memref<2x128xi32, #tpu.memory_space<hbm>>
        tpu.wait_dma2 semaphore(%run_scoped3A_86 : memref<!tpu.dma_semaphore, #tpu.memory_space<semaphore_mem>>) src(%dma_wait3A_94 : memref<2x128xi32, #tpu.memory_space<hbm>>) dst(%arg8 : memref<2x128xi32, #tpu.memory_space<vmem>>)
        tpu.yield
      }) : () -> ()
      "tpu.region"() ({
        %run_scoped3A_86 = tpu.sem_alloc : memref<!tpu.dma_semaphore, #tpu.memory_space<semaphore_mem>>
        %dma_start3A_87 = arith.constant 0 : i32
        %dma_start3A_88 = tpu.memref_slice %arg3[%mul3A_40, %dma_start3A_87] : memref<163840x128xf32, #tpu.memory_space<hbm>> -> memref<256x128xf32, #tpu.memory_space<hbm>>
        %dma_start3A_89 = arith.constant 0 : i32
        %dma_start3A_90 = tpu.memref_slice %arg3[%mul3A_40, %dma_start3A_89] : memref<163840x128xf32, #tpu.memory_space<hbm>> -> memref<256x128xf32, #tpu.memory_space<hbm>>
        tpu.enqueue_dma source(%dma_start3A_90 : memref<256x128xf32, #tpu.memory_space<hbm>>) target(%arg9 : memref<256x128xf32, #tpu.memory_space<vmem>>) target_semaphore(%run_scoped3A_86 : memref<!tpu.dma_semaphore, #tpu.memory_space<semaphore_mem>>)
        %dma_wait3A_91 = arith.constant 0 : i32
        %dma_wait3A_92 = tpu.memref_slice %arg3[%mul3A_40, %dma_wait3A_91] : memref<163840x128xf32, #tpu.memory_space<hbm>> -> memref<256x128xf32, #tpu.memory_space<hbm>>
        %dma_wait3A_93 = arith.constant 0 : i32
        %dma_wait3A_94 = tpu.memref_slice %arg3[%mul3A_40, %dma_wait3A_93] : memref<163840x128xf32, #tpu.memory_space<hbm>> -> memref<256x128xf32, #tpu.memory_space<hbm>>
        tpu.wait_dma2 semaphore(%run_scoped3A_86 : memref<!tpu.dma_semaphore, #tpu.memory_space<semaphore_mem>>) src(%dma_wait3A_94 : memref<256x128xf32, #tpu.memory_space<hbm>>) dst(%arg9 : memref<256x128xf32, #tpu.memory_space<vmem>>)
        tpu.yield
      }) : () -> ()
      %dma_start3A = arith.constant 0 : i32
      %dma_start3A_44 = arith.constant 0 : i32
      %dma_start3A_45 = arith.constant 0 : i32
      %dma_start3A_46 = tpu.memref_slice %arg10[%dma_start3A_44, %dma_start3A_45] : memref<256x128xf32, #tpu.memory_space<vmem>> -> memref<128x128xf32, #tpu.memory_space<vmem>>
      %dma_start3A_47 = arith.constant 0 : i32
      %dma_start3A_48 = tpu.memref_slice %arg7[%dma_start3A, %dma_start3A_47] : memref<2x128xi32, #tpu.memory_space<vmem>> -> memref<1x128xi32, #tpu.memory_space<vmem>>
      %dma_start3A_49 = tpu.memref_squeeze %dma_start3A_48 : memref<1x128xi32, #tpu.memory_space<vmem>> -> memref<128xi32, #tpu.memory_space<vmem>>
      %dma_start3A_50 = arith.constant 0 : i32
      %dma_start3A_51 = arith.constant 0 : i32
      %dma_start3A_52 = tpu.memref_slice %arg2[%dma_start3A_50, %dma_start3A_51] : memref<10000x128xf32, #tpu.memory_space<hbm>> -> memref<10000x128xf32, #tpu.memory_space<hbm>>
      tpu.enqueue_indirect_dma source(%dma_start3A_52 : memref<10000x128xf32, #tpu.memory_space<hbm>>) target(%dma_start3A_46 : memref<128x128xf32, #tpu.memory_space<vmem>>) offsets(%dma_start3A_49 : memref<128xi32, #tpu.memory_space<vmem>>) semaphore(%arg13 : memref<!tpu.dma_semaphore, #tpu.memory_space<semaphore_mem>>)
      %dma_start3A_53 = arith.constant 1 : i32
      %dma_start3A_54 = arith.constant 128 : i32
      %dma_start3A_55 = arith.constant 0 : i32
      %dma_start3A_56 = tpu.memref_slice %arg10[%dma_start3A_54, %dma_start3A_55] : memref<256x128xf32, #tpu.memory_space<vmem>> -> memref<128x128xf32, #tpu.memory_space<vmem>>
      %dma_start3A_57 = arith.constant 0 : i32
      %dma_start3A_58 = tpu.memref_slice %arg7[%dma_start3A_53, %dma_start3A_57] : memref<2x128xi32, #tpu.memory_space<vmem>> -> memref<1x128xi32, #tpu.memory_space<vmem>>
      %dma_start3A_59 = tpu.memref_squeeze %dma_start3A_58 : memref<1x128xi32, #tpu.memory_space<vmem>> -> memref<128xi32, #tpu.memory_space<vmem>>
      %dma_start3A_60 = arith.constant 0 : i32
      %dma_start3A_61 = arith.constant 0 : i32
      %dma_start3A_62 = tpu.memref_slice %arg2[%dma_start3A_60, %dma_start3A_61] : memref<10000x128xf32, #tpu.memory_space<hbm>> -> memref<10000x128xf32, #tpu.memory_space<hbm>>
      tpu.enqueue_indirect_dma source(%dma_start3A_62 : memref<10000x128xf32, #tpu.memory_space<hbm>>) target(%dma_start3A_56 : memref<128x128xf32, #tpu.memory_space<vmem>>) offsets(%dma_start3A_59 : memref<128xi32, #tpu.memory_space<vmem>>) semaphore(%arg13 : memref<!tpu.dma_semaphore, #tpu.memory_space<semaphore_mem>>)
      %dma_wait3A = arith.constant 0 : i32
      %dma_wait3A_63 = arith.constant 0 : i32
      %dma_wait3A_64 = arith.constant 0 : i32
      %dma_wait3A_65 = tpu.memref_slice %arg10[%dma_wait3A_63, %dma_wait3A_64] : memref<256x128xf32, #tpu.memory_space<vmem>> -> memref<128x128xf32, #tpu.memory_space<vmem>>
      %dma_wait3A_66 = arith.constant 0 : i32
      %dma_wait3A_67 = tpu.memref_slice %arg7[%dma_wait3A, %dma_wait3A_66] : memref<2x128xi32, #tpu.memory_space<vmem>> -> memref<1x128xi32, #tpu.memory_space<vmem>>
      %dma_wait3A_68 = tpu.memref_squeeze %dma_wait3A_67 : memref<1x128xi32, #tpu.memory_space<vmem>> -> memref<128xi32, #tpu.memory_space<vmem>>
      %dma_wait3A_69 = arith.constant 0 : i32
      %dma_wait3A_70 = arith.constant 0 : i32
      %dma_wait3A_71 = tpu.memref_slice %arg2[%dma_wait3A_69, %dma_wait3A_70] : memref<10000x128xf32, #tpu.memory_space<hbm>> -> memref<10000x128xf32, #tpu.memory_space<hbm>>
      tpu.wait_indirect_dma semaphore(%arg13 : memref<!tpu.dma_semaphore, #tpu.memory_space<semaphore_mem>>) src(%dma_wait3A_71 : memref<10000x128xf32, #tpu.memory_space<hbm>>) dst(%dma_wait3A_65 : memref<128x128xf32, #tpu.memory_space<vmem>>)
      %dma_wait3A_72 = arith.constant 1 : i32
      %dma_wait3A_73 = arith.constant 128 : i32
      %dma_wait3A_74 = arith.constant 0 : i32
      %dma_wait3A_75 = tpu.memref_slice %arg10[%dma_wait3A_73, %dma_wait3A_74] : memref<256x128xf32, #tpu.memory_space<vmem>> -> memref<128x128xf32, #tpu.memory_space<vmem>>
      %dma_wait3A_76 = arith.constant 0 : i32
      %dma_wait3A_77 = tpu.memref_slice %arg7[%dma_wait3A_72, %dma_wait3A_76] : memref<2x128xi32, #tpu.memory_space<vmem>> -> memref<1x128xi32, #tpu.memory_space<vmem>>
      %dma_wait3A_78 = tpu.memref_squeeze %dma_wait3A_77 : memref<1x128xi32, #tpu.memory_space<vmem>> -> memref<128xi32, #tpu.memory_space<vmem>>
      %dma_wait3A_79 = arith.constant 0 : i32
      %dma_wait3A_80 = arith.constant 0 : i32
      %dma_wait3A_81 = tpu.memref_slice %arg2[%dma_wait3A_79, %dma_wait3A_80] : memref<10000x128xf32, #tpu.memory_space<hbm>> -> memref<10000x128xf32, #tpu.memory_space<hbm>>
      tpu.wait_indirect_dma semaphore(%arg13 : memref<!tpu.dma_semaphore, #tpu.memory_space<semaphore_mem>>) src(%dma_wait3A_81 : memref<10000x128xf32, #tpu.memory_space<hbm>>) dst(%dma_wait3A_75 : memref<128x128xf32, #tpu.memory_space<vmem>>)
      %parallel_loop3A_82 = arith.constant 0 : i32
      %parallel_loop3A_83 = arith.constant 256 : i32
      %parallel_loop3A_84 = arith.constant 1 : i32
      scf.for %parallel_loop3A_86 = %parallel_loop3A_82 to %parallel_loop3A_83 step %parallel_loop3A_84  : i32 {
        %parallel_loop3A_87 = arith.index_cast %parallel_loop3A_86 : i32 to index
        %parallel_loop3A_88 = arith.constant 0 : index
        %parallel_loop3A_89 = tpu.vector_load %arg10[%parallel_loop3A_87, %parallel_loop3A_88] {strides = array<i32>} : memref<256x128xf32, #tpu.memory_space<vmem>>, vector<1x16xf32>,
        %parallel_loop3A_90 = vector.shape_cast %parallel_loop3A_89 : vector<1x16xf32> to vector<16xf32>
        %parallel_loop3A_91 = arith.index_cast %parallel_loop3A_86 : i32 to index
        %parallel_loop3A_92 = arith.constant 0 : index
        %parallel_loop3A_93 = tpu.vector_load %arg9[%parallel_loop3A_91, %parallel_loop3A_92] {strides = array<i32>} : memref<256x128xf32, #tpu.memory_space<vmem>>, vector<1x16xf32>,
        %parallel_loop3A_94 = vector.shape_cast %parallel_loop3A_93 : vector<1x16xf32> to vector<16xf32>
        %parallel_loop3A_95 = arith.mulf %parallel_loop3A_90, %parallel_loop3A_94 : vector<16xf32>
        %parallel_loop3A_96 = arith.index_cast %parallel_loop3A_86 : i32 to index
        %parallel_loop3A_97 = arith.constant 16 : index
        %parallel_loop3A_98 = tpu.vector_load %arg10[%parallel_loop3A_96, %parallel_loop3A_97] {strides = array<i32>} : memref<256x128xf32, #tpu.memory_space<vmem>>, vector<1x16xf32>,
        %parallel_loop3A_99 = vector.shape_cast %parallel_loop3A_98 : vector<1x16xf32> to vector<16xf32>
        %parallel_loop3A_100 = arith.index_cast %parallel_loop3A_86 : i32 to index
        %parallel_loop3A_101 = arith.constant 16 : index
        %parallel_loop3A_102 = tpu.vector_load %arg9[%parallel_loop3A_100, %parallel_loop3A_101] {strides = array<i32>} : memref<256x128xf32, #tpu.memory_space<vmem>>, vector<1x16xf32>,
        %parallel_loop3A_103 = vector.shape_cast %parallel_loop3A_102 : vector<1x16xf32> to vector<16xf32>
        %parallel_loop3A_104 = arith.mulf %parallel_loop3A_99, %parallel_loop3A_103 : vector<16xf32>
        %parallel_loop3A_105 = arith.addf %parallel_loop3A_95, %parallel_loop3A_104 : vector<16xf32>
        %parallel_loop3A_106 = arith.index_cast %parallel_loop3A_86 : i32 to index
        %parallel_loop3A_107 = arith.constant 32 : index
        %parallel_loop3A_108 = tpu.vector_load %arg10[%parallel_loop3A_106, %parallel_loop3A_107] {strides = array<i32>} : memref<256x128xf32, #tpu.memory_space<vmem>>, vector<1x16xf32>,
        %parallel_loop3A_109 = vector.shape_cast %parallel_loop3A_108 : vector<1x16xf32> to vector<16xf32>
        %parallel_loop3A_110 = arith.index_cast %parallel_loop3A_86 : i32 to index
        %parallel_loop3A_111 = arith.constant 32 : index
        %parallel_loop3A_112 = tpu.vector_load %arg9[%parallel_loop3A_110, %parallel_loop3A_111] {strides = array<i32>} : memref<256x128xf32, #tpu.memory_space<vmem>>, vector<1x16xf32>,
        %parallel_loop3A_113 = vector.shape_cast %parallel_loop3A_112 : vector<1x16xf32> to vector<16xf32>
        %parallel_loop3A_114 = arith.mulf %parallel_loop3A_109, %parallel_loop3A_113 : vector<16xf32>
        %parallel_loop3A_115 = arith.addf %parallel_loop3A_105, %parallel_loop3A_114 : vector<16xf32>
        %parallel_loop3A_116 = arith.index_cast %parallel_loop3A_86 : i32 to index
        %parallel_loop3A_117 = arith.constant 48 : index
        %parallel_loop3A_118 = tpu.vector_load %arg10[%parallel_loop3A_116, %parallel_loop3A_117] {strides = array<i32>} : memref<256x128xf32, #tpu.memory_space<vmem>>, vector<1x16xf32>,
        %parallel_loop3A_119 = vector.shape_cast %parallel_loop3A_118 : vector<1x16xf32> to vector<16xf32>
        %parallel_loop3A_120 = arith.index_cast %parallel_loop3A_86 : i32 to index
        %parallel_loop3A_121 = arith.constant 48 : index
        %parallel_loop3A_122 = tpu.vector_load %arg9[%parallel_loop3A_120, %parallel_loop3A_121] {strides = array<i32>} : memref<256x128xf32, #tpu.memory_space<vmem>>, vector<1x16xf32>,
        %parallel_loop3A_123 = vector.shape_cast %parallel_loop3A_122 : vector<1x16xf32> to vector<16xf32>
        %parallel_loop3A_124 = arith.mulf %parallel_loop3A_119, %parallel_loop3A_123 : vector<16xf32>
        %parallel_loop3A_125 = arith.addf %parallel_loop3A_115, %parallel_loop3A_124 : vector<16xf32>
        %parallel_loop3A_126 = arith.index_cast %parallel_loop3A_86 : i32 to index
        %parallel_loop3A_127 = arith.constant 64 : index
        %parallel_loop3A_128 = tpu.vector_load %arg10[%parallel_loop3A_126, %parallel_loop3A_127] {strides = array<i32>} : memref<256x128xf32, #tpu.memory_space<vmem>>, vector<1x16xf32>,
        %parallel_loop3A_129 = vector.shape_cast %parallel_loop3A_128 : vector<1x16xf32> to vector<16xf32>
        %parallel_loop3A_130 = arith.index_cast %parallel_loop3A_86 : i32 to index
        %parallel_loop3A_131 = arith.constant 64 : index
        %parallel_loop3A_132 = tpu.vector_load %arg9[%parallel_loop3A_130, %parallel_loop3A_131] {strides = array<i32>} : memref<256x128xf32, #tpu.memory_space<vmem>>, vector<1x16xf32>,
        %parallel_loop3A_133 = vector.shape_cast %parallel_loop3A_132 : vector<1x16xf32> to vector<16xf32>
        %parallel_loop3A_134 = arith.mulf %parallel_loop3A_129, %parallel_loop3A_133 : vector<16xf32>
        %parallel_loop3A_135 = arith.addf %parallel_loop3A_125, %parallel_loop3A_134 : vector<16xf32>
        %parallel_loop3A_136 = arith.index_cast %parallel_loop3A_86 : i32 to index
        %parallel_loop3A_137 = arith.constant 80 : index
        %parallel_loop3A_138 = tpu.vector_load %arg10[%parallel_loop3A_136, %parallel_loop3A_137] {strides = array<i32>} : memref<256x128xf32, #tpu.memory_space<vmem>>, vector<1x16xf32>,
        %parallel_loop3A_139 = vector.shape_cast %parallel_loop3A_138 : vector<1x16xf32> to vector<16xf32>
        %parallel_loop3A_140 = arith.index_cast %parallel_loop3A_86 : i32 to index
        %parallel_loop3A_141 = arith.constant 80 : index
        %parallel_loop3A_142 = tpu.vector_load %arg9[%parallel_loop3A_140, %parallel_loop3A_141] {strides = array<i32>} : memref<256x128xf32, #tpu.memory_space<vmem>>, vector<1x16xf32>,
        %parallel_loop3A_143 = vector.shape_cast %parallel_loop3A_142 : vector<1x16xf32> to vector<16xf32>
        %parallel_loop3A_144 = arith.mulf %parallel_loop3A_139, %parallel_loop3A_143 : vector<16xf32>
        %parallel_loop3A_145 = arith.addf %parallel_loop3A_135, %parallel_loop3A_144 : vector<16xf32>
        %parallel_loop3A_146 = arith.index_cast %parallel_loop3A_86 : i32 to index
        %parallel_loop3A_147 = arith.constant 0 : index
        %parallel_loop3A_148 = tpu.vector_load %arg11[%parallel_loop3A_146, %parallel_loop3A_147] {strides = array<i32>} : memref<256x16xf32, #tpu.memory_space<vmem>>, vector<1x16xf32>,
        %parallel_loop3A_149 = vector.shape_cast %parallel_loop3A_148 : vector<1x16xf32> to vector<16xf32>
        %parallel_loop3A_150 = vector.shape_cast %parallel_loop3A_145 : vector<16xf32> to vector<1x16xf32>
        tpu.vector_store %arg11[%parallel_loop3A_146, %parallel_loop3A_147], %parallel_loop3A_150 {strides = array<i32>} : memref<256x16xf32, #tpu.memory_space<vmem>>, vector<1x16xf32>,
      } {sc.loop_unroll_factor = 8 : i64, sc.parallel_access}
      %run_scoped3A = arith.constant 0 : i32
      "tpu.region"() ({
        %run_scoped3A_86 = tpu.sem_alloc : memref<!tpu.dma_semaphore, #tpu.memory_space<semaphore_mem>>
        %dma_start3A_87 = arith.constant 0 : i32
        %dma_start3A_88 = arith.constant 0 : i32
        %dma_start3A_89 = tpu.memref_slice %arg11[%dma_start3A_87, %dma_start3A_88] : memref<256x16xf32, #tpu.memory_space<vmem>> -> memref<128x16xf32, #tpu.memory_space<vmem>>
        %dma_start3A_90 = arith.constant 0 : i32
        %dma_start3A_91 = tpu.memref_slice %arg8[%run_scoped3A, %dma_start3A_90] : memref<2x128xi32, #tpu.memory_space<vmem>> -> memref<1x128xi32, #tpu.memory_space<vmem>>
        %dma_start3A_92 = tpu.memref_squeeze %dma_start3A_91 : memref<1x128xi32, #tpu.memory_space<vmem>> -> memref<128xi32, #tpu.memory_space<vmem>>
        %dma_start3A_93 = arith.constant 0 : i32
        %dma_start3A_94 = arith.constant 0 : i32
        %dma_start3A_95 = tpu.memref_slice %arg12[%dma_start3A_93, %dma_start3A_94] : memref<10112x16xf32, #tpu.memory_space<vmem_shared>> -> memref<10112x16xf32, #tpu.memory_space<vmem_shared>>
        tpu.enqueue_indirect_dma source(%dma_start3A_89 : memref<128x16xf32, #tpu.memory_space<vmem>>) target(%dma_start3A_95 : memref<10112x16xf32, #tpu.memory_space<vmem_shared>>) offsets(%dma_start3A_92 : memref<128xi32, #tpu.memory_space<vmem>>) semaphore(%run_scoped3A_86 : memref<!tpu.dma_semaphore, #tpu.memory_space<semaphore_mem>>) {add = true}
        %dma_wait3A_96 = arith.constant 0 : i32
        %dma_wait3A_97 = arith.constant 0 : i32
        %dma_wait3A_98 = tpu.memref_slice %arg11[%dma_wait3A_96, %dma_wait3A_97] : memref<256x16xf32, #tpu.memory_space<vmem>> -> memref<128x16xf32, #tpu.memory_space<vmem>>
        %dma_wait3A_99 = arith.constant 0 : i32
        %dma_wait3A_100 = tpu.memref_slice %arg8[%run_scoped3A, %dma_wait3A_99] : memref<2x128xi32, #tpu.memory_space<vmem>> -> memref<1x128xi32, #tpu.memory_space<vmem>>
        %dma_wait3A_101 = tpu.memref_squeeze %dma_wait3A_100 : memref<1x128xi32, #tpu.memory_space<vmem>> -> memref<128xi32, #tpu.memory_space<vmem>>
        %dma_wait3A_102 = arith.constant 0 : i32
        %dma_wait3A_103 = arith.constant 0 : i32
        %dma_wait3A_104 = tpu.memref_slice %arg12[%dma_wait3A_102, %dma_wait3A_103] : memref<10112x16xf32, #tpu.memory_space<vmem_shared>> -> memref<10112x16xf32, #tpu.memory_space<vmem_shared>>
        tpu.wait_indirect_dma semaphore(%run_scoped3A_86 : memref<!tpu.dma_semaphore, #tpu.memory_space<semaphore_mem>>) src(%dma_wait3A_98 : memref<128x16xf32, #tpu.memory_space<vmem>>) dst(%dma_wait3A_104 : memref<10112x16xf32, #tpu.memory_space<vmem_shared>>)
        tpu.yield
      }) : () -> ()
      %run_scoped3A_85 = arith.constant 1 : i32
      "tpu.region"() ({
        %run_scoped3A_86 = tpu.sem_alloc : memref<!tpu.dma_semaphore, #tpu.memory_space<semaphore_mem>>
        %dma_start3A_87 = arith.constant 128 : i32
        %dma_start3A_88 = arith.constant 0 : i32
        %dma_start3A_89 = tpu.memref_slice %arg11[%dma_start3A_87, %dma_start3A_88] : memref<256x16xf32, #tpu.memory_space<vmem>> -> memref<128x16xf32, #tpu.memory_space<vmem>>
        %dma_start3A_90 = arith.constant 0 : i32
        %dma_start3A_91 = tpu.memref_slice %arg8[%run_scoped3A_85, %dma_start3A_90] : memref<2x128xi32, #tpu.memory_space<vmem>> -> memref<1x128xi32, #tpu.memory_space<vmem>>
        %dma_start3A_92 = tpu.memref_squeeze %dma_start3A_91 : memref<1x128xi32, #tpu.memory_space<vmem>> -> memref<128xi32, #tpu.memory_space<vmem>>
        %dma_start3A_93 = arith.constant 0 : i32
        %dma_start3A_94 = arith.constant 0 : i32
        %dma_start3A_95 = tpu.memref_slice %arg12[%dma_start3A_93, %dma_start3A_94] : memref<10112x16xf32, #tpu.memory_space<vmem_shared>> -> memref<10112x16xf32, #tpu.memory_space<vmem_shared>>
        tpu.enqueue_indirect_dma source(%dma_start3A_89 : memref<128x16xf32, #tpu.memory_space<vmem>>) target(%dma_start3A_95 : memref<10112x16xf32, #tpu.memory_space<vmem_shared>>) offsets(%dma_start3A_92 : memref<128xi32, #tpu.memory_space<vmem>>) semaphore(%run_scoped3A_86 : memref<!tpu.dma_semaphore, #tpu.memory_space<semaphore_mem>>) {add = true}
        %dma_wait3A_96 = arith.constant 128 : i32
        %dma_wait3A_97 = arith.constant 0 : i32
        %dma_wait3A_98 = tpu.memref_slice %arg11[%dma_wait3A_96, %dma_wait3A_97] : memref<256x16xf32, #tpu.memory_space<vmem>> -> memref<128x16xf32, #tpu.memory_space<vmem>>
        %dma_wait3A_99 = arith.constant 0 : i32
        %dma_wait3A_100 = tpu.memref_slice %arg8[%run_scoped3A_85, %dma_wait3A_99] : memref<2x128xi32, #tpu.memory_space<vmem>> -> memref<1x128xi32, #tpu.memory_space<vmem>>
        %dma_wait3A_101 = tpu.memref_squeeze %dma_wait3A_100 : memref<1x128xi32, #tpu.memory_space<vmem>> -> memref<128xi32, #tpu.memory_space<vmem>>
        %dma_wait3A_102 = arith.constant 0 : i32
        %dma_wait3A_103 = arith.constant 0 : i32
        %dma_wait3A_104 = tpu.memref_slice %arg12[%dma_wait3A_102, %dma_wait3A_103] : memref<10112x16xf32, #tpu.memory_space<vmem_shared>> -> memref<10112x16xf32, #tpu.memory_space<vmem_shared>>
        tpu.wait_indirect_dma semaphore(%run_scoped3A_86 : memref<!tpu.dma_semaphore, #tpu.memory_space<semaphore_mem>>) src(%dma_wait3A_98 : memref<128x16xf32, #tpu.memory_space<vmem>>) dst(%dma_wait3A_104 : memref<10112x16xf32, #tpu.memory_space<vmem_shared>>)
        tpu.yield
      }) : () -> ()
    }
    %barrier3A_32 = arith.constant 0 : index
    tpu.barrier barrier_id(%barrier3A_32)
    %mul3A_33 = arith.constant 632 : i32
    %mul3A_34 = arith.muli %arg1, %mul3A_33 : i32
    %mul3A_35 = arith.constant 632 : i32
    %mul3A_36 = arith.muli %arg1, %mul3A_35 : i32
    "tpu.region"() ({
      %run_scoped3A = tpu.sem_alloc : memref<!tpu.dma_semaphore, #tpu.memory_space<semaphore_mem>>
      %dma_start3A = arith.constant 0 : i32
      %dma_start3A_37 = arith.constant 0 : i32
      %dma_start3A_38 = tpu.memref_slice %arg6[%arg0, %dma_start3A, %dma_start3A_37] : memref<2x10112x16xf32, #tpu.memory_space<hbm>> -> memref<1x10112x16xf32, #tpu.memory_space<hbm>>
      %dma_start3A_39 = tpu.memref_squeeze %dma_start3A_38 : memref<1x10112x16xf32, #tpu.memory_space<hbm>> -> memref<10112x16xf32, #tpu.memory_space<hbm>>
      %dma_start3A_40 = arith.constant 0 : i32
      %dma_start3A_41 = tpu.memref_slice %dma_start3A_39[%mul3A_36, %dma_start3A_40] : memref<10112x16xf32, #tpu.memory_space<hbm>> -> memref<632x16xf32, #tpu.memory_space<hbm>>
      %dma_start3A_42 = arith.constant 0 : i32
      %dma_start3A_43 = tpu.memref_slice %arg12[%mul3A_34, %dma_start3A_42] : memref<10112x16xf32, #tpu.memory_space<vmem_shared>> -> memref<632x16xf32, #tpu.memory_space<vmem_shared>>
      tpu.enqueue_dma source(%dma_start3A_43 : memref<632x16xf32, #tpu.memory_space<vmem_shared>>) target(%dma_start3A_41 : memref<632x16xf32, #tpu.memory_space<hbm>>) target_semaphore(%run_scoped3A : memref<!tpu.dma_semaphore, #tpu.memory_space<semaphore_mem>>)
      %dma_wait3A = arith.constant 0 : i32
      %dma_wait3A_44 = arith.constant 0 : i32
      %dma_wait3A_45 = tpu.memref_slice %arg6[%arg0, %dma_wait3A, %dma_wait3A_44] : memref<2x10112x16xf32, #tpu.memory_space<hbm>> -> memref<1x10112x16xf32, #tpu.memory_space<hbm>>
      %dma_wait3A_46 = tpu.memref_squeeze %dma_wait3A_45 : memref<1x10112x16xf32, #tpu.memory_space<hbm>> -> memref<10112x16xf32, #tpu.memory_space<hbm>>
      %dma_wait3A_47 = arith.constant 0 : i32
      %dma_wait3A_48 = tpu.memref_slice %dma_wait3A_46[%mul3A_36, %dma_wait3A_47] : memref<10112x16xf32, #tpu.memory_space<hbm>> -> memref<632x16xf32, #tpu.memory_space<hbm>>
      %dma_wait3A_49 = arith.constant 0 : i32
      %dma_wait3A_50 = tpu.memref_slice %arg12[%mul3A_34, %dma_wait3A_49] : memref<10112x16xf32, #tpu.memory_space<vmem_shared>> -> memref<632x16xf32, #tpu.memory_space<vmem_shared>>
      tpu.wait_dma2 semaphore(%run_scoped3A : memref<!tpu.dma_semaphore, #tpu.memory_space<semaphore_mem>>) src(%dma_wait3A_50 : memref<632x16xf32, #tpu.memory_space<vmem_shared>>) dst(%dma_wait3A_48 : memref<632x16xf32, #tpu.memory_space<hbm>>)
      tpu.yield
    }) : () -> ()
    return
  }
}

#map = affine_map<(d0, d1) -> (0, 0)>
module attributes {stable_mosaic.version = 14 : i64} {
  func.func @sc_ep(%arg0: i32, %arg1: i32, %arg2: memref<10000x16xf32, #tpu.memory_space<hbm>>, %arg3: memref<163840x16xf32, #tpu.memory_space<hbm>>, %arg4: memref<1280x128xi32, #tpu.memory_space<hbm>>, %arg5: memref<163840x16xf32, #tpu.memory_space<hbm>>, %arg6: memref<4x128xi32, #tpu.memory_space<vmem>>, %arg7: memref<512x16xf32, #tpu.memory_space<vmem>>, %arg8: memref<512x16xf32, #tpu.memory_space<vmem>>, %arg9: memref<512x16xf32, #tpu.memory_space<vmem>>, %arg10: memref<!tpu.dma_semaphore, #tpu.memory_space<semaphore_mem>>) attributes {dimension_semantics = [#tpu.dimension_semantics<core_parallel>, #tpu.dimension_semantics<subcore_parallel>], iteration_bounds = array<i64: 2, 16>, scalar_prefetch = 0 : i64, scratch_operands = 5 : i64, tpu.core_type = #tpu.core_type<sc_vector_subcore>, window_params = [{transform_indices = #map}, {transform_indices = #map}, {transform_indices = #map}, {transform_indices = #map}]} {
    %eq3A = arith.constant 0 : i32
    %eq3A_0 = arith.cmpi eq, %arg0, %eq3A : i32
    %mul3A = arith.constant 10 : i32
    %mul3A_1 = arith.muli %arg1, %mul3A : i32
    %mul3A_2 = arith.constant 10 : i32
    %mul3A_3 = arith.muli %arg1, %mul3A_2 : i32
    %add3A = arith.constant 160 : i32
    %add3A_4 = arith.addi %add3A, %mul3A_3 : i32
    %select_n3A = arith.select %eq3A_0, %mul3A_1, %add3A_4 : i32
    %eq3A_5 = arith.constant 0 : i32
    %eq3A_6 = arith.cmpi eq, %arg0, %eq3A_5 : i32
    %jit3A = arith.constant 10 : i32
    %jit3A_7 = arith.constant 10 : i32
    %select_n3A_8 = arith.select %eq3A_6, %jit3A, %jit3A_7 : i32
    %while3A = arith.constant 0 : i32
    %while3A_9 = arith.constant 0 : i32
    %while3A_10 = arith.subi %select_n3A_8, %while3A_9 : i32
    %while3A_11 = arith.addi %while3A_9, %while3A_10 : i32
    %while3A_12 = arith.constant 1 : i32
    %while3A_13 = arith.divsi %while3A_10, %while3A_12 : i32
    %while3A_14 = arith.muli %while3A_13, %while3A_12 : i32
    %while3A_15 = arith.addi %while3A_9, %while3A_14 : i32
    %while3A_16 = arith.constant 1 : i32
    scf.for %while3A_18 = %while3A_9 to %while3A_15 step %while3A_16  : i32 {
      %add3A_19 = arith.addi %select_n3A, %while3A_18 : i32
      %mul3A_20 = arith.constant 512 : i32
      %mul3A_21 = arith.muli %add3A_19, %mul3A_20 : i32
      %add3A_22 = arith.addi %select_n3A, %while3A_18 : i32
      %mul3A_23 = arith.constant 4 : i32
      %mul3A_24 = arith.muli %add3A_22, %mul3A_23 : i32
      "tpu.region"() ({
        %run_scoped3A = tpu.sem_alloc : memref<!tpu.dma_semaphore, #tpu.memory_space<semaphore_mem>>
        %dma_start3A_105 = arith.constant 0 : i32
        %dma_start3A_106 = tpu.memref_slice %arg4[%mul3A_24, %dma_start3A_105] : memref<1280x128xi32, #tpu.memory_space<hbm>> -> memref<4x128xi32, #tpu.memory_space<hbm>>
        %dma_start3A_107 = arith.constant 0 : i32
        %dma_start3A_108 = tpu.memref_slice %arg4[%mul3A_24, %dma_start3A_107] : memref<1280x128xi32, #tpu.memory_space<hbm>> -> memref<4x128xi32, #tpu.memory_space<hbm>>
        tpu.enqueue_dma source(%dma_start3A_108 : memref<4x128xi32, #tpu.memory_space<hbm>>) target(%arg6 : memref<4x128xi32, #tpu.memory_space<vmem>>) target_semaphore(%run_scoped3A : memref<!tpu.dma_semaphore, #tpu.memory_space<semaphore_mem>>)
        %dma_wait3A_109 = arith.constant 0 : i32
        %dma_wait3A_110 = tpu.memref_slice %arg4[%mul3A_24, %dma_wait3A_109] : memref<1280x128xi32, #tpu.memory_space<hbm>> -> memref<4x128xi32, #tpu.memory_space<hbm>>
        %dma_wait3A_111 = arith.constant 0 : i32
        %dma_wait3A_112 = tpu.memref_slice %arg4[%mul3A_24, %dma_wait3A_111] : memref<1280x128xi32, #tpu.memory_space<hbm>> -> memref<4x128xi32, #tpu.memory_space<hbm>>
        tpu.wait_dma2 semaphore(%run_scoped3A : memref<!tpu.dma_semaphore, #tpu.memory_space<semaphore_mem>>) src(%dma_wait3A_112 : memref<4x128xi32, #tpu.memory_space<hbm>>) dst(%arg6 : memref<4x128xi32, #tpu.memory_space<vmem>>)
        tpu.yield
      }) : () -> ()
      "tpu.region"() ({
        %run_scoped3A = tpu.sem_alloc : memref<!tpu.dma_semaphore, #tpu.memory_space<semaphore_mem>>
        %dma_start3A_105 = arith.constant 0 : i32
        %dma_start3A_106 = tpu.memref_slice %arg3[%mul3A_21, %dma_start3A_105] : memref<163840x16xf32, #tpu.memory_space<hbm>> -> memref<512x16xf32, #tpu.memory_space<hbm>>
        %dma_start3A_107 = arith.constant 0 : i32
        %dma_start3A_108 = tpu.memref_slice %arg3[%mul3A_21, %dma_start3A_107] : memref<163840x16xf32, #tpu.memory_space<hbm>> -> memref<512x16xf32, #tpu.memory_space<hbm>>
        tpu.enqueue_dma source(%dma_start3A_108 : memref<512x16xf32, #tpu.memory_space<hbm>>) target(%arg7 : memref<512x16xf32, #tpu.memory_space<vmem>>) target_semaphore(%run_scoped3A : memref<!tpu.dma_semaphore, #tpu.memory_space<semaphore_mem>>)
        %dma_wait3A_109 = arith.constant 0 : i32
        %dma_wait3A_110 = tpu.memref_slice %arg3[%mul3A_21, %dma_wait3A_109] : memref<163840x16xf32, #tpu.memory_space<hbm>> -> memref<512x16xf32, #tpu.memory_space<hbm>>
        %dma_wait3A_111 = arith.constant 0 : i32
        %dma_wait3A_112 = tpu.memref_slice %arg3[%mul3A_21, %dma_wait3A_111] : memref<163840x16xf32, #tpu.memory_space<hbm>> -> memref<512x16xf32, #tpu.memory_space<hbm>>
        tpu.wait_dma2 semaphore(%run_scoped3A : memref<!tpu.dma_semaphore, #tpu.memory_space<semaphore_mem>>) src(%dma_wait3A_112 : memref<512x16xf32, #tpu.memory_space<hbm>>) dst(%arg7 : memref<512x16xf32, #tpu.memory_space<vmem>>)
        tpu.yield
      }) : () -> ()
      %dma_start3A = arith.constant 0 : i32
      %dma_start3A_25 = arith.constant 0 : i32
      %dma_start3A_26 = arith.constant 0 : i32
      %dma_start3A_27 = tpu.memref_slice %arg8[%dma_start3A_25, %dma_start3A_26] : memref<512x16xf32, #tpu.memory_space<vmem>> -> memref<128x16xf32, #tpu.memory_space<vmem>>
      %dma_start3A_28 = arith.constant 0 : i32
      %dma_start3A_29 = tpu.memref_slice %arg6[%dma_start3A, %dma_start3A_28] : memref<4x128xi32, #tpu.memory_space<vmem>> -> memref<1x128xi32, #tpu.memory_space<vmem>>
      %dma_start3A_30 = tpu.memref_squeeze %dma_start3A_29 : memref<1x128xi32, #tpu.memory_space<vmem>> -> memref<128xi32, #tpu.memory_space<vmem>>
      %dma_start3A_31 = arith.constant 0 : i32
      %dma_start3A_32 = arith.constant 0 : i32
      %dma_start3A_33 = tpu.memref_slice %arg2[%dma_start3A_31, %dma_start3A_32] : memref<10000x16xf32, #tpu.memory_space<hbm>> -> memref<10000x16xf32, #tpu.memory_space<hbm>>
      tpu.enqueue_indirect_dma source(%dma_start3A_33 : memref<10000x16xf32, #tpu.memory_space<hbm>>) target(%dma_start3A_27 : memref<128x16xf32, #tpu.memory_space<vmem>>) offsets(%dma_start3A_30 : memref<128xi32, #tpu.memory_space<vmem>>) semaphore(%arg10 : memref<!tpu.dma_semaphore, #tpu.memory_space<semaphore_mem>>)
      %dma_start3A_34 = arith.constant 1 : i32
      %dma_start3A_35 = arith.constant 128 : i32
      %dma_start3A_36 = arith.constant 0 : i32
      %dma_start3A_37 = tpu.memref_slice %arg8[%dma_start3A_35, %dma_start3A_36] : memref<512x16xf32, #tpu.memory_space<vmem>> -> memref<128x16xf32, #tpu.memory_space<vmem>>
      %dma_start3A_38 = arith.constant 0 : i32
      %dma_start3A_39 = tpu.memref_slice %arg6[%dma_start3A_34, %dma_start3A_38] : memref<4x128xi32, #tpu.memory_space<vmem>> -> memref<1x128xi32, #tpu.memory_space<vmem>>
      %dma_start3A_40 = tpu.memref_squeeze %dma_start3A_39 : memref<1x128xi32, #tpu.memory_space<vmem>> -> memref<128xi32, #tpu.memory_space<vmem>>
      %dma_start3A_41 = arith.constant 0 : i32
      %dma_start3A_42 = arith.constant 0 : i32
      %dma_start3A_43 = tpu.memref_slice %arg2[%dma_start3A_41, %dma_start3A_42] : memref<10000x16xf32, #tpu.memory_space<hbm>> -> memref<10000x16xf32, #tpu.memory_space<hbm>>
      tpu.enqueue_indirect_dma source(%dma_start3A_43 : memref<10000x16xf32, #tpu.memory_space<hbm>>) target(%dma_start3A_37 : memref<128x16xf32, #tpu.memory_space<vmem>>) offsets(%dma_start3A_40 : memref<128xi32, #tpu.memory_space<vmem>>) semaphore(%arg10 : memref<!tpu.dma_semaphore, #tpu.memory_space<semaphore_mem>>)
      %dma_start3A_44 = arith.constant 2 : i32
      %dma_start3A_45 = arith.constant 256 : i32
      %dma_start3A_46 = arith.constant 0 : i32
      %dma_start3A_47 = tpu.memref_slice %arg8[%dma_start3A_45, %dma_start3A_46] : memref<512x16xf32, #tpu.memory_space<vmem>> -> memref<128x16xf32, #tpu.memory_space<vmem>>
      %dma_start3A_48 = arith.constant 0 : i32
      %dma_start3A_49 = tpu.memref_slice %arg6[%dma_start3A_44, %dma_start3A_48] : memref<4x128xi32, #tpu.memory_space<vmem>> -> memref<1x128xi32, #tpu.memory_space<vmem>>
      %dma_start3A_50 = tpu.memref_squeeze %dma_start3A_49 : memref<1x128xi32, #tpu.memory_space<vmem>> -> memref<128xi32, #tpu.memory_space<vmem>>
      %dma_start3A_51 = arith.constant 0 : i32
      %dma_start3A_52 = arith.constant 0 : i32
      %dma_start3A_53 = tpu.memref_slice %arg2[%dma_start3A_51, %dma_start3A_52] : memref<10000x16xf32, #tpu.memory_space<hbm>> -> memref<10000x16xf32, #tpu.memory_space<hbm>>
      tpu.enqueue_indirect_dma source(%dma_start3A_53 : memref<10000x16xf32, #tpu.memory_space<hbm>>) target(%dma_start3A_47 : memref<128x16xf32, #tpu.memory_space<vmem>>) offsets(%dma_start3A_50 : memref<128xi32, #tpu.memory_space<vmem>>) semaphore(%arg10 : memref<!tpu.dma_semaphore, #tpu.memory_space<semaphore_mem>>)
      %dma_start3A_54 = arith.constant 3 : i32
      %dma_start3A_55 = arith.constant 384 : i32
      %dma_start3A_56 = arith.constant 0 : i32
      %dma_start3A_57 = tpu.memref_slice %arg8[%dma_start3A_55, %dma_start3A_56] : memref<512x16xf32, #tpu.memory_space<vmem>> -> memref<128x16xf32, #tpu.memory_space<vmem>>
      %dma_start3A_58 = arith.constant 0 : i32
      %dma_start3A_59 = tpu.memref_slice %arg6[%dma_start3A_54, %dma_start3A_58] : memref<4x128xi32, #tpu.memory_space<vmem>> -> memref<1x128xi32, #tpu.memory_space<vmem>>
      %dma_start3A_60 = tpu.memref_squeeze %dma_start3A_59 : memref<1x128xi32, #tpu.memory_space<vmem>> -> memref<128xi32, #tpu.memory_space<vmem>>
      %dma_start3A_61 = arith.constant 0 : i32
      %dma_start3A_62 = arith.constant 0 : i32
      %dma_start3A_63 = tpu.memref_slice %arg2[%dma_start3A_61, %dma_start3A_62] : memref<10000x16xf32, #tpu.memory_space<hbm>> -> memref<10000x16xf32, #tpu.memory_space<hbm>>
      tpu.enqueue_indirect_dma source(%dma_start3A_63 : memref<10000x16xf32, #tpu.memory_space<hbm>>) target(%dma_start3A_57 : memref<128x16xf32, #tpu.memory_space<vmem>>) offsets(%dma_start3A_60 : memref<128xi32, #tpu.memory_space<vmem>>) semaphore(%arg10 : memref<!tpu.dma_semaphore, #tpu.memory_space<semaphore_mem>>)
      %dma_wait3A = arith.constant 0 : i32
      %dma_wait3A_64 = arith.constant 0 : i32
      %dma_wait3A_65 = arith.constant 0 : i32
      %dma_wait3A_66 = tpu.memref_slice %arg8[%dma_wait3A_64, %dma_wait3A_65] : memref<512x16xf32, #tpu.memory_space<vmem>> -> memref<128x16xf32, #tpu.memory_space<vmem>>
      %dma_wait3A_67 = arith.constant 0 : i32
      %dma_wait3A_68 = tpu.memref_slice %arg6[%dma_wait3A, %dma_wait3A_67] : memref<4x128xi32, #tpu.memory_space<vmem>> -> memref<1x128xi32, #tpu.memory_space<vmem>>
      %dma_wait3A_69 = tpu.memref_squeeze %dma_wait3A_68 : memref<1x128xi32, #tpu.memory_space<vmem>> -> memref<128xi32, #tpu.memory_space<vmem>>
      %dma_wait3A_70 = arith.constant 0 : i32
      %dma_wait3A_71 = arith.constant 0 : i32
      %dma_wait3A_72 = tpu.memref_slice %arg2[%dma_wait3A_70, %dma_wait3A_71] : memref<10000x16xf32, #tpu.memory_space<hbm>> -> memref<10000x16xf32, #tpu.memory_space<hbm>>
      tpu.wait_indirect_dma semaphore(%arg10 : memref<!tpu.dma_semaphore, #tpu.memory_space<semaphore_mem>>) src(%dma_wait3A_72 : memref<10000x16xf32, #tpu.memory_space<hbm>>) dst(%dma_wait3A_66 : memref<128x16xf32, #tpu.memory_space<vmem>>)
      %dma_wait3A_73 = arith.constant 1 : i32
      %dma_wait3A_74 = arith.constant 128 : i32
      %dma_wait3A_75 = arith.constant 0 : i32
      %dma_wait3A_76 = tpu.memref_slice %arg8[%dma_wait3A_74, %dma_wait3A_75] : memref<512x16xf32, #tpu.memory_space<vmem>> -> memref<128x16xf32, #tpu.memory_space<vmem>>
      %dma_wait3A_77 = arith.constant 0 : i32
      %dma_wait3A_78 = tpu.memref_slice %arg6[%dma_wait3A_73, %dma_wait3A_77] : memref<4x128xi32, #tpu.memory_space<vmem>> -> memref<1x128xi32, #tpu.memory_space<vmem>>
      %dma_wait3A_79 = tpu.memref_squeeze %dma_wait3A_78 : memref<1x128xi32, #tpu.memory_space<vmem>> -> memref<128xi32, #tpu.memory_space<vmem>>
      %dma_wait3A_80 = arith.constant 0 : i32
      %dma_wait3A_81 = arith.constant 0 : i32
      %dma_wait3A_82 = tpu.memref_slice %arg2[%dma_wait3A_80, %dma_wait3A_81] : memref<10000x16xf32, #tpu.memory_space<hbm>> -> memref<10000x16xf32, #tpu.memory_space<hbm>>
      tpu.wait_indirect_dma semaphore(%arg10 : memref<!tpu.dma_semaphore, #tpu.memory_space<semaphore_mem>>) src(%dma_wait3A_82 : memref<10000x16xf32, #tpu.memory_space<hbm>>) dst(%dma_wait3A_76 : memref<128x16xf32, #tpu.memory_space<vmem>>)
      %dma_wait3A_83 = arith.constant 2 : i32
      %dma_wait3A_84 = arith.constant 256 : i32
      %dma_wait3A_85 = arith.constant 0 : i32
      %dma_wait3A_86 = tpu.memref_slice %arg8[%dma_wait3A_84, %dma_wait3A_85] : memref<512x16xf32, #tpu.memory_space<vmem>> -> memref<128x16xf32, #tpu.memory_space<vmem>>
      %dma_wait3A_87 = arith.constant 0 : i32
      %dma_wait3A_88 = tpu.memref_slice %arg6[%dma_wait3A_83, %dma_wait3A_87] : memref<4x128xi32, #tpu.memory_space<vmem>> -> memref<1x128xi32, #tpu.memory_space<vmem>>
      %dma_wait3A_89 = tpu.memref_squeeze %dma_wait3A_88 : memref<1x128xi32, #tpu.memory_space<vmem>> -> memref<128xi32, #tpu.memory_space<vmem>>
      %dma_wait3A_90 = arith.constant 0 : i32
      %dma_wait3A_91 = arith.constant 0 : i32
      %dma_wait3A_92 = tpu.memref_slice %arg2[%dma_wait3A_90, %dma_wait3A_91] : memref<10000x16xf32, #tpu.memory_space<hbm>> -> memref<10000x16xf32, #tpu.memory_space<hbm>>
      tpu.wait_indirect_dma semaphore(%arg10 : memref<!tpu.dma_semaphore, #tpu.memory_space<semaphore_mem>>) src(%dma_wait3A_92 : memref<10000x16xf32, #tpu.memory_space<hbm>>) dst(%dma_wait3A_86 : memref<128x16xf32, #tpu.memory_space<vmem>>)
      %dma_wait3A_93 = arith.constant 3 : i32
      %dma_wait3A_94 = arith.constant 384 : i32
      %dma_wait3A_95 = arith.constant 0 : i32
      %dma_wait3A_96 = tpu.memref_slice %arg8[%dma_wait3A_94, %dma_wait3A_95] : memref<512x16xf32, #tpu.memory_space<vmem>> -> memref<128x16xf32, #tpu.memory_space<vmem>>
      %dma_wait3A_97 = arith.constant 0 : i32
      %dma_wait3A_98 = tpu.memref_slice %arg6[%dma_wait3A_93, %dma_wait3A_97] : memref<4x128xi32, #tpu.memory_space<vmem>> -> memref<1x128xi32, #tpu.memory_space<vmem>>
      %dma_wait3A_99 = tpu.memref_squeeze %dma_wait3A_98 : memref<1x128xi32, #tpu.memory_space<vmem>> -> memref<128xi32, #tpu.memory_space<vmem>>
      %dma_wait3A_100 = arith.constant 0 : i32
      %dma_wait3A_101 = arith.constant 0 : i32
      %dma_wait3A_102 = tpu.memref_slice %arg2[%dma_wait3A_100, %dma_wait3A_101] : memref<10000x16xf32, #tpu.memory_space<hbm>> -> memref<10000x16xf32, #tpu.memory_space<hbm>>
      tpu.wait_indirect_dma semaphore(%arg10 : memref<!tpu.dma_semaphore, #tpu.memory_space<semaphore_mem>>) src(%dma_wait3A_102 : memref<10000x16xf32, #tpu.memory_space<hbm>>) dst(%dma_wait3A_96 : memref<128x16xf32, #tpu.memory_space<vmem>>)
      %parallel_loop3A = arith.constant 0 : i32
      %parallel_loop3A_103 = arith.constant 512 : i32
      %parallel_loop3A_104 = arith.constant 1 : i32
      scf.for %parallel_loop3A_105 = %parallel_loop3A to %parallel_loop3A_103 step %parallel_loop3A_104  : i32 {
        %parallel_loop3A_106 = arith.index_cast %parallel_loop3A_105 : i32 to index
        %parallel_loop3A_107 = arith.constant 0 : index
        %parallel_loop3A_108 = tpu.vector_load %arg7[%parallel_loop3A_106, %parallel_loop3A_107] {strides = array<i32>} : memref<512x16xf32, #tpu.memory_space<vmem>>, vector<1x16xf32>,
        %parallel_loop3A_109 = vector.shape_cast %parallel_loop3A_108 : vector<1x16xf32> to vector<16xf32>
        %parallel_loop3A_110 = arith.index_cast %parallel_loop3A_105 : i32 to index
        %parallel_loop3A_111 = arith.constant 0 : index
        %parallel_loop3A_112 = tpu.vector_load %arg8[%parallel_loop3A_110, %parallel_loop3A_111] {strides = array<i32>} : memref<512x16xf32, #tpu.memory_space<vmem>>, vector<1x16xf32>,
        %parallel_loop3A_113 = vector.shape_cast %parallel_loop3A_112 : vector<1x16xf32> to vector<16xf32>
        %parallel_loop3A_114 = arith.addf %parallel_loop3A_109, %parallel_loop3A_113 : vector<16xf32>
        %parallel_loop3A_115 = arith.constant 0.000000e+00 : f32
        %parallel_loop3A_116 = vector.broadcast %parallel_loop3A_115 : f32 to vector<16xf32>
        %parallel_loop3A_117 = arith.maximumf %parallel_loop3A_114, %parallel_loop3A_116 : vector<16xf32>
        %parallel_loop3A_118 = arith.index_cast %parallel_loop3A_105 : i32 to index
        %parallel_loop3A_119 = arith.constant 0 : index
        %parallel_loop3A_120 = tpu.vector_load %arg9[%parallel_loop3A_118, %parallel_loop3A_119] {strides = array<i32>} : memref<512x16xf32, #tpu.memory_space<vmem>>, vector<1x16xf32>,
        %parallel_loop3A_121 = vector.shape_cast %parallel_loop3A_120 : vector<1x16xf32> to vector<16xf32>
        %parallel_loop3A_122 = vector.shape_cast %parallel_loop3A_117 : vector<16xf32> to vector<1x16xf32>
        tpu.vector_store %arg9[%parallel_loop3A_118, %parallel_loop3A_119], %parallel_loop3A_122 {strides = array<i32>} : memref<512x16xf32, #tpu.memory_space<vmem>>, vector<1x16xf32>,
      } {sc.loop_unroll_factor = 8 : i64, sc.parallel_access}
      "tpu.region"() ({
        %run_scoped3A = tpu.sem_alloc : memref<!tpu.dma_semaphore, #tpu.memory_space<semaphore_mem>>
        %dma_start3A_105 = arith.constant 0 : i32
        %dma_start3A_106 = tpu.memref_slice %arg5[%mul3A_21, %dma_start3A_105] : memref<163840x16xf32, #tpu.memory_space<hbm>> -> memref<512x16xf32, #tpu.memory_space<hbm>>
        %dma_start3A_107 = arith.constant 0 : i32
        %dma_start3A_108 = tpu.memref_slice %arg5[%mul3A_21, %dma_start3A_107] : memref<163840x16xf32, #tpu.memory_space<hbm>> -> memref<512x16xf32, #tpu.memory_space<hbm>>
        tpu.enqueue_dma source(%arg9 : memref<512x16xf32, #tpu.memory_space<vmem>>) target(%dma_start3A_108 : memref<512x16xf32, #tpu.memory_space<hbm>>) target_semaphore(%run_scoped3A : memref<!tpu.dma_semaphore, #tpu.memory_space<semaphore_mem>>)
        %dma_wait3A_109 = arith.constant 0 : i32
        %dma_wait3A_110 = tpu.memref_slice %arg5[%mul3A_21, %dma_wait3A_109] : memref<163840x16xf32, #tpu.memory_space<hbm>> -> memref<512x16xf32, #tpu.memory_space<hbm>>
        %dma_wait3A_111 = arith.constant 0 : i32
        %dma_wait3A_112 = tpu.memref_slice %arg5[%mul3A_21, %dma_wait3A_111] : memref<163840x16xf32, #tpu.memory_space<hbm>> -> memref<512x16xf32, #tpu.memory_space<hbm>>
        tpu.wait_dma2 semaphore(%run_scoped3A : memref<!tpu.dma_semaphore, #tpu.memory_space<semaphore_mem>>) src(%arg9 : memref<512x16xf32, #tpu.memory_space<vmem>>) dst(%dma_wait3A_112 : memref<512x16xf32, #tpu.memory_space<hbm>>)
        tpu.yield
      }) : () -> ()
    }
    %while3A_17 = arith.constant 1 : i32
    scf.for %while3A_18 = %while3A_15 to %while3A_11 step %while3A_17  : i32 {
      %add3A_19 = arith.addi %select_n3A, %while3A_18 : i32
      %mul3A_20 = arith.constant 512 : i32
      %mul3A_21 = arith.muli %add3A_19, %mul3A_20 : i32
      %add3A_22 = arith.addi %select_n3A, %while3A_18 : i32
      %mul3A_23 = arith.constant 4 : i32
      %mul3A_24 = arith.muli %add3A_22, %mul3A_23 : i32
      "tpu.region"() ({
        %run_scoped3A = tpu.sem_alloc : memref<!tpu.dma_semaphore, #tpu.memory_space<semaphore_mem>>
        %dma_start3A_105 = arith.constant 0 : i32
        %dma_start3A_106 = tpu.memref_slice %arg4[%mul3A_24, %dma_start3A_105] : memref<1280x128xi32, #tpu.memory_space<hbm>> -> memref<4x128xi32, #tpu.memory_space<hbm>>
        %dma_start3A_107 = arith.constant 0 : i32
        %dma_start3A_108 = tpu.memref_slice %arg4[%mul3A_24, %dma_start3A_107] : memref<1280x128xi32, #tpu.memory_space<hbm>> -> memref<4x128xi32, #tpu.memory_space<hbm>>
        tpu.enqueue_dma source(%dma_start3A_108 : memref<4x128xi32, #tpu.memory_space<hbm>>) target(%arg6 : memref<4x128xi32, #tpu.memory_space<vmem>>) target_semaphore(%run_scoped3A : memref<!tpu.dma_semaphore, #tpu.memory_space<semaphore_mem>>)
        %dma_wait3A_109 = arith.constant 0 : i32
        %dma_wait3A_110 = tpu.memref_slice %arg4[%mul3A_24, %dma_wait3A_109] : memref<1280x128xi32, #tpu.memory_space<hbm>> -> memref<4x128xi32, #tpu.memory_space<hbm>>
        %dma_wait3A_111 = arith.constant 0 : i32
        %dma_wait3A_112 = tpu.memref_slice %arg4[%mul3A_24, %dma_wait3A_111] : memref<1280x128xi32, #tpu.memory_space<hbm>> -> memref<4x128xi32, #tpu.memory_space<hbm>>
        tpu.wait_dma2 semaphore(%run_scoped3A : memref<!tpu.dma_semaphore, #tpu.memory_space<semaphore_mem>>) src(%dma_wait3A_112 : memref<4x128xi32, #tpu.memory_space<hbm>>) dst(%arg6 : memref<4x128xi32, #tpu.memory_space<vmem>>)
        tpu.yield
      }) : () -> ()
      "tpu.region"() ({
        %run_scoped3A = tpu.sem_alloc : memref<!tpu.dma_semaphore, #tpu.memory_space<semaphore_mem>>
        %dma_start3A_105 = arith.constant 0 : i32
        %dma_start3A_106 = tpu.memref_slice %arg3[%mul3A_21, %dma_start3A_105] : memref<163840x16xf32, #tpu.memory_space<hbm>> -> memref<512x16xf32, #tpu.memory_space<hbm>>
        %dma_start3A_107 = arith.constant 0 : i32
        %dma_start3A_108 = tpu.memref_slice %arg3[%mul3A_21, %dma_start3A_107] : memref<163840x16xf32, #tpu.memory_space<hbm>> -> memref<512x16xf32, #tpu.memory_space<hbm>>
        tpu.enqueue_dma source(%dma_start3A_108 : memref<512x16xf32, #tpu.memory_space<hbm>>) target(%arg7 : memref<512x16xf32, #tpu.memory_space<vmem>>) target_semaphore(%run_scoped3A : memref<!tpu.dma_semaphore, #tpu.memory_space<semaphore_mem>>)
        %dma_wait3A_109 = arith.constant 0 : i32
        %dma_wait3A_110 = tpu.memref_slice %arg3[%mul3A_21, %dma_wait3A_109] : memref<163840x16xf32, #tpu.memory_space<hbm>> -> memref<512x16xf32, #tpu.memory_space<hbm>>
        %dma_wait3A_111 = arith.constant 0 : i32
        %dma_wait3A_112 = tpu.memref_slice %arg3[%mul3A_21, %dma_wait3A_111] : memref<163840x16xf32, #tpu.memory_space<hbm>> -> memref<512x16xf32, #tpu.memory_space<hbm>>
        tpu.wait_dma2 semaphore(%run_scoped3A : memref<!tpu.dma_semaphore, #tpu.memory_space<semaphore_mem>>) src(%dma_wait3A_112 : memref<512x16xf32, #tpu.memory_space<hbm>>) dst(%arg7 : memref<512x16xf32, #tpu.memory_space<vmem>>)
        tpu.yield
      }) : () -> ()
      %dma_start3A = arith.constant 0 : i32
      %dma_start3A_25 = arith.constant 0 : i32
      %dma_start3A_26 = arith.constant 0 : i32
      %dma_start3A_27 = tpu.memref_slice %arg8[%dma_start3A_25, %dma_start3A_26] : memref<512x16xf32, #tpu.memory_space<vmem>> -> memref<128x16xf32, #tpu.memory_space<vmem>>
      %dma_start3A_28 = arith.constant 0 : i32
      %dma_start3A_29 = tpu.memref_slice %arg6[%dma_start3A, %dma_start3A_28] : memref<4x128xi32, #tpu.memory_space<vmem>> -> memref<1x128xi32, #tpu.memory_space<vmem>>
      %dma_start3A_30 = tpu.memref_squeeze %dma_start3A_29 : memref<1x128xi32, #tpu.memory_space<vmem>> -> memref<128xi32, #tpu.memory_space<vmem>>
      %dma_start3A_31 = arith.constant 0 : i32
      %dma_start3A_32 = arith.constant 0 : i32
      %dma_start3A_33 = tpu.memref_slice %arg2[%dma_start3A_31, %dma_start3A_32] : memref<10000x16xf32, #tpu.memory_space<hbm>> -> memref<10000x16xf32, #tpu.memory_space<hbm>>
      tpu.enqueue_indirect_dma source(%dma_start3A_33 : memref<10000x16xf32, #tpu.memory_space<hbm>>) target(%dma_start3A_27 : memref<128x16xf32, #tpu.memory_space<vmem>>) offsets(%dma_start3A_30 : memref<128xi32, #tpu.memory_space<vmem>>) semaphore(%arg10 : memref<!tpu.dma_semaphore, #tpu.memory_space<semaphore_mem>>)
      %dma_start3A_34 = arith.constant 1 : i32
      %dma_start3A_35 = arith.constant 128 : i32
      %dma_start3A_36 = arith.constant 0 : i32
      %dma_start3A_37 = tpu.memref_slice %arg8[%dma_start3A_35, %dma_start3A_36] : memref<512x16xf32, #tpu.memory_space<vmem>> -> memref<128x16xf32, #tpu.memory_space<vmem>>
      %dma_start3A_38 = arith.constant 0 : i32
      %dma_start3A_39 = tpu.memref_slice %arg6[%dma_start3A_34, %dma_start3A_38] : memref<4x128xi32, #tpu.memory_space<vmem>> -> memref<1x128xi32, #tpu.memory_space<vmem>>
      %dma_start3A_40 = tpu.memref_squeeze %dma_start3A_39 : memref<1x128xi32, #tpu.memory_space<vmem>> -> memref<128xi32, #tpu.memory_space<vmem>>
      %dma_start3A_41 = arith.constant 0 : i32
      %dma_start3A_42 = arith.constant 0 : i32
      %dma_start3A_43 = tpu.memref_slice %arg2[%dma_start3A_41, %dma_start3A_42] : memref<10000x16xf32, #tpu.memory_space<hbm>> -> memref<10000x16xf32, #tpu.memory_space<hbm>>
      tpu.enqueue_indirect_dma source(%dma_start3A_43 : memref<10000x16xf32, #tpu.memory_space<hbm>>) target(%dma_start3A_37 : memref<128x16xf32, #tpu.memory_space<vmem>>) offsets(%dma_start3A_40 : memref<128xi32, #tpu.memory_space<vmem>>) semaphore(%arg10 : memref<!tpu.dma_semaphore, #tpu.memory_space<semaphore_mem>>)
      %dma_start3A_44 = arith.constant 2 : i32
      %dma_start3A_45 = arith.constant 256 : i32
      %dma_start3A_46 = arith.constant 0 : i32
      %dma_start3A_47 = tpu.memref_slice %arg8[%dma_start3A_45, %dma_start3A_46] : memref<512x16xf32, #tpu.memory_space<vmem>> -> memref<128x16xf32, #tpu.memory_space<vmem>>
      %dma_start3A_48 = arith.constant 0 : i32
      %dma_start3A_49 = tpu.memref_slice %arg6[%dma_start3A_44, %dma_start3A_48] : memref<4x128xi32, #tpu.memory_space<vmem>> -> memref<1x128xi32, #tpu.memory_space<vmem>>
      %dma_start3A_50 = tpu.memref_squeeze %dma_start3A_49 : memref<1x128xi32, #tpu.memory_space<vmem>> -> memref<128xi32, #tpu.memory_space<vmem>>
      %dma_start3A_51 = arith.constant 0 : i32
      %dma_start3A_52 = arith.constant 0 : i32
      %dma_start3A_53 = tpu.memref_slice %arg2[%dma_start3A_51, %dma_start3A_52] : memref<10000x16xf32, #tpu.memory_space<hbm>> -> memref<10000x16xf32, #tpu.memory_space<hbm>>
      tpu.enqueue_indirect_dma source(%dma_start3A_53 : memref<10000x16xf32, #tpu.memory_space<hbm>>) target(%dma_start3A_47 : memref<128x16xf32, #tpu.memory_space<vmem>>) offsets(%dma_start3A_50 : memref<128xi32, #tpu.memory_space<vmem>>) semaphore(%arg10 : memref<!tpu.dma_semaphore, #tpu.memory_space<semaphore_mem>>)
      %dma_start3A_54 = arith.constant 3 : i32
      %dma_start3A_55 = arith.constant 384 : i32
      %dma_start3A_56 = arith.constant 0 : i32
      %dma_start3A_57 = tpu.memref_slice %arg8[%dma_start3A_55, %dma_start3A_56] : memref<512x16xf32, #tpu.memory_space<vmem>> -> memref<128x16xf32, #tpu.memory_space<vmem>>
      %dma_start3A_58 = arith.constant 0 : i32
      %dma_start3A_59 = tpu.memref_slice %arg6[%dma_start3A_54, %dma_start3A_58] : memref<4x128xi32, #tpu.memory_space<vmem>> -> memref<1x128xi32, #tpu.memory_space<vmem>>
      %dma_start3A_60 = tpu.memref_squeeze %dma_start3A_59 : memref<1x128xi32, #tpu.memory_space<vmem>> -> memref<128xi32, #tpu.memory_space<vmem>>
      %dma_start3A_61 = arith.constant 0 : i32
      %dma_start3A_62 = arith.constant 0 : i32
      %dma_start3A_63 = tpu.memref_slice %arg2[%dma_start3A_61, %dma_start3A_62] : memref<10000x16xf32, #tpu.memory_space<hbm>> -> memref<10000x16xf32, #tpu.memory_space<hbm>>
      tpu.enqueue_indirect_dma source(%dma_start3A_63 : memref<10000x16xf32, #tpu.memory_space<hbm>>) target(%dma_start3A_57 : memref<128x16xf32, #tpu.memory_space<vmem>>) offsets(%dma_start3A_60 : memref<128xi32, #tpu.memory_space<vmem>>) semaphore(%arg10 : memref<!tpu.dma_semaphore, #tpu.memory_space<semaphore_mem>>)
      %dma_wait3A = arith.constant 0 : i32
      %dma_wait3A_64 = arith.constant 0 : i32
      %dma_wait3A_65 = arith.constant 0 : i32
      %dma_wait3A_66 = tpu.memref_slice %arg8[%dma_wait3A_64, %dma_wait3A_65] : memref<512x16xf32, #tpu.memory_space<vmem>> -> memref<128x16xf32, #tpu.memory_space<vmem>>
      %dma_wait3A_67 = arith.constant 0 : i32
      %dma_wait3A_68 = tpu.memref_slice %arg6[%dma_wait3A, %dma_wait3A_67] : memref<4x128xi32, #tpu.memory_space<vmem>> -> memref<1x128xi32, #tpu.memory_space<vmem>>
      %dma_wait3A_69 = tpu.memref_squeeze %dma_wait3A_68 : memref<1x128xi32, #tpu.memory_space<vmem>> -> memref<128xi32, #tpu.memory_space<vmem>>
      %dma_wait3A_70 = arith.constant 0 : i32
      %dma_wait3A_71 = arith.constant 0 : i32
      %dma_wait3A_72 = tpu.memref_slice %arg2[%dma_wait3A_70, %dma_wait3A_71] : memref<10000x16xf32, #tpu.memory_space<hbm>> -> memref<10000x16xf32, #tpu.memory_space<hbm>>
      tpu.wait_indirect_dma semaphore(%arg10 : memref<!tpu.dma_semaphore, #tpu.memory_space<semaphore_mem>>) src(%dma_wait3A_72 : memref<10000x16xf32, #tpu.memory_space<hbm>>) dst(%dma_wait3A_66 : memref<128x16xf32, #tpu.memory_space<vmem>>)
      %dma_wait3A_73 = arith.constant 1 : i32
      %dma_wait3A_74 = arith.constant 128 : i32
      %dma_wait3A_75 = arith.constant 0 : i32
      %dma_wait3A_76 = tpu.memref_slice %arg8[%dma_wait3A_74, %dma_wait3A_75] : memref<512x16xf32, #tpu.memory_space<vmem>> -> memref<128x16xf32, #tpu.memory_space<vmem>>
      %dma_wait3A_77 = arith.constant 0 : i32
      %dma_wait3A_78 = tpu.memref_slice %arg6[%dma_wait3A_73, %dma_wait3A_77] : memref<4x128xi32, #tpu.memory_space<vmem>> -> memref<1x128xi32, #tpu.memory_space<vmem>>
      %dma_wait3A_79 = tpu.memref_squeeze %dma_wait3A_78 : memref<1x128xi32, #tpu.memory_space<vmem>> -> memref<128xi32, #tpu.memory_space<vmem>>
      %dma_wait3A_80 = arith.constant 0 : i32
      %dma_wait3A_81 = arith.constant 0 : i32
      %dma_wait3A_82 = tpu.memref_slice %arg2[%dma_wait3A_80, %dma_wait3A_81] : memref<10000x16xf32, #tpu.memory_space<hbm>> -> memref<10000x16xf32, #tpu.memory_space<hbm>>
      tpu.wait_indirect_dma semaphore(%arg10 : memref<!tpu.dma_semaphore, #tpu.memory_space<semaphore_mem>>) src(%dma_wait3A_82 : memref<10000x16xf32, #tpu.memory_space<hbm>>) dst(%dma_wait3A_76 : memref<128x16xf32, #tpu.memory_space<vmem>>)
      %dma_wait3A_83 = arith.constant 2 : i32
      %dma_wait3A_84 = arith.constant 256 : i32
      %dma_wait3A_85 = arith.constant 0 : i32
      %dma_wait3A_86 = tpu.memref_slice %arg8[%dma_wait3A_84, %dma_wait3A_85] : memref<512x16xf32, #tpu.memory_space<vmem>> -> memref<128x16xf32, #tpu.memory_space<vmem>>
      %dma_wait3A_87 = arith.constant 0 : i32
      %dma_wait3A_88 = tpu.memref_slice %arg6[%dma_wait3A_83, %dma_wait3A_87] : memref<4x128xi32, #tpu.memory_space<vmem>> -> memref<1x128xi32, #tpu.memory_space<vmem>>
      %dma_wait3A_89 = tpu.memref_squeeze %dma_wait3A_88 : memref<1x128xi32, #tpu.memory_space<vmem>> -> memref<128xi32, #tpu.memory_space<vmem>>
      %dma_wait3A_90 = arith.constant 0 : i32
      %dma_wait3A_91 = arith.constant 0 : i32
      %dma_wait3A_92 = tpu.memref_slice %arg2[%dma_wait3A_90, %dma_wait3A_91] : memref<10000x16xf32, #tpu.memory_space<hbm>> -> memref<10000x16xf32, #tpu.memory_space<hbm>>
      tpu.wait_indirect_dma semaphore(%arg10 : memref<!tpu.dma_semaphore, #tpu.memory_space<semaphore_mem>>) src(%dma_wait3A_92 : memref<10000x16xf32, #tpu.memory_space<hbm>>) dst(%dma_wait3A_86 : memref<128x16xf32, #tpu.memory_space<vmem>>)
      %dma_wait3A_93 = arith.constant 3 : i32
      %dma_wait3A_94 = arith.constant 384 : i32
      %dma_wait3A_95 = arith.constant 0 : i32
      %dma_wait3A_96 = tpu.memref_slice %arg8[%dma_wait3A_94, %dma_wait3A_95] : memref<512x16xf32, #tpu.memory_space<vmem>> -> memref<128x16xf32, #tpu.memory_space<vmem>>
      %dma_wait3A_97 = arith.constant 0 : i32
      %dma_wait3A_98 = tpu.memref_slice %arg6[%dma_wait3A_93, %dma_wait3A_97] : memref<4x128xi32, #tpu.memory_space<vmem>> -> memref<1x128xi32, #tpu.memory_space<vmem>>
      %dma_wait3A_99 = tpu.memref_squeeze %dma_wait3A_98 : memref<1x128xi32, #tpu.memory_space<vmem>> -> memref<128xi32, #tpu.memory_space<vmem>>
      %dma_wait3A_100 = arith.constant 0 : i32
      %dma_wait3A_101 = arith.constant 0 : i32
      %dma_wait3A_102 = tpu.memref_slice %arg2[%dma_wait3A_100, %dma_wait3A_101] : memref<10000x16xf32, #tpu.memory_space<hbm>> -> memref<10000x16xf32, #tpu.memory_space<hbm>>
      tpu.wait_indirect_dma semaphore(%arg10 : memref<!tpu.dma_semaphore, #tpu.memory_space<semaphore_mem>>) src(%dma_wait3A_102 : memref<10000x16xf32, #tpu.memory_space<hbm>>) dst(%dma_wait3A_96 : memref<128x16xf32, #tpu.memory_space<vmem>>)
      %parallel_loop3A = arith.constant 0 : i32
      %parallel_loop3A_103 = arith.constant 512 : i32
      %parallel_loop3A_104 = arith.constant 1 : i32
      scf.for %parallel_loop3A_105 = %parallel_loop3A to %parallel_loop3A_103 step %parallel_loop3A_104  : i32 {
        %parallel_loop3A_106 = arith.index_cast %parallel_loop3A_105 : i32 to index
        %parallel_loop3A_107 = arith.constant 0 : index
        %parallel_loop3A_108 = tpu.vector_load %arg7[%parallel_loop3A_106, %parallel_loop3A_107] {strides = array<i32>} : memref<512x16xf32, #tpu.memory_space<vmem>>, vector<1x16xf32>,
        %parallel_loop3A_109 = vector.shape_cast %parallel_loop3A_108 : vector<1x16xf32> to vector<16xf32>
        %parallel_loop3A_110 = arith.index_cast %parallel_loop3A_105 : i32 to index
        %parallel_loop3A_111 = arith.constant 0 : index
        %parallel_loop3A_112 = tpu.vector_load %arg8[%parallel_loop3A_110, %parallel_loop3A_111] {strides = array<i32>} : memref<512x16xf32, #tpu.memory_space<vmem>>, vector<1x16xf32>,
        %parallel_loop3A_113 = vector.shape_cast %parallel_loop3A_112 : vector<1x16xf32> to vector<16xf32>
        %parallel_loop3A_114 = arith.addf %parallel_loop3A_109, %parallel_loop3A_113 : vector<16xf32>
        %parallel_loop3A_115 = arith.constant 0.000000e+00 : f32
        %parallel_loop3A_116 = vector.broadcast %parallel_loop3A_115 : f32 to vector<16xf32>
        %parallel_loop3A_117 = arith.maximumf %parallel_loop3A_114, %parallel_loop3A_116 : vector<16xf32>
        %parallel_loop3A_118 = arith.index_cast %parallel_loop3A_105 : i32 to index
        %parallel_loop3A_119 = arith.constant 0 : index
        %parallel_loop3A_120 = tpu.vector_load %arg9[%parallel_loop3A_118, %parallel_loop3A_119] {strides = array<i32>} : memref<512x16xf32, #tpu.memory_space<vmem>>, vector<1x16xf32>,
        %parallel_loop3A_121 = vector.shape_cast %parallel_loop3A_120 : vector<1x16xf32> to vector<16xf32>
        %parallel_loop3A_122 = vector.shape_cast %parallel_loop3A_117 : vector<16xf32> to vector<1x16xf32>
        tpu.vector_store %arg9[%parallel_loop3A_118, %parallel_loop3A_119], %parallel_loop3A_122 {strides = array<i32>} : memref<512x16xf32, #tpu.memory_space<vmem>>, vector<1x16xf32>,
      } {sc.loop_unroll_factor = 8 : i64, sc.parallel_access}
      "tpu.region"() ({
        %run_scoped3A = tpu.sem_alloc : memref<!tpu.dma_semaphore, #tpu.memory_space<semaphore_mem>>
        %dma_start3A_105 = arith.constant 0 : i32
        %dma_start3A_106 = tpu.memref_slice %arg5[%mul3A_21, %dma_start3A_105] : memref<163840x16xf32, #tpu.memory_space<hbm>> -> memref<512x16xf32, #tpu.memory_space<hbm>>
        %dma_start3A_107 = arith.constant 0 : i32
        %dma_start3A_108 = tpu.memref_slice %arg5[%mul3A_21, %dma_start3A_107] : memref<163840x16xf32, #tpu.memory_space<hbm>> -> memref<512x16xf32, #tpu.memory_space<hbm>>
        tpu.enqueue_dma source(%arg9 : memref<512x16xf32, #tpu.memory_space<vmem>>) target(%dma_start3A_108 : memref<512x16xf32, #tpu.memory_space<hbm>>) target_semaphore(%run_scoped3A : memref<!tpu.dma_semaphore, #tpu.memory_space<semaphore_mem>>)
        %dma_wait3A_109 = arith.constant 0 : i32
        %dma_wait3A_110 = tpu.memref_slice %arg5[%mul3A_21, %dma_wait3A_109] : memref<163840x16xf32, #tpu.memory_space<hbm>> -> memref<512x16xf32, #tpu.memory_space<hbm>>
        %dma_wait3A_111 = arith.constant 0 : i32
        %dma_wait3A_112 = tpu.memref_slice %arg5[%mul3A_21, %dma_wait3A_111] : memref<163840x16xf32, #tpu.memory_space<hbm>> -> memref<512x16xf32, #tpu.memory_space<hbm>>
        tpu.wait_dma2 semaphore(%run_scoped3A : memref<!tpu.dma_semaphore, #tpu.memory_space<semaphore_mem>>) src(%arg9 : memref<512x16xf32, #tpu.memory_space<vmem>>) dst(%dma_wait3A_112 : memref<512x16xf32, #tpu.memory_space<hbm>>)
        tpu.yield
      }) : () -> ()
    }
    return
  }
}

#map = affine_map<(d0, d1) -> (0, 0)>
#map1 = affine_map<(d0, d1) -> (0, 0, 0)>
module attributes {stable_mosaic.version = 14 : i64} {
  func.func @sc_layer(%arg0: i32, %arg1: i32, %arg2: memref<10000x112xf32, #tpu.memory_space<hbm>>, %arg3: memref<163840x112xf32, #tpu.memory_space<hbm>>, %arg4: memref<1280x128xi32, #tpu.memory_space<hbm>>, %arg5: memref<1280x128xi32, #tpu.memory_space<hbm>>, %arg6: memref<2x10112x80xf32, #tpu.memory_space<hbm>>, %arg7: memref<2x128xi32, #tpu.memory_space<vmem>>, %arg8: memref<2x128xi32, #tpu.memory_space<vmem>>, %arg9: memref<256x112xf32, #tpu.memory_space<vmem>>, %arg10: memref<256x112xf32, #tpu.memory_space<vmem>>, %arg11: memref<256x80xf32, #tpu.memory_space<vmem>>, %arg12: memref<10112x80xf32, #tpu.memory_space<vmem_shared>>, %arg13: memref<!tpu.dma_semaphore, #tpu.memory_space<semaphore_mem>>) attributes {dimension_semantics = [#tpu.dimension_semantics<core_parallel>, #tpu.dimension_semantics<subcore_parallel>], iteration_bounds = array<i64: 2, 16>, scalar_prefetch = 0 : i64, scratch_operands = 7 : i64, tpu.core_type = #tpu.core_type<sc_vector_subcore>, window_params = [{transform_indices = #map}, {transform_indices = #map}, {transform_indices = #map}, {transform_indices = #map}, {transform_indices = #map1}]} {
    %eq3A = arith.constant 0 : i32
    %eq3A_0 = arith.cmpi eq, %arg0, %eq3A : i32
    %mul3A = arith.constant 20 : i32
    %mul3A_1 = arith.muli %arg1, %mul3A : i32
    %mul3A_2 = arith.constant 20 : i32
    %mul3A_3 = arith.muli %arg1, %mul3A_2 : i32
    %add3A = arith.constant 320 : i32
    %add3A_4 = arith.addi %add3A, %mul3A_3 : i32
    %select_n3A = arith.select %eq3A_0, %mul3A_1, %add3A_4 : i32
    %eq3A_5 = arith.constant 0 : i32
    %eq3A_6 = arith.cmpi eq, %arg0, %eq3A_5 : i32
    %jit3A = arith.constant 20 : i32
    %jit3A_7 = arith.constant 20 : i32
    %select_n3A_8 = arith.select %eq3A_6, %jit3A, %jit3A_7 : i32
    %parallel_loop3A = arith.constant 0 : i32
    %parallel_loop3A_9 = arith.constant 256 : i32
    %parallel_loop3A_10 = arith.constant 1 : i32
    scf.for %parallel_loop3A_37 = %parallel_loop3A to %parallel_loop3A_9 step %parallel_loop3A_10  : i32 {
      %parallel_loop3A_38 = arith.constant 0.000000e+00 : f32
      %parallel_loop3A_39 = vector.broadcast %parallel_loop3A_38 : f32 to vector<16xf32>
      %parallel_loop3A_40 = arith.index_cast %parallel_loop3A_37 : i32 to index
      %parallel_loop3A_41 = arith.constant 0 : index
      %parallel_loop3A_42 = tpu.vector_load %arg11[%parallel_loop3A_40, %parallel_loop3A_41] {strides = array<i32>} : memref<256x80xf32, #tpu.memory_space<vmem>>, vector<1x16xf32>,
      %parallel_loop3A_43 = vector.shape_cast %parallel_loop3A_42 : vector<1x16xf32> to vector<16xf32>
      %parallel_loop3A_44 = vector.shape_cast %parallel_loop3A_39 : vector<16xf32> to vector<1x16xf32>
      tpu.vector_store %arg11[%parallel_loop3A_40, %parallel_loop3A_41], %parallel_loop3A_44 {strides = array<i32>} : memref<256x80xf32, #tpu.memory_space<vmem>>, vector<1x16xf32>,
      %parallel_loop3A_45 = arith.constant 0.000000e+00 : f32
      %parallel_loop3A_46 = vector.broadcast %parallel_loop3A_45 : f32 to vector<16xf32>
      %parallel_loop3A_47 = arith.index_cast %parallel_loop3A_37 : i32 to index
      %parallel_loop3A_48 = arith.constant 16 : index
      %parallel_loop3A_49 = tpu.vector_load %arg11[%parallel_loop3A_47, %parallel_loop3A_48] {strides = array<i32>} : memref<256x80xf32, #tpu.memory_space<vmem>>, vector<1x16xf32>,
      %parallel_loop3A_50 = vector.shape_cast %parallel_loop3A_49 : vector<1x16xf32> to vector<16xf32>
      %parallel_loop3A_51 = vector.shape_cast %parallel_loop3A_46 : vector<16xf32> to vector<1x16xf32>
      tpu.vector_store %arg11[%parallel_loop3A_47, %parallel_loop3A_48], %parallel_loop3A_51 {strides = array<i32>} : memref<256x80xf32, #tpu.memory_space<vmem>>, vector<1x16xf32>,
      %parallel_loop3A_52 = arith.constant 0.000000e+00 : f32
      %parallel_loop3A_53 = vector.broadcast %parallel_loop3A_52 : f32 to vector<16xf32>
      %parallel_loop3A_54 = arith.index_cast %parallel_loop3A_37 : i32 to index
      %parallel_loop3A_55 = arith.constant 32 : index
      %parallel_loop3A_56 = tpu.vector_load %arg11[%parallel_loop3A_54, %parallel_loop3A_55] {strides = array<i32>} : memref<256x80xf32, #tpu.memory_space<vmem>>, vector<1x16xf32>,
      %parallel_loop3A_57 = vector.shape_cast %parallel_loop3A_56 : vector<1x16xf32> to vector<16xf32>
      %parallel_loop3A_58 = vector.shape_cast %parallel_loop3A_53 : vector<16xf32> to vector<1x16xf32>
      tpu.vector_store %arg11[%parallel_loop3A_54, %parallel_loop3A_55], %parallel_loop3A_58 {strides = array<i32>} : memref<256x80xf32, #tpu.memory_space<vmem>>, vector<1x16xf32>,
      %parallel_loop3A_59 = arith.constant 0.000000e+00 : f32
      %parallel_loop3A_60 = vector.broadcast %parallel_loop3A_59 : f32 to vector<16xf32>
      %parallel_loop3A_61 = arith.index_cast %parallel_loop3A_37 : i32 to index
      %parallel_loop3A_62 = arith.constant 48 : index
      %parallel_loop3A_63 = tpu.vector_load %arg11[%parallel_loop3A_61, %parallel_loop3A_62] {strides = array<i32>} : memref<256x80xf32, #tpu.memory_space<vmem>>, vector<1x16xf32>,
      %parallel_loop3A_64 = vector.shape_cast %parallel_loop3A_63 : vector<1x16xf32> to vector<16xf32>
      %parallel_loop3A_65 = vector.shape_cast %parallel_loop3A_60 : vector<16xf32> to vector<1x16xf32>
      tpu.vector_store %arg11[%parallel_loop3A_61, %parallel_loop3A_62], %parallel_loop3A_65 {strides = array<i32>} : memref<256x80xf32, #tpu.memory_space<vmem>>, vector<1x16xf32>,
      %parallel_loop3A_66 = arith.constant 0.000000e+00 : f32
      %parallel_loop3A_67 = vector.broadcast %parallel_loop3A_66 : f32 to vector<16xf32>
      %parallel_loop3A_68 = arith.index_cast %parallel_loop3A_37 : i32 to index
      %parallel_loop3A_69 = arith.constant 64 : index
      %parallel_loop3A_70 = tpu.vector_load %arg11[%parallel_loop3A_68, %parallel_loop3A_69] {strides = array<i32>} : memref<256x80xf32, #tpu.memory_space<vmem>>, vector<1x16xf32>,
      %parallel_loop3A_71 = vector.shape_cast %parallel_loop3A_70 : vector<1x16xf32> to vector<16xf32>
      %parallel_loop3A_72 = vector.shape_cast %parallel_loop3A_67 : vector<16xf32> to vector<1x16xf32>
      tpu.vector_store %arg11[%parallel_loop3A_68, %parallel_loop3A_69], %parallel_loop3A_72 {strides = array<i32>} : memref<256x80xf32, #tpu.memory_space<vmem>>, vector<1x16xf32>,
    } {sc.loop_unroll_factor = 8 : i64, sc.parallel_access}
    %mul3A_11 = arith.constant 632 : i32
    %mul3A_12 = arith.muli %arg1, %mul3A_11 : i32
    %add3A_13 = arith.constant 0 : i32
    %add3A_14 = arith.addi %mul3A_12, %add3A_13 : i32
    "tpu.region"() ({
      %run_scoped3A = tpu.sem_alloc : memref<!tpu.dma_semaphore, #tpu.memory_space<semaphore_mem>>
      %dma_start3A = arith.constant 0 : i32
      %dma_start3A_37 = arith.constant 0 : i32
      %dma_start3A_38 = tpu.memref_slice %arg11[%dma_start3A, %dma_start3A_37] : memref<256x80xf32, #tpu.memory_space<vmem>> -> memref<256x80xf32, #tpu.memory_space<vmem>>
      %dma_start3A_39 = arith.constant 0 : i32
      %dma_start3A_40 = tpu.memref_slice %arg12[%add3A_14, %dma_start3A_39] : memref<10112x80xf32, #tpu.memory_space<vmem_shared>> -> memref<256x80xf32, #tpu.memory_space<vmem_shared>>
      %dma_start3A_41 = arith.constant 0 : i32
      %dma_start3A_42 = tpu.memref_slice %arg12[%add3A_14, %dma_start3A_41] : memref<10112x80xf32, #tpu.memory_space<vmem_shared>> -> memref<256x80xf32, #tpu.memory_space<vmem_shared>>
      %dma_start3A_43 = arith.constant 0 : i32
      %dma_start3A_44 = arith.constant 0 : i32
      %dma_start3A_45 = tpu.memref_slice %arg11[%dma_start3A_43, %dma_start3A_44] : memref<256x80xf32, #tpu.memory_space<vmem>> -> memref<256x80xf32, #tpu.memory_space<vmem>>
      tpu.enqueue_dma source(%dma_start3A_45 : memref<256x80xf32, #tpu.memory_space<vmem>>) target(%dma_start3A_42 : memref<256x80xf32, #tpu.memory_space<vmem_shared>>) target_semaphore(%run_scoped3A : memref<!tpu.dma_semaphore, #tpu.memory_space<semaphore_mem>>)
      %dma_wait3A = arith.constant 0 : i32
      %dma_wait3A_46 = arith.constant 0 : i32
      %dma_wait3A_47 = tpu.memref_slice %arg11[%dma_wait3A, %dma_wait3A_46] : memref<256x80xf32, #tpu.memory_space<vmem>> -> memref<256x80xf32, #tpu.memory_space<vmem>>
      %dma_wait3A_48 = arith.constant 0 : i32
      %dma_wait3A_49 = tpu.memref_slice %arg12[%add3A_14, %dma_wait3A_48] : memref<10112x80xf32, #tpu.memory_space<vmem_shared>> -> memref<256x80xf32, #tpu.memory_space<vmem_shared>>
      %dma_wait3A_50 = arith.constant 0 : i32
      %dma_wait3A_51 = tpu.memref_slice %arg12[%add3A_14, %dma_wait3A_50] : memref<10112x80xf32, #tpu.memory_space<vmem_shared>> -> memref<256x80xf32, #tpu.memory_space<vmem_shared>>
      %dma_wait3A_52 = arith.constant 0 : i32
      %dma_wait3A_53 = arith.constant 0 : i32
      %dma_wait3A_54 = tpu.memref_slice %arg11[%dma_wait3A_52, %dma_wait3A_53] : memref<256x80xf32, #tpu.memory_space<vmem>> -> memref<256x80xf32, #tpu.memory_space<vmem>>
      tpu.wait_dma2 semaphore(%run_scoped3A : memref<!tpu.dma_semaphore, #tpu.memory_space<semaphore_mem>>) src(%dma_wait3A_54 : memref<256x80xf32, #tpu.memory_space<vmem>>) dst(%dma_wait3A_51 : memref<256x80xf32, #tpu.memory_space<vmem_shared>>)
      tpu.yield
    }) : () -> ()
    %mul3A_15 = arith.constant 632 : i32
    %mul3A_16 = arith.muli %arg1, %mul3A_15 : i32
    %add3A_17 = arith.constant 256 : i32
    %add3A_18 = arith.addi %mul3A_16, %add3A_17 : i32
    "tpu.region"() ({
      %run_scoped3A = tpu.sem_alloc : memref<!tpu.dma_semaphore, #tpu.memory_space<semaphore_mem>>
      %dma_start3A = arith.constant 0 : i32
      %dma_start3A_37 = arith.constant 0 : i32
      %dma_start3A_38 = tpu.memref_slice %arg11[%dma_start3A, %dma_start3A_37] : memref<256x80xf32, #tpu.memory_space<vmem>> -> memref<256x80xf32, #tpu.memory_space<vmem>>
      %dma_start3A_39 = arith.constant 0 : i32
      %dma_start3A_40 = tpu.memref_slice %arg12[%add3A_18, %dma_start3A_39] : memref<10112x80xf32, #tpu.memory_space<vmem_shared>> -> memref<256x80xf32, #tpu.memory_space<vmem_shared>>
      %dma_start3A_41 = arith.constant 0 : i32
      %dma_start3A_42 = tpu.memref_slice %arg12[%add3A_18, %dma_start3A_41] : memref<10112x80xf32, #tpu.memory_space<vmem_shared>> -> memref<256x80xf32, #tpu.memory_space<vmem_shared>>
      %dma_start3A_43 = arith.constant 0 : i32
      %dma_start3A_44 = arith.constant 0 : i32
      %dma_start3A_45 = tpu.memref_slice %arg11[%dma_start3A_43, %dma_start3A_44] : memref<256x80xf32, #tpu.memory_space<vmem>> -> memref<256x80xf32, #tpu.memory_space<vmem>>
      tpu.enqueue_dma source(%dma_start3A_45 : memref<256x80xf32, #tpu.memory_space<vmem>>) target(%dma_start3A_42 : memref<256x80xf32, #tpu.memory_space<vmem_shared>>) target_semaphore(%run_scoped3A : memref<!tpu.dma_semaphore, #tpu.memory_space<semaphore_mem>>)
      %dma_wait3A = arith.constant 0 : i32
      %dma_wait3A_46 = arith.constant 0 : i32
      %dma_wait3A_47 = tpu.memref_slice %arg11[%dma_wait3A, %dma_wait3A_46] : memref<256x80xf32, #tpu.memory_space<vmem>> -> memref<256x80xf32, #tpu.memory_space<vmem>>
      %dma_wait3A_48 = arith.constant 0 : i32
      %dma_wait3A_49 = tpu.memref_slice %arg12[%add3A_18, %dma_wait3A_48] : memref<10112x80xf32, #tpu.memory_space<vmem_shared>> -> memref<256x80xf32, #tpu.memory_space<vmem_shared>>
      %dma_wait3A_50 = arith.constant 0 : i32
      %dma_wait3A_51 = tpu.memref_slice %arg12[%add3A_18, %dma_wait3A_50] : memref<10112x80xf32, #tpu.memory_space<vmem_shared>> -> memref<256x80xf32, #tpu.memory_space<vmem_shared>>
      %dma_wait3A_52 = arith.constant 0 : i32
      %dma_wait3A_53 = arith.constant 0 : i32
      %dma_wait3A_54 = tpu.memref_slice %arg11[%dma_wait3A_52, %dma_wait3A_53] : memref<256x80xf32, #tpu.memory_space<vmem>> -> memref<256x80xf32, #tpu.memory_space<vmem>>
      tpu.wait_dma2 semaphore(%run_scoped3A : memref<!tpu.dma_semaphore, #tpu.memory_space<semaphore_mem>>) src(%dma_wait3A_54 : memref<256x80xf32, #tpu.memory_space<vmem>>) dst(%dma_wait3A_51 : memref<256x80xf32, #tpu.memory_space<vmem_shared>>)
      tpu.yield
    }) : () -> ()
    %mul3A_19 = arith.constant 632 : i32
    %mul3A_20 = arith.muli %arg1, %mul3A_19 : i32
    %add3A_21 = arith.constant 512 : i32
    %add3A_22 = arith.addi %mul3A_20, %add3A_21 : i32
    "tpu.region"() ({
      %run_scoped3A = tpu.sem_alloc : memref<!tpu.dma_semaphore, #tpu.memory_space<semaphore_mem>>
      %dma_start3A = arith.constant 0 : i32
      %dma_start3A_37 = arith.constant 0 : i32
      %dma_start3A_38 = tpu.memref_slice %arg11[%dma_start3A, %dma_start3A_37] : memref<256x80xf32, #tpu.memory_space<vmem>> -> memref<120x80xf32, #tpu.memory_space<vmem>>
      %dma_start3A_39 = arith.constant 0 : i32
      %dma_start3A_40 = tpu.memref_slice %arg12[%add3A_22, %dma_start3A_39] : memref<10112x80xf32, #tpu.memory_space<vmem_shared>> -> memref<120x80xf32, #tpu.memory_space<vmem_shared>>
      %dma_start3A_41 = arith.constant 0 : i32
      %dma_start3A_42 = tpu.memref_slice %arg12[%add3A_22, %dma_start3A_41] : memref<10112x80xf32, #tpu.memory_space<vmem_shared>> -> memref<120x80xf32, #tpu.memory_space<vmem_shared>>
      %dma_start3A_43 = arith.constant 0 : i32
      %dma_start3A_44 = arith.constant 0 : i32
      %dma_start3A_45 = tpu.memref_slice %arg11[%dma_start3A_43, %dma_start3A_44] : memref<256x80xf32, #tpu.memory_space<vmem>> -> memref<120x80xf32, #tpu.memory_space<vmem>>
      tpu.enqueue_dma source(%dma_start3A_45 : memref<120x80xf32, #tpu.memory_space<vmem>>) target(%dma_start3A_42 : memref<120x80xf32, #tpu.memory_space<vmem_shared>>) target_semaphore(%run_scoped3A : memref<!tpu.dma_semaphore, #tpu.memory_space<semaphore_mem>>)
      %dma_wait3A = arith.constant 0 : i32
      %dma_wait3A_46 = arith.constant 0 : i32
      %dma_wait3A_47 = tpu.memref_slice %arg11[%dma_wait3A, %dma_wait3A_46] : memref<256x80xf32, #tpu.memory_space<vmem>> -> memref<120x80xf32, #tpu.memory_space<vmem>>
      %dma_wait3A_48 = arith.constant 0 : i32
      %dma_wait3A_49 = tpu.memref_slice %arg12[%add3A_22, %dma_wait3A_48] : memref<10112x80xf32, #tpu.memory_space<vmem_shared>> -> memref<120x80xf32, #tpu.memory_space<vmem_shared>>
      %dma_wait3A_50 = arith.constant 0 : i32
      %dma_wait3A_51 = tpu.memref_slice %arg12[%add3A_22, %dma_wait3A_50] : memref<10112x80xf32, #tpu.memory_space<vmem_shared>> -> memref<120x80xf32, #tpu.memory_space<vmem_shared>>
      %dma_wait3A_52 = arith.constant 0 : i32
      %dma_wait3A_53 = arith.constant 0 : i32
      %dma_wait3A_54 = tpu.memref_slice %arg11[%dma_wait3A_52, %dma_wait3A_53] : memref<256x80xf32, #tpu.memory_space<vmem>> -> memref<120x80xf32, #tpu.memory_space<vmem>>
      tpu.wait_dma2 semaphore(%run_scoped3A : memref<!tpu.dma_semaphore, #tpu.memory_space<semaphore_mem>>) src(%dma_wait3A_54 : memref<120x80xf32, #tpu.memory_space<vmem>>) dst(%dma_wait3A_51 : memref<120x80xf32, #tpu.memory_space<vmem_shared>>)
      tpu.yield
    }) : () -> ()
    %barrier3A = arith.constant 0 : index
    tpu.barrier barrier_id(%barrier3A)
    %while3A = arith.constant 0 : i32
    %while3A_23 = arith.constant 0 : i32
    %while3A_24 = arith.subi %select_n3A_8, %while3A_23 : i32
    %while3A_25 = arith.addi %while3A_23, %while3A_24 : i32
    %while3A_26 = arith.constant 1 : i32
    %while3A_27 = arith.divsi %while3A_24, %while3A_26 : i32
    %while3A_28 = arith.muli %while3A_27, %while3A_26 : i32
    %while3A_29 = arith.addi %while3A_23, %while3A_28 : i32
    %while3A_30 = arith.constant 1 : i32
    scf.for %while3A_37 = %while3A_23 to %while3A_29 step %while3A_30  : i32 {
      %add3A_38 = arith.addi %select_n3A, %while3A_37 : i32
      %mul3A_39 = arith.constant 256 : i32
      %mul3A_40 = arith.muli %add3A_38, %mul3A_39 : i32
      %add3A_41 = arith.addi %select_n3A, %while3A_37 : i32
      %mul3A_42 = arith.constant 2 : i32
      %mul3A_43 = arith.muli %add3A_41, %mul3A_42 : i32
      "tpu.region"() ({
        %run_scoped3A_86 = tpu.sem_alloc : memref<!tpu.dma_semaphore, #tpu.memory_space<semaphore_mem>>
        %dma_start3A_87 = arith.constant 0 : i32
        %dma_start3A_88 = tpu.memref_slice %arg4[%mul3A_43, %dma_start3A_87] : memref<1280x128xi32, #tpu.memory_space<hbm>> -> memref<2x128xi32, #tpu.memory_space<hbm>>
        %dma_start3A_89 = arith.constant 0 : i32
        %dma_start3A_90 = tpu.memref_slice %arg4[%mul3A_43, %dma_start3A_89] : memref<1280x128xi32, #tpu.memory_space<hbm>> -> memref<2x128xi32, #tpu.memory_space<hbm>>
        tpu.enqueue_dma source(%dma_start3A_90 : memref<2x128xi32, #tpu.memory_space<hbm>>) target(%arg7 : memref<2x128xi32, #tpu.memory_space<vmem>>) target_semaphore(%run_scoped3A_86 : memref<!tpu.dma_semaphore, #tpu.memory_space<semaphore_mem>>)
        %dma_wait3A_91 = arith.constant 0 : i32
        %dma_wait3A_92 = tpu.memref_slice %arg4[%mul3A_43, %dma_wait3A_91] : memref<1280x128xi32, #tpu.memory_space<hbm>> -> memref<2x128xi32, #tpu.memory_space<hbm>>
        %dma_wait3A_93 = arith.constant 0 : i32
        %dma_wait3A_94 = tpu.memref_slice %arg4[%mul3A_43, %dma_wait3A_93] : memref<1280x128xi32, #tpu.memory_space<hbm>> -> memref<2x128xi32, #tpu.memory_space<hbm>>
        tpu.wait_dma2 semaphore(%run_scoped3A_86 : memref<!tpu.dma_semaphore, #tpu.memory_space<semaphore_mem>>) src(%dma_wait3A_94 : memref<2x128xi32, #tpu.memory_space<hbm>>) dst(%arg7 : memref<2x128xi32, #tpu.memory_space<vmem>>)
        tpu.yield
      }) : () -> ()
      "tpu.region"() ({
        %run_scoped3A_86 = tpu.sem_alloc : memref<!tpu.dma_semaphore, #tpu.memory_space<semaphore_mem>>
        %dma_start3A_87 = arith.constant 0 : i32
        %dma_start3A_88 = tpu.memref_slice %arg5[%mul3A_43, %dma_start3A_87] : memref<1280x128xi32, #tpu.memory_space<hbm>> -> memref<2x128xi32, #tpu.memory_space<hbm>>
        %dma_start3A_89 = arith.constant 0 : i32
        %dma_start3A_90 = tpu.memref_slice %arg5[%mul3A_43, %dma_start3A_89] : memref<1280x128xi32, #tpu.memory_space<hbm>> -> memref<2x128xi32, #tpu.memory_space<hbm>>
        tpu.enqueue_dma source(%dma_start3A_90 : memref<2x128xi32, #tpu.memory_space<hbm>>) target(%arg8 : memref<2x128xi32, #tpu.memory_space<vmem>>) target_semaphore(%run_scoped3A_86 : memref<!tpu.dma_semaphore, #tpu.memory_space<semaphore_mem>>)
        %dma_wait3A_91 = arith.constant 0 : i32
        %dma_wait3A_92 = tpu.memref_slice %arg5[%mul3A_43, %dma_wait3A_91] : memref<1280x128xi32, #tpu.memory_space<hbm>> -> memref<2x128xi32, #tpu.memory_space<hbm>>
        %dma_wait3A_93 = arith.constant 0 : i32
        %dma_wait3A_94 = tpu.memref_slice %arg5[%mul3A_43, %dma_wait3A_93] : memref<1280x128xi32, #tpu.memory_space<hbm>> -> memref<2x128xi32, #tpu.memory_space<hbm>>
        tpu.wait_dma2 semaphore(%run_scoped3A_86 : memref<!tpu.dma_semaphore, #tpu.memory_space<semaphore_mem>>) src(%dma_wait3A_94 : memref<2x128xi32, #tpu.memory_space<hbm>>) dst(%arg8 : memref<2x128xi32, #tpu.memory_space<vmem>>)
        tpu.yield
      }) : () -> ()
      "tpu.region"() ({
        %run_scoped3A_86 = tpu.sem_alloc : memref<!tpu.dma_semaphore, #tpu.memory_space<semaphore_mem>>
        %dma_start3A_87 = arith.constant 0 : i32
        %dma_start3A_88 = tpu.memref_slice %arg3[%mul3A_40, %dma_start3A_87] : memref<163840x112xf32, #tpu.memory_space<hbm>> -> memref<256x112xf32, #tpu.memory_space<hbm>>
        %dma_start3A_89 = arith.constant 0 : i32
        %dma_start3A_90 = tpu.memref_slice %arg3[%mul3A_40, %dma_start3A_89] : memref<163840x112xf32, #tpu.memory_space<hbm>> -> memref<256x112xf32, #tpu.memory_space<hbm>>
        tpu.enqueue_dma source(%dma_start3A_90 : memref<256x112xf32, #tpu.memory_space<hbm>>) target(%arg9 : memref<256x112xf32, #tpu.memory_space<vmem>>) target_semaphore(%run_scoped3A_86 : memref<!tpu.dma_semaphore, #tpu.memory_space<semaphore_mem>>)
        %dma_wait3A_91 = arith.constant 0 : i32
        %dma_wait3A_92 = tpu.memref_slice %arg3[%mul3A_40, %dma_wait3A_91] : memref<163840x112xf32, #tpu.memory_space<hbm>> -> memref<256x112xf32, #tpu.memory_space<hbm>>
        %dma_wait3A_93 = arith.constant 0 : i32
        %dma_wait3A_94 = tpu.memref_slice %arg3[%mul3A_40, %dma_wait3A_93] : memref<163840x112xf32, #tpu.memory_space<hbm>> -> memref<256x112xf32, #tpu.memory_space<hbm>>
        tpu.wait_dma2 semaphore(%run_scoped3A_86 : memref<!tpu.dma_semaphore, #tpu.memory_space<semaphore_mem>>) src(%dma_wait3A_94 : memref<256x112xf32, #tpu.memory_space<hbm>>) dst(%arg9 : memref<256x112xf32, #tpu.memory_space<vmem>>)
        tpu.yield
      }) : () -> ()
      %dma_start3A = arith.constant 0 : i32
      %dma_start3A_44 = arith.constant 0 : i32
      %dma_start3A_45 = arith.constant 0 : i32
      %dma_start3A_46 = tpu.memref_slice %arg10[%dma_start3A_44, %dma_start3A_45] : memref<256x112xf32, #tpu.memory_space<vmem>> -> memref<128x112xf32, #tpu.memory_space<vmem>>
      %dma_start3A_47 = arith.constant 0 : i32
      %dma_start3A_48 = tpu.memref_slice %arg7[%dma_start3A, %dma_start3A_47] : memref<2x128xi32, #tpu.memory_space<vmem>> -> memref<1x128xi32, #tpu.memory_space<vmem>>
      %dma_start3A_49 = tpu.memref_squeeze %dma_start3A_48 : memref<1x128xi32, #tpu.memory_space<vmem>> -> memref<128xi32, #tpu.memory_space<vmem>>
      %dma_start3A_50 = arith.constant 0 : i32
      %dma_start3A_51 = arith.constant 0 : i32
      %dma_start3A_52 = tpu.memref_slice %arg2[%dma_start3A_50, %dma_start3A_51] : memref<10000x112xf32, #tpu.memory_space<hbm>> -> memref<10000x112xf32, #tpu.memory_space<hbm>>
      tpu.enqueue_indirect_dma source(%dma_start3A_52 : memref<10000x112xf32, #tpu.memory_space<hbm>>) target(%dma_start3A_46 : memref<128x112xf32, #tpu.memory_space<vmem>>) offsets(%dma_start3A_49 : memref<128xi32, #tpu.memory_space<vmem>>) semaphore(%arg13 : memref<!tpu.dma_semaphore, #tpu.memory_space<semaphore_mem>>)
      %dma_start3A_53 = arith.constant 1 : i32
      %dma_start3A_54 = arith.constant 128 : i32
      %dma_start3A_55 = arith.constant 0 : i32
      %dma_start3A_56 = tpu.memref_slice %arg10[%dma_start3A_54, %dma_start3A_55] : memref<256x112xf32, #tpu.memory_space<vmem>> -> memref<128x112xf32, #tpu.memory_space<vmem>>
      %dma_start3A_57 = arith.constant 0 : i32
      %dma_start3A_58 = tpu.memref_slice %arg7[%dma_start3A_53, %dma_start3A_57] : memref<2x128xi32, #tpu.memory_space<vmem>> -> memref<1x128xi32, #tpu.memory_space<vmem>>
      %dma_start3A_59 = tpu.memref_squeeze %dma_start3A_58 : memref<1x128xi32, #tpu.memory_space<vmem>> -> memref<128xi32, #tpu.memory_space<vmem>>
      %dma_start3A_60 = arith.constant 0 : i32
      %dma_start3A_61 = arith.constant 0 : i32
      %dma_start3A_62 = tpu.memref_slice %arg2[%dma_start3A_60, %dma_start3A_61] : memref<10000x112xf32, #tpu.memory_space<hbm>> -> memref<10000x112xf32, #tpu.memory_space<hbm>>
      tpu.enqueue_indirect_dma source(%dma_start3A_62 : memref<10000x112xf32, #tpu.memory_space<hbm>>) target(%dma_start3A_56 : memref<128x112xf32, #tpu.memory_space<vmem>>) offsets(%dma_start3A_59 : memref<128xi32, #tpu.memory_space<vmem>>) semaphore(%arg13 : memref<!tpu.dma_semaphore, #tpu.memory_space<semaphore_mem>>)
      %dma_wait3A = arith.constant 0 : i32
      %dma_wait3A_63 = arith.constant 0 : i32
      %dma_wait3A_64 = arith.constant 0 : i32
      %dma_wait3A_65 = tpu.memref_slice %arg10[%dma_wait3A_63, %dma_wait3A_64] : memref<256x112xf32, #tpu.memory_space<vmem>> -> memref<128x112xf32, #tpu.memory_space<vmem>>
      %dma_wait3A_66 = arith.constant 0 : i32
      %dma_wait3A_67 = tpu.memref_slice %arg7[%dma_wait3A, %dma_wait3A_66] : memref<2x128xi32, #tpu.memory_space<vmem>> -> memref<1x128xi32, #tpu.memory_space<vmem>>
      %dma_wait3A_68 = tpu.memref_squeeze %dma_wait3A_67 : memref<1x128xi32, #tpu.memory_space<vmem>> -> memref<128xi32, #tpu.memory_space<vmem>>
      %dma_wait3A_69 = arith.constant 0 : i32
      %dma_wait3A_70 = arith.constant 0 : i32
      %dma_wait3A_71 = tpu.memref_slice %arg2[%dma_wait3A_69, %dma_wait3A_70] : memref<10000x112xf32, #tpu.memory_space<hbm>> -> memref<10000x112xf32, #tpu.memory_space<hbm>>
      tpu.wait_indirect_dma semaphore(%arg13 : memref<!tpu.dma_semaphore, #tpu.memory_space<semaphore_mem>>) src(%dma_wait3A_71 : memref<10000x112xf32, #tpu.memory_space<hbm>>) dst(%dma_wait3A_65 : memref<128x112xf32, #tpu.memory_space<vmem>>)
      %dma_wait3A_72 = arith.constant 1 : i32
      %dma_wait3A_73 = arith.constant 128 : i32
      %dma_wait3A_74 = arith.constant 0 : i32
      %dma_wait3A_75 = tpu.memref_slice %arg10[%dma_wait3A_73, %dma_wait3A_74] : memref<256x112xf32, #tpu.memory_space<vmem>> -> memref<128x112xf32, #tpu.memory_space<vmem>>
      %dma_wait3A_76 = arith.constant 0 : i32
      %dma_wait3A_77 = tpu.memref_slice %arg7[%dma_wait3A_72, %dma_wait3A_76] : memref<2x128xi32, #tpu.memory_space<vmem>> -> memref<1x128xi32, #tpu.memory_space<vmem>>
      %dma_wait3A_78 = tpu.memref_squeeze %dma_wait3A_77 : memref<1x128xi32, #tpu.memory_space<vmem>> -> memref<128xi32, #tpu.memory_space<vmem>>
      %dma_wait3A_79 = arith.constant 0 : i32
      %dma_wait3A_80 = arith.constant 0 : i32
      %dma_wait3A_81 = tpu.memref_slice %arg2[%dma_wait3A_79, %dma_wait3A_80] : memref<10000x112xf32, #tpu.memory_space<hbm>> -> memref<10000x112xf32, #tpu.memory_space<hbm>>
      tpu.wait_indirect_dma semaphore(%arg13 : memref<!tpu.dma_semaphore, #tpu.memory_space<semaphore_mem>>) src(%dma_wait3A_81 : memref<10000x112xf32, #tpu.memory_space<hbm>>) dst(%dma_wait3A_75 : memref<128x112xf32, #tpu.memory_space<vmem>>)
      %parallel_loop3A_82 = arith.constant 0 : i32
      %parallel_loop3A_83 = arith.constant 256 : i32
      %parallel_loop3A_84 = arith.constant 1 : i32
      scf.for %parallel_loop3A_86 = %parallel_loop3A_82 to %parallel_loop3A_83 step %parallel_loop3A_84  : i32 {
        %parallel_loop3A_87 = arith.index_cast %parallel_loop3A_86 : i32 to index
        %parallel_loop3A_88 = arith.constant 0 : index
        %parallel_loop3A_89 = tpu.vector_load %arg10[%parallel_loop3A_87, %parallel_loop3A_88] {strides = array<i32>} : memref<256x112xf32, #tpu.memory_space<vmem>>, vector<1x16xf32>,
        %parallel_loop3A_90 = vector.shape_cast %parallel_loop3A_89 : vector<1x16xf32> to vector<16xf32>
        %parallel_loop3A_91 = arith.index_cast %parallel_loop3A_86 : i32 to index
        %parallel_loop3A_92 = arith.constant 0 : index
        %parallel_loop3A_93 = tpu.vector_load %arg9[%parallel_loop3A_91, %parallel_loop3A_92] {strides = array<i32>} : memref<256x112xf32, #tpu.memory_space<vmem>>, vector<1x16xf32>,
        %parallel_loop3A_94 = vector.shape_cast %parallel_loop3A_93 : vector<1x16xf32> to vector<16xf32>
        %parallel_loop3A_95 = arith.mulf %parallel_loop3A_90, %parallel_loop3A_94 : vector<16xf32>
        %parallel_loop3A_96 = arith.index_cast %parallel_loop3A_86 : i32 to index
        %parallel_loop3A_97 = arith.constant 16 : index
        %parallel_loop3A_98 = tpu.vector_load %arg10[%parallel_loop3A_96, %parallel_loop3A_97] {strides = array<i32>} : memref<256x112xf32, #tpu.memory_space<vmem>>, vector<1x16xf32>,
        %parallel_loop3A_99 = vector.shape_cast %parallel_loop3A_98 : vector<1x16xf32> to vector<16xf32>
        %parallel_loop3A_100 = arith.index_cast %parallel_loop3A_86 : i32 to index
        %parallel_loop3A_101 = arith.constant 16 : index
        %parallel_loop3A_102 = tpu.vector_load %arg9[%parallel_loop3A_100, %parallel_loop3A_101] {strides = array<i32>} : memref<256x112xf32, #tpu.memory_space<vmem>>, vector<1x16xf32>,
        %parallel_loop3A_103 = vector.shape_cast %parallel_loop3A_102 : vector<1x16xf32> to vector<16xf32>
        %parallel_loop3A_104 = arith.mulf %parallel_loop3A_99, %parallel_loop3A_103 : vector<16xf32>
        %parallel_loop3A_105 = arith.index_cast %parallel_loop3A_86 : i32 to index
        %parallel_loop3A_106 = arith.constant 32 : index
        %parallel_loop3A_107 = tpu.vector_load %arg10[%parallel_loop3A_105, %parallel_loop3A_106] {strides = array<i32>} : memref<256x112xf32, #tpu.memory_space<vmem>>, vector<1x16xf32>,
        %parallel_loop3A_108 = vector.shape_cast %parallel_loop3A_107 : vector<1x16xf32> to vector<16xf32>
        %parallel_loop3A_109 = arith.index_cast %parallel_loop3A_86 : i32 to index
        %parallel_loop3A_110 = arith.constant 32 : index
        %parallel_loop3A_111 = tpu.vector_load %arg9[%parallel_loop3A_109, %parallel_loop3A_110] {strides = array<i32>} : memref<256x112xf32, #tpu.memory_space<vmem>>, vector<1x16xf32>,
        %parallel_loop3A_112 = vector.shape_cast %parallel_loop3A_111 : vector<1x16xf32> to vector<16xf32>
        %parallel_loop3A_113 = arith.mulf %parallel_loop3A_108, %parallel_loop3A_112 : vector<16xf32>
        %parallel_loop3A_114 = arith.index_cast %parallel_loop3A_86 : i32 to index
        %parallel_loop3A_115 = arith.constant 48 : index
        %parallel_loop3A_116 = tpu.vector_load %arg10[%parallel_loop3A_114, %parallel_loop3A_115] {strides = array<i32>} : memref<256x112xf32, #tpu.memory_space<vmem>>, vector<1x16xf32>,
        %parallel_loop3A_117 = vector.shape_cast %parallel_loop3A_116 : vector<1x16xf32> to vector<16xf32>
        %parallel_loop3A_118 = arith.index_cast %parallel_loop3A_86 : i32 to index
        %parallel_loop3A_119 = arith.constant 48 : index
        %parallel_loop3A_120 = tpu.vector_load %arg9[%parallel_loop3A_118, %parallel_loop3A_119] {strides = array<i32>} : memref<256x112xf32, #tpu.memory_space<vmem>>, vector<1x16xf32>,
        %parallel_loop3A_121 = vector.shape_cast %parallel_loop3A_120 : vector<1x16xf32> to vector<16xf32>
        %parallel_loop3A_122 = arith.mulf %parallel_loop3A_117, %parallel_loop3A_121 : vector<16xf32>
        %parallel_loop3A_123 = arith.index_cast %parallel_loop3A_86 : i32 to index
        %parallel_loop3A_124 = arith.constant 64 : index
        %parallel_loop3A_125 = tpu.vector_load %arg10[%parallel_loop3A_123, %parallel_loop3A_124] {strides = array<i32>} : memref<256x112xf32, #tpu.memory_space<vmem>>, vector<1x16xf32>,
        %parallel_loop3A_126 = vector.shape_cast %parallel_loop3A_125 : vector<1x16xf32> to vector<16xf32>
        %parallel_loop3A_127 = arith.index_cast %parallel_loop3A_86 : i32 to index
        %parallel_loop3A_128 = arith.constant 64 : index
        %parallel_loop3A_129 = tpu.vector_load %arg9[%parallel_loop3A_127, %parallel_loop3A_128] {strides = array<i32>} : memref<256x112xf32, #tpu.memory_space<vmem>>, vector<1x16xf32>,
        %parallel_loop3A_130 = vector.shape_cast %parallel_loop3A_129 : vector<1x16xf32> to vector<16xf32>
        %parallel_loop3A_131 = arith.mulf %parallel_loop3A_126, %parallel_loop3A_130 : vector<16xf32>
        %parallel_loop3A_132 = arith.index_cast %parallel_loop3A_86 : i32 to index
        %parallel_loop3A_133 = arith.constant 80 : index
        %parallel_loop3A_134 = tpu.vector_load %arg10[%parallel_loop3A_132, %parallel_loop3A_133] {strides = array<i32>} : memref<256x112xf32, #tpu.memory_space<vmem>>, vector<1x16xf32>,
        %parallel_loop3A_135 = vector.shape_cast %parallel_loop3A_134 : vector<1x16xf32> to vector<16xf32>
        %parallel_loop3A_136 = arith.index_cast %parallel_loop3A_86 : i32 to index
        %parallel_loop3A_137 = arith.constant 80 : index
        %parallel_loop3A_138 = tpu.vector_load %arg9[%parallel_loop3A_136, %parallel_loop3A_137] {strides = array<i32>} : memref<256x112xf32, #tpu.memory_space<vmem>>, vector<1x16xf32>,
        %parallel_loop3A_139 = vector.shape_cast %parallel_loop3A_138 : vector<1x16xf32> to vector<16xf32>
        %parallel_loop3A_140 = arith.mulf %parallel_loop3A_135, %parallel_loop3A_139 : vector<16xf32>
        %parallel_loop3A_141 = arith.index_cast %parallel_loop3A_86 : i32 to index
        %parallel_loop3A_142 = arith.constant 96 : index
        %parallel_loop3A_143 = tpu.vector_load %arg10[%parallel_loop3A_141, %parallel_loop3A_142] {strides = array<i32>} : memref<256x112xf32, #tpu.memory_space<vmem>>, vector<1x16xf32>,
        %parallel_loop3A_144 = vector.shape_cast %parallel_loop3A_143 : vector<1x16xf32> to vector<16xf32>
        %parallel_loop3A_145 = arith.index_cast %parallel_loop3A_86 : i32 to index
        %parallel_loop3A_146 = arith.constant 96 : index
        %parallel_loop3A_147 = tpu.vector_load %arg9[%parallel_loop3A_145, %parallel_loop3A_146] {strides = array<i32>} : memref<256x112xf32, #tpu.memory_space<vmem>>, vector<1x16xf32>,
        %parallel_loop3A_148 = vector.shape_cast %parallel_loop3A_147 : vector<1x16xf32> to vector<16xf32>
        %parallel_loop3A_149 = arith.mulf %parallel_loop3A_144, %parallel_loop3A_148 : vector<16xf32>
        %parallel_loop3A_150 = arith.addf %parallel_loop3A_95, %parallel_loop3A_140 : vector<16xf32>
        %parallel_loop3A_151 = arith.index_cast %parallel_loop3A_86 : i32 to index
        %parallel_loop3A_152 = arith.constant 0 : index
        %parallel_loop3A_153 = tpu.vector_load %arg11[%parallel_loop3A_151, %parallel_loop3A_152] {strides = array<i32>} : memref<256x80xf32, #tpu.memory_space<vmem>>, vector<1x16xf32>,
        %parallel_loop3A_154 = vector.shape_cast %parallel_loop3A_153 : vector<1x16xf32> to vector<16xf32>
        %parallel_loop3A_155 = vector.shape_cast %parallel_loop3A_150 : vector<16xf32> to vector<1x16xf32>
        tpu.vector_store %arg11[%parallel_loop3A_151, %parallel_loop3A_152], %parallel_loop3A_155 {strides = array<i32>} : memref<256x80xf32, #tpu.memory_space<vmem>>, vector<1x16xf32>,
        %parallel_loop3A_156 = arith.addf %parallel_loop3A_104, %parallel_loop3A_149 : vector<16xf32>
        %parallel_loop3A_157 = arith.index_cast %parallel_loop3A_86 : i32 to index
        %parallel_loop3A_158 = arith.constant 16 : index
        %parallel_loop3A_159 = tpu.vector_load %arg11[%parallel_loop3A_157, %parallel_loop3A_158] {strides = array<i32>} : memref<256x80xf32, #tpu.memory_space<vmem>>, vector<1x16xf32>,
        %parallel_loop3A_160 = vector.shape_cast %parallel_loop3A_159 : vector<1x16xf32> to vector<16xf32>
        %parallel_loop3A_161 = vector.shape_cast %parallel_loop3A_156 : vector<16xf32> to vector<1x16xf32>
        tpu.vector_store %arg11[%parallel_loop3A_157, %parallel_loop3A_158], %parallel_loop3A_161 {strides = array<i32>} : memref<256x80xf32, #tpu.memory_space<vmem>>, vector<1x16xf32>,
        %parallel_loop3A_162 = arith.index_cast %parallel_loop3A_86 : i32 to index
        %parallel_loop3A_163 = arith.constant 32 : index
        %parallel_loop3A_164 = tpu.vector_load %arg11[%parallel_loop3A_162, %parallel_loop3A_163] {strides = array<i32>} : memref<256x80xf32, #tpu.memory_space<vmem>>, vector<1x16xf32>,
        %parallel_loop3A_165 = vector.shape_cast %parallel_loop3A_164 : vector<1x16xf32> to vector<16xf32>
        %parallel_loop3A_166 = vector.shape_cast %parallel_loop3A_113 : vector<16xf32> to vector<1x16xf32>
        tpu.vector_store %arg11[%parallel_loop3A_162, %parallel_loop3A_163], %parallel_loop3A_166 {strides = array<i32>} : memref<256x80xf32, #tpu.memory_space<vmem>>, vector<1x16xf32>,
        %parallel_loop3A_167 = arith.index_cast %parallel_loop3A_86 : i32 to index
        %parallel_loop3A_168 = arith.constant 48 : index
        %parallel_loop3A_169 = tpu.vector_load %arg11[%parallel_loop3A_167, %parallel_loop3A_168] {strides = array<i32>} : memref<256x80xf32, #tpu.memory_space<vmem>>, vector<1x16xf32>,
        %parallel_loop3A_170 = vector.shape_cast %parallel_loop3A_169 : vector<1x16xf32> to vector<16xf32>
        %parallel_loop3A_171 = vector.shape_cast %parallel_loop3A_122 : vector<16xf32> to vector<1x16xf32>
        tpu.vector_store %arg11[%parallel_loop3A_167, %parallel_loop3A_168], %parallel_loop3A_171 {strides = array<i32>} : memref<256x80xf32, #tpu.memory_space<vmem>>, vector<1x16xf32>,
        %parallel_loop3A_172 = arith.index_cast %parallel_loop3A_86 : i32 to index
        %parallel_loop3A_173 = arith.constant 64 : index
        %parallel_loop3A_174 = tpu.vector_load %arg11[%parallel_loop3A_172, %parallel_loop3A_173] {strides = array<i32>} : memref<256x80xf32, #tpu.memory_space<vmem>>, vector<1x16xf32>,
        %parallel_loop3A_175 = vector.shape_cast %parallel_loop3A_174 : vector<1x16xf32> to vector<16xf32>
        %parallel_loop3A_176 = vector.shape_cast %parallel_loop3A_131 : vector<16xf32> to vector<1x16xf32>
        tpu.vector_store %arg11[%parallel_loop3A_172, %parallel_loop3A_173], %parallel_loop3A_176 {strides = array<i32>} : memref<256x80xf32, #tpu.memory_space<vmem>>, vector<1x16xf32>,
      } {sc.loop_unroll_factor = 8 : i64, sc.parallel_access}
      %run_scoped3A = arith.constant 0 : i32
      "tpu.region"() ({
        %run_scoped3A_86 = tpu.sem_alloc : memref<!tpu.dma_semaphore, #tpu.memory_space<semaphore_mem>>
        %dma_start3A_87 = arith.constant 0 : i32
        %dma_start3A_88 = arith.constant 0 : i32
        %dma_start3A_89 = tpu.memref_slice %arg11[%dma_start3A_87, %dma_start3A_88] : memref<256x80xf32, #tpu.memory_space<vmem>> -> memref<128x80xf32, #tpu.memory_space<vmem>>
        %dma_start3A_90 = arith.constant 0 : i32
        %dma_start3A_91 = tpu.memref_slice %arg8[%run_scoped3A, %dma_start3A_90] : memref<2x128xi32, #tpu.memory_space<vmem>> -> memref<1x128xi32, #tpu.memory_space<vmem>>
        %dma_start3A_92 = tpu.memref_squeeze %dma_start3A_91 : memref<1x128xi32, #tpu.memory_space<vmem>> -> memref<128xi32, #tpu.memory_space<vmem>>
        %dma_start3A_93 = arith.constant 0 : i32
        %dma_start3A_94 = arith.constant 0 : i32
        %dma_start3A_95 = tpu.memref_slice %arg12[%dma_start3A_93, %dma_start3A_94] : memref<10112x80xf32, #tpu.memory_space<vmem_shared>> -> memref<10112x80xf32, #tpu.memory_space<vmem_shared>>
        tpu.enqueue_indirect_dma source(%dma_start3A_89 : memref<128x80xf32, #tpu.memory_space<vmem>>) target(%dma_start3A_95 : memref<10112x80xf32, #tpu.memory_space<vmem_shared>>) offsets(%dma_start3A_92 : memref<128xi32, #tpu.memory_space<vmem>>) semaphore(%run_scoped3A_86 : memref<!tpu.dma_semaphore, #tpu.memory_space<semaphore_mem>>) {add = true}
        %dma_wait3A_96 = arith.constant 0 : i32
        %dma_wait3A_97 = arith.constant 0 : i32
        %dma_wait3A_98 = tpu.memref_slice %arg11[%dma_wait3A_96, %dma_wait3A_97] : memref<256x80xf32, #tpu.memory_space<vmem>> -> memref<128x80xf32, #tpu.memory_space<vmem>>
        %dma_wait3A_99 = arith.constant 0 : i32
        %dma_wait3A_100 = tpu.memref_slice %arg8[%run_scoped3A, %dma_wait3A_99] : memref<2x128xi32, #tpu.memory_space<vmem>> -> memref<1x128xi32, #tpu.memory_space<vmem>>
        %dma_wait3A_101 = tpu.memref_squeeze %dma_wait3A_100 : memref<1x128xi32, #tpu.memory_space<vmem>> -> memref<128xi32, #tpu.memory_space<vmem>>
        %dma_wait3A_102 = arith.constant 0 : i32
        %dma_wait3A_103 = arith.constant 0 : i32
        %dma_wait3A_104 = tpu.memref_slice %arg12[%dma_wait3A_102, %dma_wait3A_103] : memref<10112x80xf32, #tpu.memory_space<vmem_shared>> -> memref<10112x80xf32, #tpu.memory_space<vmem_shared>>
        tpu.wait_indirect_dma semaphore(%run_scoped3A_86 : memref<!tpu.dma_semaphore, #tpu.memory_space<semaphore_mem>>) src(%dma_wait3A_98 : memref<128x80xf32, #tpu.memory_space<vmem>>) dst(%dma_wait3A_104 : memref<10112x80xf32, #tpu.memory_space<vmem_shared>>)
        tpu.yield
      }) : () -> ()
      %run_scoped3A_85 = arith.constant 1 : i32
      "tpu.region"() ({
        %run_scoped3A_86 = tpu.sem_alloc : memref<!tpu.dma_semaphore, #tpu.memory_space<semaphore_mem>>
        %dma_start3A_87 = arith.constant 128 : i32
        %dma_start3A_88 = arith.constant 0 : i32
        %dma_start3A_89 = tpu.memref_slice %arg11[%dma_start3A_87, %dma_start3A_88] : memref<256x80xf32, #tpu.memory_space<vmem>> -> memref<128x80xf32, #tpu.memory_space<vmem>>
        %dma_start3A_90 = arith.constant 0 : i32
        %dma_start3A_91 = tpu.memref_slice %arg8[%run_scoped3A_85, %dma_start3A_90] : memref<2x128xi32, #tpu.memory_space<vmem>> -> memref<1x128xi32, #tpu.memory_space<vmem>>
        %dma_start3A_92 = tpu.memref_squeeze %dma_start3A_91 : memref<1x128xi32, #tpu.memory_space<vmem>> -> memref<128xi32, #tpu.memory_space<vmem>>
        %dma_start3A_93 = arith.constant 0 : i32
        %dma_start3A_94 = arith.constant 0 : i32
        %dma_start3A_95 = tpu.memref_slice %arg12[%dma_start3A_93, %dma_start3A_94] : memref<10112x80xf32, #tpu.memory_space<vmem_shared>> -> memref<10112x80xf32, #tpu.memory_space<vmem_shared>>
        tpu.enqueue_indirect_dma source(%dma_start3A_89 : memref<128x80xf32, #tpu.memory_space<vmem>>) target(%dma_start3A_95 : memref<10112x80xf32, #tpu.memory_space<vmem_shared>>) offsets(%dma_start3A_92 : memref<128xi32, #tpu.memory_space<vmem>>) semaphore(%run_scoped3A_86 : memref<!tpu.dma_semaphore, #tpu.memory_space<semaphore_mem>>) {add = true}
        %dma_wait3A_96 = arith.constant 128 : i32
        %dma_wait3A_97 = arith.constant 0 : i32
        %dma_wait3A_98 = tpu.memref_slice %arg11[%dma_wait3A_96, %dma_wait3A_97] : memref<256x80xf32, #tpu.memory_space<vmem>> -> memref<128x80xf32, #tpu.memory_space<vmem>>
        %dma_wait3A_99 = arith.constant 0 : i32
        %dma_wait3A_100 = tpu.memref_slice %arg8[%run_scoped3A_85, %dma_wait3A_99] : memref<2x128xi32, #tpu.memory_space<vmem>> -> memref<1x128xi32, #tpu.memory_space<vmem>>
        %dma_wait3A_101 = tpu.memref_squeeze %dma_wait3A_100 : memref<1x128xi32, #tpu.memory_space<vmem>> -> memref<128xi32, #tpu.memory_space<vmem>>
        %dma_wait3A_102 = arith.constant 0 : i32
        %dma_wait3A_103 = arith.constant 0 : i32
        %dma_wait3A_104 = tpu.memref_slice %arg12[%dma_wait3A_102, %dma_wait3A_103] : memref<10112x80xf32, #tpu.memory_space<vmem_shared>> -> memref<10112x80xf32, #tpu.memory_space<vmem_shared>>
        tpu.wait_indirect_dma semaphore(%run_scoped3A_86 : memref<!tpu.dma_semaphore, #tpu.memory_space<semaphore_mem>>) src(%dma_wait3A_98 : memref<128x80xf32, #tpu.memory_space<vmem>>) dst(%dma_wait3A_104 : memref<10112x80xf32, #tpu.memory_space<vmem_shared>>)
        tpu.yield
      }) : () -> ()
    }
    %while3A_31 = arith.constant 1 : i32
    scf.for %while3A_37 = %while3A_29 to %while3A_25 step %while3A_31  : i32 {
      %add3A_38 = arith.addi %select_n3A, %while3A_37 : i32
      %mul3A_39 = arith.constant 256 : i32
      %mul3A_40 = arith.muli %add3A_38, %mul3A_39 : i32
      %add3A_41 = arith.addi %select_n3A, %while3A_37 : i32
      %mul3A_42 = arith.constant 2 : i32
      %mul3A_43 = arith.muli %add3A_41, %mul3A_42 : i32
      "tpu.region"() ({
        %run_scoped3A_86 = tpu.sem_alloc : memref<!tpu.dma_semaphore, #tpu.memory_space<semaphore_mem>>
        %dma_start3A_87 = arith.constant 0 : i32
        %dma_start3A_88 = tpu.memref_slice %arg4[%mul3A_43, %dma_start3A_87] : memref<1280x128xi32, #tpu.memory_space<hbm>> -> memref<2x128xi32, #tpu.memory_space<hbm>>
        %dma_start3A_89 = arith.constant 0 : i32
        %dma_start3A_90 = tpu.memref_slice %arg4[%mul3A_43, %dma_start3A_89] : memref<1280x128xi32, #tpu.memory_space<hbm>> -> memref<2x128xi32, #tpu.memory_space<hbm>>
        tpu.enqueue_dma source(%dma_start3A_90 : memref<2x128xi32, #tpu.memory_space<hbm>>) target(%arg7 : memref<2x128xi32, #tpu.memory_space<vmem>>) target_semaphore(%run_scoped3A_86 : memref<!tpu.dma_semaphore, #tpu.memory_space<semaphore_mem>>)
        %dma_wait3A_91 = arith.constant 0 : i32
        %dma_wait3A_92 = tpu.memref_slice %arg4[%mul3A_43, %dma_wait3A_91] : memref<1280x128xi32, #tpu.memory_space<hbm>> -> memref<2x128xi32, #tpu.memory_space<hbm>>
        %dma_wait3A_93 = arith.constant 0 : i32
        %dma_wait3A_94 = tpu.memref_slice %arg4[%mul3A_43, %dma_wait3A_93] : memref<1280x128xi32, #tpu.memory_space<hbm>> -> memref<2x128xi32, #tpu.memory_space<hbm>>
        tpu.wait_dma2 semaphore(%run_scoped3A_86 : memref<!tpu.dma_semaphore, #tpu.memory_space<semaphore_mem>>) src(%dma_wait3A_94 : memref<2x128xi32, #tpu.memory_space<hbm>>) dst(%arg7 : memref<2x128xi32, #tpu.memory_space<vmem>>)
        tpu.yield
      }) : () -> ()
      "tpu.region"() ({
        %run_scoped3A_86 = tpu.sem_alloc : memref<!tpu.dma_semaphore, #tpu.memory_space<semaphore_mem>>
        %dma_start3A_87 = arith.constant 0 : i32
        %dma_start3A_88 = tpu.memref_slice %arg5[%mul3A_43, %dma_start3A_87] : memref<1280x128xi32, #tpu.memory_space<hbm>> -> memref<2x128xi32, #tpu.memory_space<hbm>>
        %dma_start3A_89 = arith.constant 0 : i32
        %dma_start3A_90 = tpu.memref_slice %arg5[%mul3A_43, %dma_start3A_89] : memref<1280x128xi32, #tpu.memory_space<hbm>> -> memref<2x128xi32, #tpu.memory_space<hbm>>
        tpu.enqueue_dma source(%dma_start3A_90 : memref<2x128xi32, #tpu.memory_space<hbm>>) target(%arg8 : memref<2x128xi32, #tpu.memory_space<vmem>>) target_semaphore(%run_scoped3A_86 : memref<!tpu.dma_semaphore, #tpu.memory_space<semaphore_mem>>)
        %dma_wait3A_91 = arith.constant 0 : i32
        %dma_wait3A_92 = tpu.memref_slice %arg5[%mul3A_43, %dma_wait3A_91] : memref<1280x128xi32, #tpu.memory_space<hbm>> -> memref<2x128xi32, #tpu.memory_space<hbm>>
        %dma_wait3A_93 = arith.constant 0 : i32
        %dma_wait3A_94 = tpu.memref_slice %arg5[%mul3A_43, %dma_wait3A_93] : memref<1280x128xi32, #tpu.memory_space<hbm>> -> memref<2x128xi32, #tpu.memory_space<hbm>>
        tpu.wait_dma2 semaphore(%run_scoped3A_86 : memref<!tpu.dma_semaphore, #tpu.memory_space<semaphore_mem>>) src(%dma_wait3A_94 : memref<2x128xi32, #tpu.memory_space<hbm>>) dst(%arg8 : memref<2x128xi32, #tpu.memory_space<vmem>>)
        tpu.yield
      }) : () -> ()
      "tpu.region"() ({
        %run_scoped3A_86 = tpu.sem_alloc : memref<!tpu.dma_semaphore, #tpu.memory_space<semaphore_mem>>
        %dma_start3A_87 = arith.constant 0 : i32
        %dma_start3A_88 = tpu.memref_slice %arg3[%mul3A_40, %dma_start3A_87] : memref<163840x112xf32, #tpu.memory_space<hbm>> -> memref<256x112xf32, #tpu.memory_space<hbm>>
        %dma_start3A_89 = arith.constant 0 : i32
        %dma_start3A_90 = tpu.memref_slice %arg3[%mul3A_40, %dma_start3A_89] : memref<163840x112xf32, #tpu.memory_space<hbm>> -> memref<256x112xf32, #tpu.memory_space<hbm>>
        tpu.enqueue_dma source(%dma_start3A_90 : memref<256x112xf32, #tpu.memory_space<hbm>>) target(%arg9 : memref<256x112xf32, #tpu.memory_space<vmem>>) target_semaphore(%run_scoped3A_86 : memref<!tpu.dma_semaphore, #tpu.memory_space<semaphore_mem>>)
        %dma_wait3A_91 = arith.constant 0 : i32
        %dma_wait3A_92 = tpu.memref_slice %arg3[%mul3A_40, %dma_wait3A_91] : memref<163840x112xf32, #tpu.memory_space<hbm>> -> memref<256x112xf32, #tpu.memory_space<hbm>>
        %dma_wait3A_93 = arith.constant 0 : i32
        %dma_wait3A_94 = tpu.memref_slice %arg3[%mul3A_40, %dma_wait3A_93] : memref<163840x112xf32, #tpu.memory_space<hbm>> -> memref<256x112xf32, #tpu.memory_space<hbm>>
        tpu.wait_dma2 semaphore(%run_scoped3A_86 : memref<!tpu.dma_semaphore, #tpu.memory_space<semaphore_mem>>) src(%dma_wait3A_94 : memref<256x112xf32, #tpu.memory_space<hbm>>) dst(%arg9 : memref<256x112xf32, #tpu.memory_space<vmem>>)
        tpu.yield
      }) : () -> ()
      %dma_start3A = arith.constant 0 : i32
      %dma_start3A_44 = arith.constant 0 : i32
      %dma_start3A_45 = arith.constant 0 : i32
      %dma_start3A_46 = tpu.memref_slice %arg10[%dma_start3A_44, %dma_start3A_45] : memref<256x112xf32, #tpu.memory_space<vmem>> -> memref<128x112xf32, #tpu.memory_space<vmem>>
      %dma_start3A_47 = arith.constant 0 : i32
      %dma_start3A_48 = tpu.memref_slice %arg7[%dma_start3A, %dma_start3A_47] : memref<2x128xi32, #tpu.memory_space<vmem>> -> memref<1x128xi32, #tpu.memory_space<vmem>>
      %dma_start3A_49 = tpu.memref_squeeze %dma_start3A_48 : memref<1x128xi32, #tpu.memory_space<vmem>> -> memref<128xi32, #tpu.memory_space<vmem>>
      %dma_start3A_50 = arith.constant 0 : i32
      %dma_start3A_51 = arith.constant 0 : i32
      %dma_start3A_52 = tpu.memref_slice %arg2[%dma_start3A_50, %dma_start3A_51] : memref<10000x112xf32, #tpu.memory_space<hbm>> -> memref<10000x112xf32, #tpu.memory_space<hbm>>
      tpu.enqueue_indirect_dma source(%dma_start3A_52 : memref<10000x112xf32, #tpu.memory_space<hbm>>) target(%dma_start3A_46 : memref<128x112xf32, #tpu.memory_space<vmem>>) offsets(%dma_start3A_49 : memref<128xi32, #tpu.memory_space<vmem>>) semaphore(%arg13 : memref<!tpu.dma_semaphore, #tpu.memory_space<semaphore_mem>>)
      %dma_start3A_53 = arith.constant 1 : i32
      %dma_start3A_54 = arith.constant 128 : i32
      %dma_start3A_55 = arith.constant 0 : i32
      %dma_start3A_56 = tpu.memref_slice %arg10[%dma_start3A_54, %dma_start3A_55] : memref<256x112xf32, #tpu.memory_space<vmem>> -> memref<128x112xf32, #tpu.memory_space<vmem>>
      %dma_start3A_57 = arith.constant 0 : i32
      %dma_start3A_58 = tpu.memref_slice %arg7[%dma_start3A_53, %dma_start3A_57] : memref<2x128xi32, #tpu.memory_space<vmem>> -> memref<1x128xi32, #tpu.memory_space<vmem>>
      %dma_start3A_59 = tpu.memref_squeeze %dma_start3A_58 : memref<1x128xi32, #tpu.memory_space<vmem>> -> memref<128xi32, #tpu.memory_space<vmem>>
      %dma_start3A_60 = arith.constant 0 : i32
      %dma_start3A_61 = arith.constant 0 : i32
      %dma_start3A_62 = tpu.memref_slice %arg2[%dma_start3A_60, %dma_start3A_61] : memref<10000x112xf32, #tpu.memory_space<hbm>> -> memref<10000x112xf32, #tpu.memory_space<hbm>>
      tpu.enqueue_indirect_dma source(%dma_start3A_62 : memref<10000x112xf32, #tpu.memory_space<hbm>>) target(%dma_start3A_56 : memref<128x112xf32, #tpu.memory_space<vmem>>) offsets(%dma_start3A_59 : memref<128xi32, #tpu.memory_space<vmem>>) semaphore(%arg13 : memref<!tpu.dma_semaphore, #tpu.memory_space<semaphore_mem>>)
      %dma_wait3A = arith.constant 0 : i32
      %dma_wait3A_63 = arith.constant 0 : i32
      %dma_wait3A_64 = arith.constant 0 : i32
      %dma_wait3A_65 = tpu.memref_slice %arg10[%dma_wait3A_63, %dma_wait3A_64] : memref<256x112xf32, #tpu.memory_space<vmem>> -> memref<128x112xf32, #tpu.memory_space<vmem>>
      %dma_wait3A_66 = arith.constant 0 : i32
      %dma_wait3A_67 = tpu.memref_slice %arg7[%dma_wait3A, %dma_wait3A_66] : memref<2x128xi32, #tpu.memory_space<vmem>> -> memref<1x128xi32, #tpu.memory_space<vmem>>
      %dma_wait3A_68 = tpu.memref_squeeze %dma_wait3A_67 : memref<1x128xi32, #tpu.memory_space<vmem>> -> memref<128xi32, #tpu.memory_space<vmem>>
      %dma_wait3A_69 = arith.constant 0 : i32
      %dma_wait3A_70 = arith.constant 0 : i32
      %dma_wait3A_71 = tpu.memref_slice %arg2[%dma_wait3A_69, %dma_wait3A_70] : memref<10000x112xf32, #tpu.memory_space<hbm>> -> memref<10000x112xf32, #tpu.memory_space<hbm>>
      tpu.wait_indirect_dma semaphore(%arg13 : memref<!tpu.dma_semaphore, #tpu.memory_space<semaphore_mem>>) src(%dma_wait3A_71 : memref<10000x112xf32, #tpu.memory_space<hbm>>) dst(%dma_wait3A_65 : memref<128x112xf32, #tpu.memory_space<vmem>>)
      %dma_wait3A_72 = arith.constant 1 : i32
      %dma_wait3A_73 = arith.constant 128 : i32
      %dma_wait3A_74 = arith.constant 0 : i32
      %dma_wait3A_75 = tpu.memref_slice %arg10[%dma_wait3A_73, %dma_wait3A_74] : memref<256x112xf32, #tpu.memory_space<vmem>> -> memref<128x112xf32, #tpu.memory_space<vmem>>
      %dma_wait3A_76 = arith.constant 0 : i32
      %dma_wait3A_77 = tpu.memref_slice %arg7[%dma_wait3A_72, %dma_wait3A_76] : memref<2x128xi32, #tpu.memory_space<vmem>> -> memref<1x128xi32, #tpu.memory_space<vmem>>
      %dma_wait3A_78 = tpu.memref_squeeze %dma_wait3A_77 : memref<1x128xi32, #tpu.memory_space<vmem>> -> memref<128xi32, #tpu.memory_space<vmem>>
      %dma_wait3A_79 = arith.constant 0 : i32
      %dma_wait3A_80 = arith.constant 0 : i32
      %dma_wait3A_81 = tpu.memref_slice %arg2[%dma_wait3A_79, %dma_wait3A_80] : memref<10000x112xf32, #tpu.memory_space<hbm>> -> memref<10000x112xf32, #tpu.memory_space<hbm>>
      tpu.wait_indirect_dma semaphore(%arg13 : memref<!tpu.dma_semaphore, #tpu.memory_space<semaphore_mem>>) src(%dma_wait3A_81 : memref<10000x112xf32, #tpu.memory_space<hbm>>) dst(%dma_wait3A_75 : memref<128x112xf32, #tpu.memory_space<vmem>>)
      %parallel_loop3A_82 = arith.constant 0 : i32
      %parallel_loop3A_83 = arith.constant 256 : i32
      %parallel_loop3A_84 = arith.constant 1 : i32
      scf.for %parallel_loop3A_86 = %parallel_loop3A_82 to %parallel_loop3A_83 step %parallel_loop3A_84  : i32 {
        %parallel_loop3A_87 = arith.index_cast %parallel_loop3A_86 : i32 to index
        %parallel_loop3A_88 = arith.constant 0 : index
        %parallel_loop3A_89 = tpu.vector_load %arg10[%parallel_loop3A_87, %parallel_loop3A_88] {strides = array<i32>} : memref<256x112xf32, #tpu.memory_space<vmem>>, vector<1x16xf32>,
        %parallel_loop3A_90 = vector.shape_cast %parallel_loop3A_89 : vector<1x16xf32> to vector<16xf32>
        %parallel_loop3A_91 = arith.index_cast %parallel_loop3A_86 : i32 to index
        %parallel_loop3A_92 = arith.constant 0 : index
        %parallel_loop3A_93 = tpu.vector_load %arg9[%parallel_loop3A_91, %parallel_loop3A_92] {strides = array<i32>} : memref<256x112xf32, #tpu.memory_space<vmem>>, vector<1x16xf32>,
        %parallel_loop3A_94 = vector.shape_cast %parallel_loop3A_93 : vector<1x16xf32> to vector<16xf32>
        %parallel_loop3A_95 = arith.mulf %parallel_loop3A_90, %parallel_loop3A_94 : vector<16xf32>
        %parallel_loop3A_96 = arith.index_cast %parallel_loop3A_86 : i32 to index
        %parallel_loop3A_97 = arith.constant 16 : index
        %parallel_loop3A_98 = tpu.vector_load %arg10[%parallel_loop3A_96, %parallel_loop3A_97] {strides = array<i32>} : memref<256x112xf32, #tpu.memory_space<vmem>>, vector<1x16xf32>,
        %parallel_loop3A_99 = vector.shape_cast %parallel_loop3A_98 : vector<1x16xf32> to vector<16xf32>
        %parallel_loop3A_100 = arith.index_cast %parallel_loop3A_86 : i32 to index
        %parallel_loop3A_101 = arith.constant 16 : index
        %parallel_loop3A_102 = tpu.vector_load %arg9[%parallel_loop3A_100, %parallel_loop3A_101] {strides = array<i32>} : memref<256x112xf32, #tpu.memory_space<vmem>>, vector<1x16xf32>,
        %parallel_loop3A_103 = vector.shape_cast %parallel_loop3A_102 : vector<1x16xf32> to vector<16xf32>
        %parallel_loop3A_104 = arith.mulf %parallel_loop3A_99, %parallel_loop3A_103 : vector<16xf32>
        %parallel_loop3A_105 = arith.index_cast %parallel_loop3A_86 : i32 to index
        %parallel_loop3A_106 = arith.constant 32 : index
        %parallel_loop3A_107 = tpu.vector_load %arg10[%parallel_loop3A_105, %parallel_loop3A_106] {strides = array<i32>} : memref<256x112xf32, #tpu.memory_space<vmem>>, vector<1x16xf32>,
        %parallel_loop3A_108 = vector.shape_cast %parallel_loop3A_107 : vector<1x16xf32> to vector<16xf32>
        %parallel_loop3A_109 = arith.index_cast %parallel_loop3A_86 : i32 to index
        %parallel_loop3A_110 = arith.constant 32 : index
        %parallel_loop3A_111 = tpu.vector_load %arg9[%parallel_loop3A_109, %parallel_loop3A_110] {strides = array<i32>} : memref<256x112xf32, #tpu.memory_space<vmem>>, vector<1x16xf32>,
        %parallel_loop3A_112 = vector.shape_cast %parallel_loop3A_111 : vector<1x16xf32> to vector<16xf32>
        %parallel_loop3A_113 = arith.mulf %parallel_loop3A_108, %parallel_loop3A_112 : vector<16xf32>
        %parallel_loop3A_114 = arith.index_cast %parallel_loop3A_86 : i32 to index
        %parallel_loop3A_115 = arith.constant 48 : index
        %parallel_loop3A_116 = tpu.vector_load %arg10[%parallel_loop3A_114, %parallel_loop3A_115] {strides = array<i32>} : memref<256x112xf32, #tpu.memory_space<vmem>>, vector<1x16xf32>,
        %parallel_loop3A_117 = vector.shape_cast %parallel_loop3A_116 : vector<1x16xf32> to vector<16xf32>
        %parallel_loop3A_118 = arith.index_cast %parallel_loop3A_86 : i32 to index
        %parallel_loop3A_119 = arith.constant 48 : index
        %parallel_loop3A_120 = tpu.vector_load %arg9[%parallel_loop3A_118, %parallel_loop3A_119] {strides = array<i32>} : memref<256x112xf32, #tpu.memory_space<vmem>>, vector<1x16xf32>,
        %parallel_loop3A_121 = vector.shape_cast %parallel_loop3A_120 : vector<1x16xf32> to vector<16xf32>
        %parallel_loop3A_122 = arith.mulf %parallel_loop3A_117, %parallel_loop3A_121 : vector<16xf32>
        %parallel_loop3A_123 = arith.index_cast %parallel_loop3A_86 : i32 to index
        %parallel_loop3A_124 = arith.constant 64 : index
        %parallel_loop3A_125 = tpu.vector_load %arg10[%parallel_loop3A_123, %parallel_loop3A_124] {strides = array<i32>} : memref<256x112xf32, #tpu.memory_space<vmem>>, vector<1x16xf32>,
        %parallel_loop3A_126 = vector.shape_cast %parallel_loop3A_125 : vector<1x16xf32> to vector<16xf32>
        %parallel_loop3A_127 = arith.index_cast %parallel_loop3A_86 : i32 to index
        %parallel_loop3A_128 = arith.constant 64 : index
        %parallel_loop3A_129 = tpu.vector_load %arg9[%parallel_loop3A_127, %parallel_loop3A_128] {strides = array<i32>} : memref<256x112xf32, #tpu.memory_space<vmem>>, vector<1x16xf32>,
        %parallel_loop3A_130 = vector.shape_cast %parallel_loop3A_129 : vector<1x16xf32> to vector<16xf32>
        %parallel_loop3A_131 = arith.mulf %parallel_loop3A_126, %parallel_loop3A_130 : vector<16xf32>
        %parallel_loop3A_132 = arith.index_cast %parallel_loop3A_86 : i32 to index
        %parallel_loop3A_133 = arith.constant 80 : index
        %parallel_loop3A_134 = tpu.vector_load %arg10[%parallel_loop3A_132, %parallel_loop3A_133] {strides = array<i32>} : memref<256x112xf32, #tpu.memory_space<vmem>>, vector<1x16xf32>,
        %parallel_loop3A_135 = vector.shape_cast %parallel_loop3A_134 : vector<1x16xf32> to vector<16xf32>
        %parallel_loop3A_136 = arith.index_cast %parallel_loop3A_86 : i32 to index
        %parallel_loop3A_137 = arith.constant 80 : index
        %parallel_loop3A_138 = tpu.vector_load %arg9[%parallel_loop3A_136, %parallel_loop3A_137] {strides = array<i32>} : memref<256x112xf32, #tpu.memory_space<vmem>>, vector<1x16xf32>,
        %parallel_loop3A_139 = vector.shape_cast %parallel_loop3A_138 : vector<1x16xf32> to vector<16xf32>
        %parallel_loop3A_140 = arith.mulf %parallel_loop3A_135, %parallel_loop3A_139 : vector<16xf32>
        %parallel_loop3A_141 = arith.index_cast %parallel_loop3A_86 : i32 to index
        %parallel_loop3A_142 = arith.constant 96 : index
        %parallel_loop3A_143 = tpu.vector_load %arg10[%parallel_loop3A_141, %parallel_loop3A_142] {strides = array<i32>} : memref<256x112xf32, #tpu.memory_space<vmem>>, vector<1x16xf32>,
        %parallel_loop3A_144 = vector.shape_cast %parallel_loop3A_143 : vector<1x16xf32> to vector<16xf32>
        %parallel_loop3A_145 = arith.index_cast %parallel_loop3A_86 : i32 to index
        %parallel_loop3A_146 = arith.constant 96 : index
        %parallel_loop3A_147 = tpu.vector_load %arg9[%parallel_loop3A_145, %parallel_loop3A_146] {strides = array<i32>} : memref<256x112xf32, #tpu.memory_space<vmem>>, vector<1x16xf32>,
        %parallel_loop3A_148 = vector.shape_cast %parallel_loop3A_147 : vector<1x16xf32> to vector<16xf32>
        %parallel_loop3A_149 = arith.mulf %parallel_loop3A_144, %parallel_loop3A_148 : vector<16xf32>
        %parallel_loop3A_150 = arith.addf %parallel_loop3A_95, %parallel_loop3A_140 : vector<16xf32>
        %parallel_loop3A_151 = arith.index_cast %parallel_loop3A_86 : i32 to index
        %parallel_loop3A_152 = arith.constant 0 : index
        %parallel_loop3A_153 = tpu.vector_load %arg11[%parallel_loop3A_151, %parallel_loop3A_152] {strides = array<i32>} : memref<256x80xf32, #tpu.memory_space<vmem>>, vector<1x16xf32>,
        %parallel_loop3A_154 = vector.shape_cast %parallel_loop3A_153 : vector<1x16xf32> to vector<16xf32>
        %parallel_loop3A_155 = vector.shape_cast %parallel_loop3A_150 : vector<16xf32> to vector<1x16xf32>
        tpu.vector_store %arg11[%parallel_loop3A_151, %parallel_loop3A_152], %parallel_loop3A_155 {strides = array<i32>} : memref<256x80xf32, #tpu.memory_space<vmem>>, vector<1x16xf32>,
        %parallel_loop3A_156 = arith.addf %parallel_loop3A_104, %parallel_loop3A_149 : vector<16xf32>
        %parallel_loop3A_157 = arith.index_cast %parallel_loop3A_86 : i32 to index
        %parallel_loop3A_158 = arith.constant 16 : index
        %parallel_loop3A_159 = tpu.vector_load %arg11[%parallel_loop3A_157, %parallel_loop3A_158] {strides = array<i32>} : memref<256x80xf32, #tpu.memory_space<vmem>>, vector<1x16xf32>,
        %parallel_loop3A_160 = vector.shape_cast %parallel_loop3A_159 : vector<1x16xf32> to vector<16xf32>
        %parallel_loop3A_161 = vector.shape_cast %parallel_loop3A_156 : vector<16xf32> to vector<1x16xf32>
        tpu.vector_store %arg11[%parallel_loop3A_157, %parallel_loop3A_158], %parallel_loop3A_161 {strides = array<i32>} : memref<256x80xf32, #tpu.memory_space<vmem>>, vector<1x16xf32>,
        %parallel_loop3A_162 = arith.index_cast %parallel_loop3A_86 : i32 to index
        %parallel_loop3A_163 = arith.constant 32 : index
        %parallel_loop3A_164 = tpu.vector_load %arg11[%parallel_loop3A_162, %parallel_loop3A_163] {strides = array<i32>} : memref<256x80xf32, #tpu.memory_space<vmem>>, vector<1x16xf32>,
        %parallel_loop3A_165 = vector.shape_cast %parallel_loop3A_164 : vector<1x16xf32> to vector<16xf32>
        %parallel_loop3A_166 = vector.shape_cast %parallel_loop3A_113 : vector<16xf32> to vector<1x16xf32>
        tpu.vector_store %arg11[%parallel_loop3A_162, %parallel_loop3A_163], %parallel_loop3A_166 {strides = array<i32>} : memref<256x80xf32, #tpu.memory_space<vmem>>, vector<1x16xf32>,
        %parallel_loop3A_167 = arith.index_cast %parallel_loop3A_86 : i32 to index
        %parallel_loop3A_168 = arith.constant 48 : index
        %parallel_loop3A_169 = tpu.vector_load %arg11[%parallel_loop3A_167, %parallel_loop3A_168] {strides = array<i32>} : memref<256x80xf32, #tpu.memory_space<vmem>>, vector<1x16xf32>,
        %parallel_loop3A_170 = vector.shape_cast %parallel_loop3A_169 : vector<1x16xf32> to vector<16xf32>
        %parallel_loop3A_171 = vector.shape_cast %parallel_loop3A_122 : vector<16xf32> to vector<1x16xf32>
        tpu.vector_store %arg11[%parallel_loop3A_167, %parallel_loop3A_168], %parallel_loop3A_171 {strides = array<i32>} : memref<256x80xf32, #tpu.memory_space<vmem>>, vector<1x16xf32>,
        %parallel_loop3A_172 = arith.index_cast %parallel_loop3A_86 : i32 to index
        %parallel_loop3A_173 = arith.constant 64 : index
        %parallel_loop3A_174 = tpu.vector_load %arg11[%parallel_loop3A_172, %parallel_loop3A_173] {strides = array<i32>} : memref<256x80xf32, #tpu.memory_space<vmem>>, vector<1x16xf32>,
        %parallel_loop3A_175 = vector.shape_cast %parallel_loop3A_174 : vector<1x16xf32> to vector<16xf32>
        %parallel_loop3A_176 = vector.shape_cast %parallel_loop3A_131 : vector<16xf32> to vector<1x16xf32>
        tpu.vector_store %arg11[%parallel_loop3A_172, %parallel_loop3A_173], %parallel_loop3A_176 {strides = array<i32>} : memref<256x80xf32, #tpu.memory_space<vmem>>, vector<1x16xf32>,
      } {sc.loop_unroll_factor = 8 : i64, sc.parallel_access}
      %run_scoped3A = arith.constant 0 : i32
      "tpu.region"() ({
        %run_scoped3A_86 = tpu.sem_alloc : memref<!tpu.dma_semaphore, #tpu.memory_space<semaphore_mem>>
        %dma_start3A_87 = arith.constant 0 : i32
        %dma_start3A_88 = arith.constant 0 : i32
        %dma_start3A_89 = tpu.memref_slice %arg11[%dma_start3A_87, %dma_start3A_88] : memref<256x80xf32, #tpu.memory_space<vmem>> -> memref<128x80xf32, #tpu.memory_space<vmem>>
        %dma_start3A_90 = arith.constant 0 : i32
        %dma_start3A_91 = tpu.memref_slice %arg8[%run_scoped3A, %dma_start3A_90] : memref<2x128xi32, #tpu.memory_space<vmem>> -> memref<1x128xi32, #tpu.memory_space<vmem>>
        %dma_start3A_92 = tpu.memref_squeeze %dma_start3A_91 : memref<1x128xi32, #tpu.memory_space<vmem>> -> memref<128xi32, #tpu.memory_space<vmem>>
        %dma_start3A_93 = arith.constant 0 : i32
        %dma_start3A_94 = arith.constant 0 : i32
        %dma_start3A_95 = tpu.memref_slice %arg12[%dma_start3A_93, %dma_start3A_94] : memref<10112x80xf32, #tpu.memory_space<vmem_shared>> -> memref<10112x80xf32, #tpu.memory_space<vmem_shared>>
        tpu.enqueue_indirect_dma source(%dma_start3A_89 : memref<128x80xf32, #tpu.memory_space<vmem>>) target(%dma_start3A_95 : memref<10112x80xf32, #tpu.memory_space<vmem_shared>>) offsets(%dma_start3A_92 : memref<128xi32, #tpu.memory_space<vmem>>) semaphore(%run_scoped3A_86 : memref<!tpu.dma_semaphore, #tpu.memory_space<semaphore_mem>>) {add = true}
        %dma_wait3A_96 = arith.constant 0 : i32
        %dma_wait3A_97 = arith.constant 0 : i32
        %dma_wait3A_98 = tpu.memref_slice %arg11[%dma_wait3A_96, %dma_wait3A_97] : memref<256x80xf32, #tpu.memory_space<vmem>> -> memref<128x80xf32, #tpu.memory_space<vmem>>
        %dma_wait3A_99 = arith.constant 0 : i32
        %dma_wait3A_100 = tpu.memref_slice %arg8[%run_scoped3A, %dma_wait3A_99] : memref<2x128xi32, #tpu.memory_space<vmem>> -> memref<1x128xi32, #tpu.memory_space<vmem>>
        %dma_wait3A_101 = tpu.memref_squeeze %dma_wait3A_100 : memref<1x128xi32, #tpu.memory_space<vmem>> -> memref<128xi32, #tpu.memory_space<vmem>>
        %dma_wait3A_102 = arith.constant 0 : i32
        %dma_wait3A_103 = arith.constant 0 : i32
        %dma_wait3A_104 = tpu.memref_slice %arg12[%dma_wait3A_102, %dma_wait3A_103] : memref<10112x80xf32, #tpu.memory_space<vmem_shared>> -> memref<10112x80xf32, #tpu.memory_space<vmem_shared>>
        tpu.wait_indirect_dma semaphore(%run_scoped3A_86 : memref<!tpu.dma_semaphore, #tpu.memory_space<semaphore_mem>>) src(%dma_wait3A_98 : memref<128x80xf32, #tpu.memory_space<vmem>>) dst(%dma_wait3A_104 : memref<10112x80xf32, #tpu.memory_space<vmem_shared>>)
        tpu.yield
      }) : () -> ()
      %run_scoped3A_85 = arith.constant 1 : i32
      "tpu.region"() ({
        %run_scoped3A_86 = tpu.sem_alloc : memref<!tpu.dma_semaphore, #tpu.memory_space<semaphore_mem>>
        %dma_start3A_87 = arith.constant 128 : i32
        %dma_start3A_88 = arith.constant 0 : i32
        %dma_start3A_89 = tpu.memref_slice %arg11[%dma_start3A_87, %dma_start3A_88] : memref<256x80xf32, #tpu.memory_space<vmem>> -> memref<128x80xf32, #tpu.memory_space<vmem>>
        %dma_start3A_90 = arith.constant 0 : i32
        %dma_start3A_91 = tpu.memref_slice %arg8[%run_scoped3A_85, %dma_start3A_90] : memref<2x128xi32, #tpu.memory_space<vmem>> -> memref<1x128xi32, #tpu.memory_space<vmem>>
        %dma_start3A_92 = tpu.memref_squeeze %dma_start3A_91 : memref<1x128xi32, #tpu.memory_space<vmem>> -> memref<128xi32, #tpu.memory_space<vmem>>
        %dma_start3A_93 = arith.constant 0 : i32
        %dma_start3A_94 = arith.constant 0 : i32
        %dma_start3A_95 = tpu.memref_slice %arg12[%dma_start3A_93, %dma_start3A_94] : memref<10112x80xf32, #tpu.memory_space<vmem_shared>> -> memref<10112x80xf32, #tpu.memory_space<vmem_shared>>
        tpu.enqueue_indirect_dma source(%dma_start3A_89 : memref<128x80xf32, #tpu.memory_space<vmem>>) target(%dma_start3A_95 : memref<10112x80xf32, #tpu.memory_space<vmem_shared>>) offsets(%dma_start3A_92 : memref<128xi32, #tpu.memory_space<vmem>>) semaphore(%run_scoped3A_86 : memref<!tpu.dma_semaphore, #tpu.memory_space<semaphore_mem>>) {add = true}
        %dma_wait3A_96 = arith.constant 128 : i32
        %dma_wait3A_97 = arith.constant 0 : i32
        %dma_wait3A_98 = tpu.memref_slice %arg11[%dma_wait3A_96, %dma_wait3A_97] : memref<256x80xf32, #tpu.memory_space<vmem>> -> memref<128x80xf32, #tpu.memory_space<vmem>>
        %dma_wait3A_99 = arith.constant 0 : i32
        %dma_wait3A_100 = tpu.memref_slice %arg8[%run_scoped3A_85, %dma_wait3A_99] : memref<2x128xi32, #tpu.memory_space<vmem>> -> memref<1x128xi32, #tpu.memory_space<vmem>>
        %dma_wait3A_101 = tpu.memref_squeeze %dma_wait3A_100 : memref<1x128xi32, #tpu.memory_space<vmem>> -> memref<128xi32, #tpu.memory_space<vmem>>
        %dma_wait3A_102 = arith.constant 0 : i32
        %dma_wait3A_103 = arith.constant 0 : i32
        %dma_wait3A_104 = tpu.memref_slice %arg12[%dma_wait3A_102, %dma_wait3A_103] : memref<10112x80xf32, #tpu.memory_space<vmem_shared>> -> memref<10112x80xf32, #tpu.memory_space<vmem_shared>>
        tpu.wait_indirect_dma semaphore(%run_scoped3A_86 : memref<!tpu.dma_semaphore, #tpu.memory_space<semaphore_mem>>) src(%dma_wait3A_98 : memref<128x80xf32, #tpu.memory_space<vmem>>) dst(%dma_wait3A_104 : memref<10112x80xf32, #tpu.memory_space<vmem_shared>>)
        tpu.yield
      }) : () -> ()
    }
    %barrier3A_32 = arith.constant 0 : index
    tpu.barrier barrier_id(%barrier3A_32)
    %mul3A_33 = arith.constant 632 : i32
    %mul3A_34 = arith.muli %arg1, %mul3A_33 : i32
    %mul3A_35 = arith.constant 632 : i32
    %mul3A_36 = arith.muli %arg1, %mul3A_35 : i32
    "tpu.region"() ({
      %run_scoped3A = tpu.sem_alloc : memref<!tpu.dma_semaphore, #tpu.memory_space<semaphore_mem>>
      %dma_start3A = arith.constant 0 : i32
      %dma_start3A_37 = arith.constant 0 : i32
      %dma_start3A_38 = tpu.memref_slice %arg6[%arg0, %dma_start3A, %dma_start3A_37] : memref<2x10112x80xf32, #tpu.memory_space<hbm>> -> memref<1x10112x80xf32, #tpu.memory_space<hbm>>
      %dma_start3A_39 = tpu.memref_squeeze %dma_start3A_38 : memref<1x10112x80xf32, #tpu.memory_space<hbm>> -> memref<10112x80xf32, #tpu.memory_space<hbm>>
      %dma_start3A_40 = arith.constant 0 : i32
      %dma_start3A_41 = tpu.memref_slice %dma_start3A_39[%mul3A_36, %dma_start3A_40] : memref<10112x80xf32, #tpu.memory_space<hbm>> -> memref<632x80xf32, #tpu.memory_space<hbm>>
      %dma_start3A_42 = arith.constant 0 : i32
      %dma_start3A_43 = tpu.memref_slice %arg12[%mul3A_34, %dma_start3A_42] : memref<10112x80xf32, #tpu.memory_space<vmem_shared>> -> memref<632x80xf32, #tpu.memory_space<vmem_shared>>
      tpu.enqueue_dma source(%dma_start3A_43 : memref<632x80xf32, #tpu.memory_space<vmem_shared>>) target(%dma_start3A_41 : memref<632x80xf32, #tpu.memory_space<hbm>>) target_semaphore(%run_scoped3A : memref<!tpu.dma_semaphore, #tpu.memory_space<semaphore_mem>>)
      %dma_wait3A = arith.constant 0 : i32
      %dma_wait3A_44 = arith.constant 0 : i32
      %dma_wait3A_45 = tpu.memref_slice %arg6[%arg0, %dma_wait3A, %dma_wait3A_44] : memref<2x10112x80xf32, #tpu.memory_space<hbm>> -> memref<1x10112x80xf32, #tpu.memory_space<hbm>>
      %dma_wait3A_46 = tpu.memref_squeeze %dma_wait3A_45 : memref<1x10112x80xf32, #tpu.memory_space<hbm>> -> memref<10112x80xf32, #tpu.memory_space<hbm>>
      %dma_wait3A_47 = arith.constant 0 : i32
      %dma_wait3A_48 = tpu.memref_slice %dma_wait3A_46[%mul3A_36, %dma_wait3A_47] : memref<10112x80xf32, #tpu.memory_space<hbm>> -> memref<632x80xf32, #tpu.memory_space<hbm>>
      %dma_wait3A_49 = arith.constant 0 : i32
      %dma_wait3A_50 = tpu.memref_slice %arg12[%mul3A_34, %dma_wait3A_49] : memref<10112x80xf32, #tpu.memory_space<vmem_shared>> -> memref<632x80xf32, #tpu.memory_space<vmem_shared>>
      tpu.wait_dma2 semaphore(%run_scoped3A : memref<!tpu.dma_semaphore, #tpu.memory_space<semaphore_mem>>) src(%dma_wait3A_50 : memref<632x80xf32, #tpu.memory_space<vmem_shared>>) dst(%dma_wait3A_48 : memref<632x80xf32, #tpu.memory_space<hbm>>)
      tpu.yield
    }) : () -> ()
    return
  }
}

module attributes {stable_mosaic.version = 14 : i64} {
  func.func @_zx_k(%arg0: i32, %arg1: memref<1600x10xf32, #tpu.memory_space<vmem>>, %arg2: memref<16x128xf32, #tpu.memory_space<vmem>>, %arg3: memref<1600x128xf32, #tpu.memory_space<vmem>>) attributes {dimension_semantics = [#tpu.dimension_semantics<arbitrary>], iteration_bounds = array<i64: 100>, scalar_prefetch = 0 : i64, scratch_operands = 0 : i64, tpu.core_type = #tpu.core_type<tc>, window_params = [{transform_indices = @transform_0, window_bounds = array<i64: 1600, 10>}, {pipeline_mode = #tpu.pipeline_mode<synchronous>, transform_indices = @transform_1, window_bounds = array<i64: 16, 128>}, {transform_indices = @transform_2, window_bounds = array<i64: 1600, 128>}]} {
    %get3A = arith.constant 0 : index
    %get3A_0 = arith.constant 0 : index
    %get3A_1 = vector.load %arg1[%get3A, %get3A_0] : memref<1600x10xf32, #tpu.memory_space<vmem>>, vector<1600x10xf32>
    %broadcast_in_dim3A = arith.constant 1.000000e+00 : f32
    %broadcast_in_dim3A_2 = vector.broadcast %broadcast_in_dim3A : f32 to vector<1600x1xf32>
    %broadcast_in_dim3A_3 = arith.constant 0.000000e+00 : f32
    %broadcast_in_dim3A_4 = vector.broadcast %broadcast_in_dim3A_3 : f32 to vector<1600x5xf32>
    %concatenate3A = tpu.concatenate %get3A_1, %broadcast_in_dim3A_2, %broadcast_in_dim3A_4 in 1 : vector<1600x10xf32>, vector<1600x1xf32>, vector<1600x5xf32> -> vector<1600x16xf32>
    %get3A_5 = arith.constant 0 : index
    %get3A_6 = arith.constant 0 : index
    %get3A_7 = vector.load %arg2[%get3A_5, %get3A_6] : memref<16x128xf32, #tpu.memory_space<vmem>>, vector<16x128xf32>
    %dot_general3A = arith.constant dense<0.000000e+00> : vector<1600x128xf32>
    %dot_general3A_8 = tpu.matmul %concatenate3A, %get3A_7, %dot_general3A {dimension_numbers = #tpu.dot_dimension_numbers<[1], [0], [0], [1], [0, 0, 1, 1], [], []>, precision = #tpu.contract_precision<fp32>, transpose_lhs_hint = false} : vector<1600x16xf32>, vector<16x128xf32>, vector<1600x128xf32> -> vector<1600x128xf32>
    %swap3A = arith.constant 0 : index
    %swap3A_9 = arith.constant 0 : index
    %swap3A_10 = vector.load %arg3[%swap3A, %swap3A_9] : memref<1600x128xf32, #tpu.memory_space<vmem>>, vector<1600x128xf32>
    tpu.vector_store %arg3[%swap3A, %swap3A_9], %dot_general3A_8 {strides = array<i32>} : memref<1600x128xf32, #tpu.memory_space<vmem>>, vector<1600x128xf32>,
    return
  }
  func.func @transform_0(%arg0: i32) -> (i32, i32) {
    %c0_i32 = arith.constant 0 : i32
    %c0_i32_0 = arith.constant 0 : i32
    return %arg0, %c0_i32 : i32, i32
  }
  func.func @transform_1(%arg0: i32) -> (i32, i32) {
    %c0_i32 = arith.constant 0 : i32
    %c0_i32_0 = arith.constant 0 : i32
    %c0_i32_1 = arith.constant 0 : i32
    return %c0_i32, %c0_i32_0 : i32, i32
  }
  func.func @transform_2(%arg0: i32) -> (i32, i32) {
    %c0_i32 = arith.constant 0 : i32
    %c0_i32_0 = arith.constant 0 : i32
    return %arg0, %c0_i32 : i32, i32
  }
}

module attributes {stable_mosaic.version = 14 : i64} {
  func.func @_zx_k(%arg0: i32, %arg1: memref<1600x10xf32, #tpu.memory_space<vmem>>, %arg2: memref<16x112xf32, #tpu.memory_space<vmem>>, %arg3: memref<1600x112xf32, #tpu.memory_space<vmem>>) attributes {dimension_semantics = [#tpu.dimension_semantics<arbitrary>], iteration_bounds = array<i64: 100>, scalar_prefetch = 0 : i64, scratch_operands = 0 : i64, tpu.core_type = #tpu.core_type<tc>, window_params = [{transform_indices = @transform_0, window_bounds = array<i64: 1600, 10>}, {pipeline_mode = #tpu.pipeline_mode<synchronous>, transform_indices = @transform_1, window_bounds = array<i64: 16, 112>}, {transform_indices = @transform_2, window_bounds = array<i64: 1600, 112>}]} {
    %get3A = arith.constant 0 : index
    %get3A_0 = arith.constant 0 : index
    %get3A_1 = vector.load %arg1[%get3A, %get3A_0] : memref<1600x10xf32, #tpu.memory_space<vmem>>, vector<1600x10xf32>
    %broadcast_in_dim3A = arith.constant 1.000000e+00 : f32
    %broadcast_in_dim3A_2 = vector.broadcast %broadcast_in_dim3A : f32 to vector<1600x1xf32>
    %broadcast_in_dim3A_3 = arith.constant 0.000000e+00 : f32
    %broadcast_in_dim3A_4 = vector.broadcast %broadcast_in_dim3A_3 : f32 to vector<1600x5xf32>
    %concatenate3A = tpu.concatenate %get3A_1, %broadcast_in_dim3A_2, %broadcast_in_dim3A_4 in 1 : vector<1600x10xf32>, vector<1600x1xf32>, vector<1600x5xf32> -> vector<1600x16xf32>
    %get3A_5 = arith.constant 0 : index
    %get3A_6 = arith.constant 0 : index
    %get3A_7 = vector.load %arg2[%get3A_5, %get3A_6] : memref<16x112xf32, #tpu.memory_space<vmem>>, vector<16x112xf32>
    %dot_general3A = arith.constant dense<0.000000e+00> : vector<1600x112xf32>
    %dot_general3A_8 = tpu.matmul %concatenate3A, %get3A_7, %dot_general3A {dimension_numbers = #tpu.dot_dimension_numbers<[1], [0], [0], [1], [0, 0, 1, 1], [], []>, precision = #tpu.contract_precision<fp32>, transpose_lhs_hint = false} : vector<1600x16xf32>, vector<16x112xf32>, vector<1600x112xf32> -> vector<1600x112xf32>
    %swap3A = arith.constant 0 : index
    %swap3A_9 = arith.constant 0 : index
    %swap3A_10 = vector.load %arg3[%swap3A, %swap3A_9] : memref<1600x112xf32, #tpu.memory_space<vmem>>, vector<1600x112xf32>
    tpu.vector_store %arg3[%swap3A, %swap3A_9], %dot_general3A_8 {strides = array<i32>} : memref<1600x112xf32, #tpu.memory_space<vmem>>, vector<1600x112xf32>,
    return
  }
  func.func @transform_0(%arg0: i32) -> (i32, i32) {
    %c0_i32 = arith.constant 0 : i32
    %c0_i32_0 = arith.constant 0 : i32
    return %arg0, %c0_i32 : i32, i32
  }
  func.func @transform_1(%arg0: i32) -> (i32, i32) {
    %c0_i32 = arith.constant 0 : i32
    %c0_i32_0 = arith.constant 0 : i32
    %c0_i32_1 = arith.constant 0 : i32
    return %c0_i32, %c0_i32_0 : i32, i32
  }
  func.func @transform_2(%arg0: i32) -> (i32, i32) {
    %c0_i32 = arith.constant 0 : i32
    %c0_i32_0 = arith.constant 0 : i32
    return %arg0, %c0_i32 : i32, i32
  }
}

</mosaic_0001>

<sc_bundles>
// kernel: kernel.10.cloned.1.call-start
scs
__scs_entry_jumppad:
0x0: {  	(pc) =	sbr.rel $0x88, $3  }
0x1: {  	(tag) =	ssettag $0x0;
	lr =	simm.s32 $0x1  }
0x2: {  	[smem:$0x3F8E] =	sst lr;
	_ =	strace $0xD0000000  }
0x3: {  	_ = 	snop  }
0x4: {  	_ = 	snop  }
0x5: {  	_ = 	snop  }
0x6: {  	_ = 	snop  }
0x7: {  	_ = 	snop  }
__scs_overlays_trampoline_lowered:
0x8: {  	[smem:$0x3F9D] =	sst s0  }
0x9: {  	[smem:$0x3F9E] =	sst s1  }
0xa: {  	[smem:$0x3F9F] =	sst s2  }
0xb: {  	[smem:$0x3FA0] =	sst s3  }
0xc: {  	[smem:$0x3FA1] =	sst s4  }
0xd: {  	[smem:$0x3FA2] =	sst s5  }
0xe: {  	[smem:$0x3FA3] =	sst s6  }
0xf: {  	[smem:$0x3FA4] =	sst s7  }
0x10: {  	[smem:$0x3FA5] =	sst s8  }
0x11: {  	[smem:$0x3FA6] =	sst s9;
	s0 =	simm.s32 @!p0 $0x0  }
0x12: {  	s1 =	sld [smem:$0x3F8C];
	s0 =	simm.s32 @p0 $0x1  }
0x13: {  	[smem:$0x3FA7] =	sst s0;
	s0 =	simm.s32 @!p1 $0x0  }
0x14: {  	s2 =	sld [smem:$0x3F8B];
	s0 =	simm.s32 @p1 $0x1  }
0x15: {  	[smem:$0x3FA8] =	sst s0;
	s0 =	simm.s32 @!p2 $0x0  }
0x16: {  	s3 =	sld [smem:$0x3FDB];
	s0 =	simm.s32 @p2 $0x1  }
0x17: {  	s4 =	simm.s32 $0x1BF5;
	[smem:$0x3FAA] =	sst s0  }
0x18: {  	s0 =	sld [smem:$0x3F8D];
	_ =	swait.ge [sflag:s4], $0x0  }
0x19: {  	s7 =	sld [smem:$0x3F8E]  }
0x1a: {  	s8 =	sadd.s32 $0xFFFFE003, lr  }
0x1b: {  	s9 =	sadd.s32 $0xFFFFFEF7, lr;
	s5 =	simm.s32 $0xFFFFFFFF;
	p2 =	slt.u32 s8, $0xFFFFF086  }
0x1c: {  	p1 =	slt.u32 s9, $0xF7A;
	s5 =	simm.s32 @!p2 $0x0  }
0x1d: {  	s5 =	simm.s32 @p1 $0x1;
	p0 =	seq.s32 s7, s2  }
0x1e: {  	s7 =	smul.u32 @!p0 $0xF7A, s2;
	p2 =	seq.s32 @!p0 s5, $0x0  }
0x1f: {  	s9 =	smul.u32 $0xF7A, s1;
	s8 =	simm.s32 @!p0 $0x1BF5;
	p2 =	por !p2, p0  }
0x20: {  	[sflag:s8] =	ssyncset.s32 @!p0 $0xFFFFF086;
	s6 =	sadd.s32 @!p0 s3, s7;
	s7 =	simm.s32 @!p0 $0x108  }
0x21: {  	s3 =	sadd.s32 s3, s9;
	s6 =	sadd.s32 @!p0 $0x88, s6;
	s7 =	simm.s32 @p2 $0x1082  }
0x22: {  	[simem:s7], [sflag:s8] =	dma.local @!p0 [hbm:s6], $0xF7A  }
0x23: {  	s9 =	sor.u32 $0xD0000000, s2;
	s6 =	simm.s32 $0x108;
	_ =	swait.ge @!p0 [sflag:s8], $0x0  }
0x24: {  	s3 =	sadd.s32 $0x88, s3;
	s6 =	simm.s32 @!p1 $0x1082;
	[sflag:s4] =	ssyncset.s32 $0xFFFFF086  }
0x25: {  	[simem:s6], [sflag:s4] =	dma.local [hbm:s3], $0xF7A  }
0x26: {  	[smem:$0x3F8E] =	sst s1;
	(tag) =	ssettag s2;
	_ =	strace s9  }
0x27: {  	s1 =	sld [smem:$0x3F9E]  }
0x28: {  	s2 =	sld [smem:$0x3F9F]  }
0x29: {  	s4 =	sld [smem:$0x3FA1]  }
0x2a: {  	p0 =	seq.s32 s5, $0x0;
	s5 =	sld [smem:$0x3FA2]  }
0x2b: {  	s6 =	sld [smem:$0x3FA3]  }
0x2c: {  	s7 =	sld [smem:$0x3FA4]  }
0x2d: {  	s3 =	simm.s32 $0x108;
	s8 =	sld [smem:$0x3FA5]  }
0x2e: {  	s3 =	simm.s32 @!p0 $0x1082;
	s9 =	sld [smem:$0x3FA6]  }
0x2f: {  	lr =	sadd.s32 s0, s3;
	s0 =	sld [smem:$0x3F9D]  }
0x30: {  	s3 =	sld [smem:$0x3FA0]  }
0x31: {  	[smem:$0x3FA9] =	sst s10  }
0x32: {  	s10 =	sld [smem:$0x3FA7];
	_ =	sdelay $0x3  }
0x33: {  	p0 =	seq.s32 s10, $0x1;
	s10 =	sld [smem:$0x3FA9];
	_ =	sdelay $0x3  }
0x34: {  	[smem:$0x3FA9] =	sst s10  }
0x35: {  	s10 =	sld [smem:$0x3FA8];
	_ =	sdelay $0x3  }
0x36: {  	p1 =	seq.s32 s10, $0x1;
	s10 =	sld [smem:$0x3FA9];
	_ =	sdelay $0x3  }
0x37: {  	[smem:$0x3FA9] =	sst s10  }
0x38: {  	s10 =	sld [smem:$0x3FAA]  }
0x39: {  	_ = 	snop;
	(pc) =	sbr.ind lr, $3  }
0x3a: {  	_ = 	snop  }
0x3b: {  	_ = 	snop  }
0x3c: {  	p2 =	seq.s32 s10, $0x1;
	s10 =	sld [smem:$0x3FA9]  }
0x3d: {  	_ =	shalt  }
0x3e: {  	_ =	shalt  }
0x3f: {  	_ =	shalt  }
0x40: {  	_ =	shalt  }
0x41: {  	_ =	shalt  }
0x42: {  	_ =	shalt  }
0x43: {  	_ =	shalt  }
0x44: {  	_ =	shalt  }
0x45: {  	_ =	shalt  }
0x46: {  	_ =	shalt  }
0x47: {  	_ =	shalt  }
0x48: {  	_ =	shalt  }
0x49: {  	_ =	shalt  }
0x4a: {  	_ =	shalt  }
0x4b: {  	_ =	shalt  }
0x4c: {  	_ =	shalt  }
0x4d: {  	_ =	shalt  }
0x4e: {  	_ =	shalt  }
0x4f: {  	_ =	shalt  }
0x50: {  	_ =	shalt  }
0x51: {  	_ =	shalt  }
0x52: {  	_ =	shalt  }
0x53: {  	_ =	shalt  }
0x54: {  	_ =	shalt  }
0x55: {  	_ =	shalt  }
0x56: {  	_ =	shalt  }
0x57: {  	_ =	shalt  }
0x58: {  	_ =	shalt  }
0x59: {  	_ =	shalt  }
0x5a: {  	_ =	shalt  }
0x5b: {  	_ =	shalt  }
0x5c: {  	_ =	shalt  }
0x5d: {  	_ =	shalt  }
0x5e: {  	_ =	shalt  }
0x5f: {  	_ =	shalt  }
0x60: {  	_ =	shalt  }
0x61: {  	_ =	shalt  }
0x62: {  	_ =	shalt  }
0x63: {  	_ =	shalt  }
0x64: {  	_ =	shalt  }
0x65: {  	_ =	shalt  }
0x66: {  	_ =	shalt  }
0x67: {  	_ =	shalt  }
0x68: {  	_ =	shalt  }
0x69: {  	_ =	shalt  }
0x6a: {  	_ =	shalt  }
0x6b: {  	_ =	shalt  }
0x6c: {  	_ =	shalt  }
0x6d: {  	_ =	shalt  }
0x6e: {  	_ =	shalt  }
0x6f: {  	_ =	shalt  }
0x70: {  	_ =	shalt  }
0x71: {  	_ =	shalt  }
0x72: {  	_ =	shalt  }
0x73: {  	_ =	shalt  }
0x74: {  	_ =	shalt  }
0x75: {  	_ =	shalt  }
0x76: {  	_ =	shalt  }
0x77: {  	_ =	shalt  }
0x78: {  	_ =	shalt  }
0x79: {  	_ =	shalt  }
0x7a: {  	_ =	shalt  }
0x7b: {  	_ =	shalt  }
0x7c: {  	_ =	shalt  }
0x7d: {  	_ =	shalt  }
0x7e: {  	_ =	shalt  }
0x7f: {  	_ =	shalt  }
0x80: {  	_ =	shalt  }
0x81: {  	_ =	shalt  }
0x82: {  	_ =	shalt  }
0x83: {  	_ =	shalt  }
0x84: {  	_ =	shalt  }
0x85: {  	_ =	shalt  }
0x86: {  	_ =	shalt  }
0x87: {  	_ =	shalt  }
.Lfunc_end0:
.L_simem_size_0:
called_computation.1_lowered:
.L_overlay_start_0:
0x88: {  	s2 =	sld [smem:$0x3FD9]  }
0x89: {  	s3 =	sld [smem:$0x3FFE];
	_ =	sdelay $0x1  }
0x8a: {  	s1 =	srdreg.scid  }
0x8b: {  	s0 =	sand.u32 $0x1, s1  }
0x8c: {  	s16 =	sshll.u32 s0, $0xA;
	s2 =	sadd.s32 s3, s2  }
0x8d: {  	s2 =	sadd.s32 s2, s16  }
0x8e: {  	[smem:$0x3FB5] =	sst s2  }
0x8f: {  	_ = 	snop  }
0x90: {  	(tm) =	ssettm $0x1  }
0x91: {  	s17 =	sld [smem:$0x3FFB];
	_ =	sdelay $0x3  }
0x92: {  	_ =	strace s17  }
0x93: {  	s2 =	sld [smem:$0x3FFC];
	_ =	sdelay $0x3  }
0x94: {  	_ =	strace s2  }
0x95: {  	s2 =	sld [smem:$0x3FFD];
	_ =	sdelay $0x3  }
0x96: {  	_ =	strace s2  }
0x97: {  	_ =	strace $0x8FFFFFFF  }
0x98: {  	s18 =	sld [smem:$0x3FDB];
	_ =	sdelay $0x1  }
0x99: {  	s19 =	simm.s32 $_scs_section_size  }
0x9a: {  	s4 =	simm.s32 $_size__tile_overlayer_lowered;
	s5 =	simm.s32 $_tile_overlayer_lowered  }
0x9b: {  	s22 =	simm.s32 $0x1BFF;
	s21 =	sshll.u32 s5, $0x1;
	s2 =	sadd.s32 s19, s18  }
0x9c: {  	s6 =	simm.s32 $0x0;
	s20 =	sshll.u32 s4, $0x1;
	s4 =	sadd.s32 s21, s2  }
0x9d: {  	[timem:s6], [sflag:s22] =	dma.local [hbm:s4], s20  }
0x9e: {  	_ =	swait.ge [sflag:s22], s20  }
0x9f: {  	s3 =	ssub.s32 $0x0, s20;
	[sflag:s22] =	ssyncset.done $0x0  }
0xa0: {  	[sflag:s22] =	ssyncadd.s32 s3;
	_ =	sdelay $0x1  }
0xa1: {  	s23 =	simm.s32 $0x1B8B  }
0xa2: {  	_ =	swait.ge [sflag:s23], $0x1  }
0xa3: {  	[sflag:s23] =	ssyncset.done $0x0  }
0xa4: {  	s25 =	simm.s32 $0x1B8E;
	s24 =	sld [smem:$0x3FFE];
	[sflag:s23] =	ssyncadd.s32 $0xFFFFFFFF  }
0xa5: {  	s26 =	simm.s32 $execute0_lowered;
	[smem:$0x3FD2] =	sst s25  }
0xa6: {  	s4 =	sshll.u32 s26, $0x1;
	_ =	strace $0x80000049;
	[dreg:$0x1] =	wrdreg $0xFFFFFFFF  }
0xa7: {  	s28 =	simm.s32 $_size_execute0_lowered;
	s2 =	sadd.s32 s2, s4;
	[dreg:$0x0] =	wrdreg $0x0  }
0xa8: {  	s4 =	sshll.u32 s28, $0x1;
	[dreg:$0x2] =	wrdreg s2  }
0xa9: {  	[dreg:$0x3] =	wrdreg s4  }
0xaa: {  	[dreg:$0x4] =	wrdreg $0xC0  }
0xab: {  	_ =	task [dreg:s6], $0x5FFFF  }
0xac: {  	[dreg:$0x1] =	wrdreg $0xFFFFFFFF  }
0xad: {  	[dreg:$0x0] =	wrdreg $0x60  }
0xae: {  	[dreg:$0x2] =	wrdreg s24  }
0xaf: {  	[dreg:$0x3] =	wrdreg $0x132000  }
0xb0: {  	[dreg:$0x4] =	wrdreg $0x9  }
0xb1: {  	_ =	task.clear_ibuf [dreg:s6], $0x5FFFF;
	_ =	strace $0x90000049  }
0xb2: {  	s29 =	simm.s32 $0x9;
	_ =	strace $0x8000004B  }
0xb3: {  	_ =	swait.ge [sflag:s29], $0x1  }
0xb4: {  	[sflag:s29] =	ssyncadd.s32 $0xFFFFFFFF  }
0xb5: {  	_ =	strace $0x9000004B  }
0xb6: {  	_ =	sfence  }
0xb7: {  	s30 =	sld [smem:$0x0];
	_ =	sdelay $0x2  }
0xb8: {  	s31 =	sshll.u32 s1, $0xD;
	s1 =	sshrl.u32 s1, $0x2  }
0xb9: {  	s3 =	sand.u32 $0x4000, s31;
	s1 =	sadd.s32 s1, s30  }
0xba: {  	s0 =	sor.u32 s3, s0;
	s1 =	sshll.u32 s1, $0x11  }
0xbb: {  	s0 =	sor.u32 s1, s0  }
0xbc: {  	s0 =	sadd.s32 $0x8F2B, s0  }
0xbd: {  	[sflag:s0] =	ssyncadd.remote.s32 $0x1  }
0xbe: {  	_ =	sfence.sel $0xFFFF  }
0xbf: {  	[dreg:$0x0] =	wrdreg $0xFFFFFFFF;
	(pc) =	sbr.abs _section_cstart, $3  }
0xc0: {  	[dreg:$0x1] =	wrdreg $0xFFFFFFFF  }
0xc1: {  	_ =	task.clear_ibuf [dreg:s6], $0x2FFFF;
	_ =	strace $0x9FFFFFFF  }
0xc2: {  	(tm) =	ssettm $0x7FFFFFFF  }
0xc3: {  	_ =	shalt  }
tec
execute0_lowered:
.L_overlay_start_1:
0x0: {  	(tag) =	ssettag $0x1  }
0x1: {  	s8 =	rddreg [dreg:$0x0]  }
0x2: {  	s1 =	rddreg [dreg:$0x1]  }
0x3: {  	s0 =	rddreg [dreg:$0x2];
	s2 =	simm.s32 $0x0;
	s3 =	srdreg.scid  }
0x4: {  	s16 =	simm.s32 $0x200;
	s17 =	simm.s32 $0x80;
	s18 =	simm.s32 $0x7200  }
0x5: {  	s19 =	simm.s32 $0xAA00;
	s20 =	simm.s32 $0x1;
	s21 =	simm.s32 $0x180  }
0x6: {  	s22 =	simm.s32 $0x10A00;
	[smem:$0x7FF] =	sst s2;
	s9 =	sand.u32 $0x1, s3  }
0x7: {  	s4 =	sadd.s32 $0x26DE00, s8;
	s3 =	stileid.u32;
	s10 =	smul.u32 $0x18B00, s9  }
0x8: {  	s5 =	sadd.s32 $0x3DE00, s8;
	s6 =	sadd.s32 $0x2E00, s8;
	s11 =	smul.u32 $0x14, s3  }
0x9: {  	s7 =	sadd.s32 $0x7E00, s8;
	_ =	strace $0x8000004A;
	s13 =	smul.u32 $0x31600, s3  }
0xa: {  	s12 =	ssub.s32 $0x2, s9;
	p0 =	seq.s32 s9, $0x0;
	s15 =	smul.u32 $0xC580, s3  }
0xb: {  	s29 =	sshrl.u32 s12, $0x1;
	s14 =	sadd.s32 s10, s8;
	s8 =	sadd.s32 $0x140, s11  }
0xc: {  	s30 =	sshrl.u32 s13, $0x2;
	s12 =	ssub.s32 s12, s29;
	s9 =	sadd.s32 s15, s1  }
0xd: {  	s24 =	sshrl.u32 s15, $0x3;
	s13 =	simm.s32 $0xE200;
	s15 =	simm.s32 $0x100  }
0xe: {  	s8 =	smov.u32 @p0 s11;
	s31 =	sadd.s32 s30, s1;
	s23 =	sadd.s32 $0x290200, s14  }
0xf: {  	s12 =	smax.u32 s12, $0x1;
	s14 =	simm.s32 $0x2;
	s10 =	sadd.s32 $0x5000, s31  }
0x10: {  	v0 =	vimm.f32 $0.0e+00;
	s11 =	sadd.s32 $0xA000, s31;
	s23 =	sadd.s32 s24, s23;
	s24 =	simm.s32 $0x0  }
.LBB2_1:
0x11: {  	s25 =	simm.s32 $0xE340  }
0x12: {  	[tilespmem:s25+$0xFFFFFEC0] =	vst v0  }
0x13: {  	[tilespmem:s25+$0x130] =	vst v0  }
0x14: {  	[tilespmem:s25+$0x120] =	vst v0  }
0x15: {  	[tilespmem:s25+$0x110] =	vst v0  }
0x16: {  	[tilespmem:s25+$0x100] =	vst v0  }
0x17: {  	[tilespmem:s25+$0xF0] =	vst v0  }
0x18: {  	[tilespmem:s25+$0xE0] =	vst v0  }
0x19: {  	[tilespmem:s25+$0xD0] =	vst v0  }
0x1a: {  	[tilespmem:s25+$0xC0] =	vst v0  }
0x1b: {  	[tilespmem:s25+$0xB0] =	vst v0  }
0x1c: {  	[tilespmem:s25+$0xA0] =	vst v0  }
0x1d: {  	[tilespmem:s25+$0x90] =	vst v0  }
0x1e: {  	[tilespmem:s25+$0x80] =	vst v0  }
0x1f: {  	[tilespmem:s25+$0x70] =	vst v0  }
0x20: {  	[tilespmem:s25+$0x60] =	vst v0  }
0x21: {  	[tilespmem:s25+$0x50] =	vst v0  }
0x22: {  	[tilespmem:s25+$0x40] =	vst v0  }
0x23: {  	[tilespmem:s25+$0x30] =	vst v0  }
0x24: {  	[tilespmem:s25+$0x20] =	vst v0  }
0x25: {  	[tilespmem:s25+$0x10] =	vst v0  }
0x26: {  	[tilespmem:s25+$0x0] =	vst v0  }
0x27: {  	[tilespmem:s25+$0xFFFFFFF0] =	vst v0  }
0x28: {  	[tilespmem:s25+$0xFFFFFFE0] =	vst v0  }
0x29: {  	[tilespmem:s25+$0xFFFFFFD0] =	vst v0  }
0x2a: {  	[tilespmem:s25+$0xFFFFFFC0] =	vst v0  }
0x2b: {  	[tilespmem:s25+$0xFFFFFFB0] =	vst v0  }
0x2c: {  	[tilespmem:s25+$0xFFFFFFA0] =	vst v0  }
0x2d: {  	[tilespmem:s25+$0xFFFFFF90] =	vst v0  }
0x2e: {  	[tilespmem:s25+$0xFFFFFF80] =	vst v0  }
0x2f: {  	[tilespmem:s25+$0xFFFFFF70] =	vst v0  }
0x30: {  	[tilespmem:s25+$0xFFFFFF60] =	vst v0  }
0x31: {  	[tilespmem:s25+$0xFFFFFF50] =	vst v0  }
0x32: {  	[tilespmem:s25+$0xFFFFFF40] =	vst v0  }
0x33: {  	[tilespmem:s25+$0xFFFFFF30] =	vst v0  }
0x34: {  	[tilespmem:s25+$0xFFFFFF20] =	vst v0  }
0x35: {  	[tilespmem:s25+$0xFFFFFF10] =	vst v0  }
0x36: {  	[tilespmem:s25+$0xFFFFFF00] =	vst v0  }
0x37: {  	[tilespmem:s25+$0xFFFFFEF0] =	vst v0  }
0x38: {  	s26 =	simm.s32 $0x0;
	[tilespmem:s25+$0xFFFFFEE0] =	vst v0  }
.LBB2_2:
0x39: {  	s26 =	sadd.s32 $0x8, s26;
	[tilespmem:s25+$0xFFFFFED0] =	vst v0;
	s25 =	sadd.s32 $0x280, s25  }
0x3a: {  	[tilespmem:s25+$0xFFFFFEC0] =	vst v0;
	p0 =	slt.u32 s26, $0xF8  }
0x3b: {  	[tilespmem:s25+$0x130] =	vst v0  }
0x3c: {  	[tilespmem:s25+$0x120] =	vst v0  }
0x3d: {  	[tilespmem:s25+$0x110] =	vst v0  }
0x3e: {  	[tilespmem:s25+$0x100] =	vst v0  }
0x3f: {  	[tilespmem:s25+$0xF0] =	vst v0  }
0x40: {  	[tilespmem:s25+$0xE0] =	vst v0  }
0x41: {  	[tilespmem:s25+$0xD0] =	vst v0  }
0x42: {  	[tilespmem:s25+$0xC0] =	vst v0  }
0x43: {  	[tilespmem:s25+$0xB0] =	vst v0  }
0x44: {  	[tilespmem:s25+$0xA0] =	vst v0  }
0x45: {  	[tilespmem:s25+$0x90] =	vst v0  }
0x46: {  	[tilespmem:s25+$0x80] =	vst v0  }
0x47: {  	[tilespmem:s25+$0x70] =	vst v0  }
0x48: {  	[tilespmem:s25+$0x60] =	vst v0  }
0x49: {  	[tilespmem:s25+$0x50] =	vst v0  }
0x4a: {  	[tilespmem:s25+$0x40] =	vst v0  }
0x4b: {  	[tilespmem:s25+$0x30] =	vst v0  }
0x4c: {  	[tilespmem:s25+$0x20] =	vst v0  }
0x4d: {  	[tilespmem:s25+$0x10] =	vst v0  }
0x4e: {  	[tilespmem:s25+$0x0] =	vst v0  }
0x4f: {  	[tilespmem:s25+$0xFFFFFFF0] =	vst v0  }
0x50: {  	[tilespmem:s25+$0xFFFFFFE0] =	vst v0  }
0x51: {  	[tilespmem:s25+$0xFFFFFFD0] =	vst v0  }
0x52: {  	[tilespmem:s25+$0xFFFFFFC0] =	vst v0  }
0x53: {  	[tilespmem:s25+$0xFFFFFFB0] =	vst v0  }
0x54: {  	[tilespmem:s25+$0xFFFFFFA0] =	vst v0  }
0x55: {  	[tilespmem:s25+$0xFFFFFF90] =	vst v0  }
0x56: {  	[tilespmem:s25+$0xFFFFFF80] =	vst v0  }
0x57: {  	[tilespmem:s25+$0xFFFFFF70] =	vst v0  }
0x58: {  	[tilespmem:s25+$0xFFFFFF60] =	vst v0  }
0x59: {  	[tilespmem:s25+$0xFFFFFF50] =	vst v0  }
0x5a: {  	[tilespmem:s25+$0xFFFFFF40] =	vst v0  }
0x5b: {  	[tilespmem:s25+$0xFFFFFF30] =	vst v0  }
.Ltmp0:
0x5c: {  	[tilespmem:s25+$0xFFFFFF20] =	vst v0;
	(pc) =	sbr.rel @p0 .LBB2_2-.Ltmp0, $4  }
0x5d: {  	[tilespmem:s25+$0xFFFFFF10] =	vst v0  }
0x5e: {  	[tilespmem:s25+$0xFFFFFF00] =	vst v0  }
0x5f: {  	[tilespmem:s25+$0xFFFFFEF0] =	vst v0  }
0x60: {  	[tilespmem:s25+$0xFFFFFEE0] =	vst v0  }
0x61: {  	[tilespmem:s25+$0xFFFFFED0] =	vst v0  }
0x62: {  	[spmem:s9] =	stream.linear.scatter [tilespmem:s13], [sflag:$0x2], $0x5000, $0x38;
	[tilespmem:$0x1F780] =	vst v63  }
0x63: {  	_ =	swait.ge [sflag:s14], $0x5000  }
0x64: {  	[sflag:s14] =	ssyncset.done $0x0  }
0x65: {  	[sflag:s14] =	ssyncadd.s32 $0xFFFFB000  }
0x66: {  	[spmem:s10] =	stream.linear.scatter [tilespmem:s13], [sflag:$0x2], $0x5000, $0x38;
	[tilespmem:$0x1F780] =	vst v63  }
0x67: {  	_ =	swait.ge [sflag:s14], $0x5000  }
0x68: {  	[sflag:s14] =	ssyncset.done $0x0  }
0x69: {  	[sflag:s14] =	ssyncadd.s32 $0xFFFFB000  }
0x6a: {  	[spmem:s11] =	stream.linear.scatter [tilespmem:s13], [sflag:$0x2], $0x2580, $0x38;
	[tilespmem:$0x1F780] =	vst v63  }
0x6b: {  	_ =	swait.ge [sflag:s14], $0x2580  }
0x6c: {  	[sflag:s14] =	ssyncset.done $0x0  }
0x6d: {  	[sflag:s14] =	ssyncadd.s32 $0xFFFFDA80  }
0x6e: {  	s25 =	simm.s32 $0x0;
	[bflag:$0x0] =	sbarrier.arrive $0xFFFF  }
.LBB2_4:
0x6f: {  	s26 =	sadd.s32 s8, s25  }
0x70: {  	s28 =	sshll.u32 s26, $0x5  }
0x71: {  	s29 =	sadd.s32 s6, s28  }
0x72: {  	[tilespmem:s2], [sflag:$0x2] =	stream.linear.gather [hbm4b:s29+s2], $0x100, $0x38;
	[tilespmem:$0x1F780] =	vst v63  }
0x73: {  	_ =	swait.ge [sflag:s14], $0x100  }
0x74: {  	[sflag:s14] =	ssyncset.done $0x0  }
0x75: {  	s28 =	sadd.s32 s7, s28;
	[sflag:s14] =	ssyncadd.s32 $0xFFFFFF00  }
0x76: {  	[tilespmem:s15], [sflag:$0x2] =	stream.linear.gather [hbm4b:s28+s2], $0x100, $0x38;
	[tilespmem:$0x1F780] =	vst v63  }
0x77: {  	s26 =	smul.u32 $0xE00, s26;
	_ =	swait.ge [sflag:s14], $0x100  }
0x78: {  	[sflag:s14] =	ssyncset.done $0x0  }
0x79: {  	s26 =	sadd.s32 s5, s26;
	[sflag:s14] =	ssyncadd.s32 $0xFFFFFF00  }
0x7a: {  	[tilespmem:s16], [sflag:$0x2] =	stream.linear.gather [hbm4b:s26+s2], $0x7000, $0x38;
	[tilespmem:$0x1F780] =	vst v63  }
0x7b: {  	_ =	swait.ge [sflag:s14], $0x7000  }
0x7c: {  	[sflag:s14] =	ssyncset.done $0x0  }
0x7d: {  	[sflag:s14] =	ssyncadd.s32 $0xFFFF9000  }
0x7e: {  	[tilespmem:s18], [sflag:$0x1] =	stream.indirect.gather [hbm4b:s4+s17], $0x70, s2, s17, $0xb8;
	[tilespmem:$0x1F780] =	vst v63  }
0x7f: {  	_ = 	snop  }
0x80: {  	[tilespmem:s19], [sflag:$0x1] =	stream.indirect.gather [hbm4b:s4+s17], $0x70, s17, s17, $0xb8;
	[tilespmem:$0x1F780] =	vst v63  }
0x81: {  	_ =	swait.ge [sflag:s20], $0x3800  }
0x82: {  	[sflag:s20] =	ssyncset.done $0x0  }
0x83: {  	[sflag:s20] =	ssyncadd.s32 $0xFFFFC800  }
0x84: {  	_ =	swait.ge [sflag:s20], $0x3800  }
0x85: {  	[sflag:s20] =	ssyncset.done $0x0  }
0x86: {  	s29 =	simm.s32 $0x73C0;
	[sflag:s20] =	ssyncadd.s32 $0xFFFFC800  }
0x87: {  	v9 =	vld [tilespmem:s29+$0x170]  }
0x88: {  	s26 =	simm.s32 $0x3C0;
	v10 =	vld [tilespmem:s29+$0x160]  }
0x89: {  	v11 =	vld [tilespmem:s26+$0x160]  }
0x8a: {  	v12 =	vld [tilespmem:s29+$0x1B0]  }
0x8b: {  	v13 =	vld [tilespmem:s26+$0x1B0]  }
0x8c: {  	v14 =	vld [tilespmem:s26+$0x170]  }
0x8d: {  	v15 =	vld [tilespmem:s29+$0x180]  }
0x8e: {  	v16 =	vld [tilespmem:s26+$0x180]  }
0x8f: {  	v17 =	vld [tilespmem:s29+$0x190]  }
0x90: {  	v18 =	vld [tilespmem:s26+$0x190]  }
0x91: {  	v19 =	vld [tilespmem:s29+$0x150]  }
0x92: {  	v20 =	vld [tilespmem:s26+$0x150]  }
0x93: {  	v21 =	vld [tilespmem:s29+$0x1A0]  }
0x94: {  	v22 =	vld [tilespmem:s26+$0x1A0]  }
0x95: {  	v23 =	vld [tilespmem:s26+$0xFFFFFE40]  }
0x96: {  	v24 =	vld [tilespmem:s29+$0xFFFFFE50]  }
0x97: {  	v25 =	vld [tilespmem:s26+$0xFFFFFE50]  }
0x98: {  	v26 =	vld [tilespmem:s29+$0xFFFFFE90]  }
0x99: {  	v27 =	vld [tilespmem:s26+$0xFFFFFE90]  }
0x9a: {  	v28 =	vld [tilespmem:s29+$0xFFFFFEA0]  }
0x9b: {  	v29 =	vld [tilespmem:s26+$0xFFFFFEA0]  }
0x9c: {  	v30 =	vld [tilespmem:s29+$0xFFFFFEB0]  }
0x9d: {  	v31 =	vld [tilespmem:s26+$0xFFFFFEB0]  }
0x9e: {  	v32 =	vld [tilespmem:s29+$0xFFFFFEC0]  }
0x9f: {  	v33 =	vld [tilespmem:s26+$0xFFFFFEC0]  }
0xa0: {  	v34 =	vld [tilespmem:s29+$0xFFFFFF00]  }
0xa1: {  	v35 =	vld [tilespmem:s26+$0xFFFFFF00]  }
0xa2: {  	v36 =	vld [tilespmem:s29+$0xFFFFFF10]  }
0xa3: {  	v37 =	vld [tilespmem:s26+$0xFFFFFF10]  }
0xa4: {  	v38 =	vld [tilespmem:s29+$0xFFFFFF20]  }
0xa5: {  	v39 =	vld [tilespmem:s26+$0xFFFFFF20]  }
0xa6: {  	v40 =	vld [tilespmem:s29+$0xFFFFFF30]  }
0xa7: {  	v41 =	vld [tilespmem:s26+$0xFFFFFF30]  }
0xa8: {  	v42 =	vld [tilespmem:s29+$0xFFFFFF70]  }
0xa9: {  	v43 =	vld [tilespmem:s26+$0xFFFFFF70]  }
0xaa: {  	v44 =	vld [tilespmem:s29+$0xFFFFFF80]  }
0xab: {  	v45 =	vld [tilespmem:s26+$0xFFFFFF80]  }
0xac: {  	v46 =	vld [tilespmem:s29+$0xFFFFFF90]  }
0xad: {  	v47 =	vld [tilespmem:s26+$0xFFFFFF90]  }
0xae: {  	v48 =	vld [tilespmem:s29+$0xFFFFFFA0]  }
0xaf: {  	v49 =	vld [tilespmem:s26+$0xFFFFFFA0]  }
0xb0: {  	v50 =	vld [tilespmem:s29+$0xFFFFFFE0]  }
0xb1: {  	v51 =	vld [tilespmem:s26+$0xFFFFFFE0]  }
0xb2: {  	v52 =	vld [tilespmem:s29+$0xFFFFFFF0]  }
0xb3: {  	v53 =	vld [tilespmem:s26+$0xFFFFFFF0]  }
0xb4: {  	v54 =	vld [tilespmem:s29+$0x0]  }
0xb5: {  	v55 =	vld [tilespmem:s26+$0x0]  }
0xb6: {  	v56 =	vld [tilespmem:s29+$0x10]  }
0xb7: {  	v57 =	vld [tilespmem:s26+$0x10]  }
0xb8: {  	v58 =	vld [tilespmem:s29+$0x50]  }
0xb9: {  	v59 =	vld [tilespmem:s26+$0x50]  }
0xba: {  	v60 =	vld [tilespmem:s29+$0x60]  }
0xbb: {  	v1 =	vld [tilespmem:s29+$0xC0]  }
0xbc: {  	v61 =	vld [tilespmem:s26+$0x60]  }
0xbd: {  	v62 =	vld [tilespmem:s29+$0x70]  }
0xbe: {  	v63 =	vld [tilespmem:s26+$0x70]  }
0xbf: {  	v7 =	vld [tilespmem:s29+$0x80]  }
0xc0: {  	v6 =	vld [tilespmem:s26+$0x80];
	[tilespmem:$0x1FF50] =	vst v1  }
0xc1: {  	v1 =	vld [tilespmem:s29+$0xD0];
	_ =	sdelay $0x4  }
0xc2: {  	v8 =	vld [tilespmem:s26+$0xC0];
	[tilespmem:$0x1FF60] =	vst v1  }
0xc3: {  	v1 =	vld [tilespmem:s26+$0xD0];
	_ =	sdelay $0x4  }
0xc4: {  	[tilespmem:$0x1FF70] =	vst v1  }
0xc5: {  	v1 =	vld [tilespmem:s29+$0xE0];
	_ =	sdelay $0x4  }
0xc6: {  	[tilespmem:$0x1FF80] =	vst v1  }
0xc7: {  	v1 =	vld [tilespmem:s26+$0xE0];
	_ =	sdelay $0x4  }
0xc8: {  	[tilespmem:$0x1FF90] =	vst v1  }
0xc9: {  	v1 =	vld [tilespmem:s29+$0xF0];
	_ =	sdelay $0x4  }
0xca: {  	[tilespmem:$0x1FFC0] =	vst v1  }
0xcb: {  	v1 =	vld [tilespmem:s26+$0xF0];
	_ =	sdelay $0x4  }
0xcc: {  	[tilespmem:$0x1FFD0] =	vst v1  }
0xcd: {  	v1 =	vld [tilespmem:s29+$0x130];
	_ =	sdelay $0x4  }
0xce: {  	[tilespmem:$0x1FFA0] =	vst v1  }
0xcf: {  	v1 =	vld [tilespmem:s26+$0x130];
	_ =	sdelay $0x4  }
0xd0: {  	[tilespmem:$0x1FFB0] =	vst v1  }
0xd1: {  	v1 =	vld [tilespmem:s29+$0x140];
	_ =	sdelay $0x4  }
0xd2: {  	[tilespmem:$0x1FFE0] =	vst v1  }
0xd3: {  	v1 =	vld [tilespmem:s26+$0x140];
	_ =	sdelay $0x4  }
0xd4: {  	[tilespmem:$0x1FFF0] =	vst v1  }
0xd5: {  	v3 =	vld [tilespmem:s29+$0xFFFFFE60]  }
0xd6: {  	v2 =	vld [tilespmem:s26+$0xFFFFFE60]  }
0xd7: {  	v5 =	vld [tilespmem:s29+$0xFFFFFE70]  }
0xd8: {  	v10 =	vmul.f32 v11, v10;
	v11 =	vmul.f32 v13, v12;
	v4 =	vld [tilespmem:s26+$0xFFFFFE70]  }
0xd9: {  	v12 =	vld [tilespmem:s29+$0xFFFFFE80]  }
0xda: {  	v9 =	vmul.f32 v14, v9;
	v10 =	vadd.f32 v11, v10;
	v13 =	vld [tilespmem:s26+$0xFFFFFE80]  }
0xdb: {  	s28 =	simm.s32 $0xE340;
	v14 =	vmul.f32 v16, v15;
	v15 =	vmul.f32 v18, v17;
	v11 =	vld [tilespmem:s29+$0xFFFFFED0]  }
0xdc: {  	v17 =	vmul.f32 v22, v21;
	v16 =	vld [tilespmem:s26+$0xFFFFFED0];
	[tilespmem:s28+$0x100] =	vst v10;
	v10 =	vmul.f32 v20, v19  }
0xdd: {  	v18 =	vld [tilespmem:s29+$0xFFFFFEE0];
	[tilespmem:s28+$0x110] =	vst v9;
	v9 =	vmul.f32 v25, v24;
	v24 =	vmul.f32 v29, v28  }
0xde: {  	v32 =	vmul.f32 v33, v32;
	v35 =	vmul.f32 v35, v34;
	v25 =	vld [tilespmem:s26+$0xFFFFFEE0];
	[tilespmem:s28+$0x120] =	vst v14;
	v10 =	vadd.f32 v17, v10  }
0xdf: {  	v40 =	vmul.f32 v41, v40;
	v41 =	vmul.f32 v43, v42;
	v28 =	vld [tilespmem:s29+$0xFFFFFEF0];
	[tilespmem:s28+$0x130] =	vst v15;
	v9 =	vadd.f32 v24, v9  }
0xe0: {  	v42 =	vmul.f32 v45, v44;
	v29 =	vld [tilespmem:s26+$0xFFFFFEF0];
	[tilespmem:s28+$0xF0] =	vst v10;
	v2 =	vmul.f32 v2, v3  }
0xe1: {  	v46 =	vmul.f32 v47, v46;
	v1 =	vld [tilespmem:s29+$0xFFFFFE40];
	[tilespmem:s28+$0xFFFFFED0] =	vst v9;
	v4 =	vmul.f32 v4, v5  }
0xe2: {  	v48 =	vmul.f32 v49, v48;
	v33 =	vld [tilespmem:s29+$0xFFFFFF40];
	v12 =	vmul.f32 v13, v12;
	[tilespmem:s28+$0xFFFFFEE0] =	vst v2  }
0xe3: {  	v49 =	vmul.f32 v51, v50;
	v44 =	vld [tilespmem:s26+$0xFFFFFFB0];
	v11 =	vmul.f32 v16, v11;
	[tilespmem:s28+$0xFFFFFEF0] =	vst v4  }
0xe4: {  	v47 =	vld [tilespmem:s26+$0xFFFFFFC0];
	v10 =	vmul.f32 v31, v30;
	v43 =	vmul.f32 v25, v18;
	[tilespmem:s28+$0xFFFFFF00] =	vst v12  }
0xe5: {  	v50 =	vld [tilespmem:s26+$0xFFFFFFD0];
	v9 =	vmul.f32 v37, v36;
	v15 =	vmul.f32 v29, v28;
	[tilespmem:s28+$0xFFFFFF30] =	vst v11  }
0xe6: {  	v27 =	vmul.f32 v27, v26;
	v1 =	vmul.f32 v23, v1;
	v3 =	vld [tilespmem:s26+$0xFFFFFF40];
	v5 =	vadd.f32 v35, v10;
	[tilespmem:s28+$0xFFFFFF40] =	vst v43  }
0xe7: {  	v9 =	vadd.f32 v9, v32;
	v2 =	vld [tilespmem:s26+$0xFFFFFF50];
	[tilespmem:s28+$0xFFFFFF50] =	vst v15  }
0xe8: {  	v10 =	vmul.f32 v39, v38;
	v1 =	vadd.f32 v27, v1;
	v4 =	vld [tilespmem:s29+$0xFFFFFF60];
	[tilespmem:s28+$0xFFFFFF10] =	vst v5  }
0xe9: {  	v45 =	vadd.f32 v42, v40;
	v5 =	vld [tilespmem:s26+$0xFFFFFF60];
	[tilespmem:s28+$0xFFFFFF20] =	vst v9  }
0xea: {  	v51 =	vmul.f32 v53, v52;
	v9 =	vld [tilespmem:s29+$0xFFFFFFB0];
	v10 =	vadd.f32 v41, v10;
	[tilespmem:s28+$0xFFFFFEC0] =	vst v1  }
0xeb: {  	v52 =	vadd.f32 v49, v46;
	v1 =	vld [tilespmem:s29+$0xFFFFFF50];
	[tilespmem:s28+$0xFFFFFF70] =	vst v45  }
0xec: {  	v14 =	vadd.f32 v51, v48;
	v11 =	vld [tilespmem:s29+$0xFFFFFFC0];
	[tilespmem:s28+$0xFFFFFF60] =	vst v10  }
0xed: {  	v53 =	vmul.f32 v55, v54;
	v10 =	vld [tilespmem:s29+$0xFFFFFFD0];
	v3 =	vmul.f32 v3, v33;
	[tilespmem:s28+$0xFFFFFFB0] =	vst v52  }
0xee: {  	v54 =	vmul.f32 v57, v56;
	v56 =	vld [tilespmem:s29+$0x40];
	[tilespmem:s28+$0xFFFFFFC0] =	vst v14;
	v4 =	vmul.f32 v5, v4  }
0xef: {  	v55 =	vmul.f32 v59, v58;
	[tilespmem:s28+$0xFFFFFF80] =	vst v3;
	v3 =	vld [tilespmem:s26+$0x20];
	v9 =	vmul.f32 v44, v9  }
0xf0: {  	v5 =	vld [tilespmem:s26+$0x30];
	v1 =	vmul.f32 v2, v1;
	[tilespmem:s28+$0xFFFFFFA0] =	vst v4  }
0xf1: {  	v57 =	vmul.f32 v61, v60;
	v58 =	vadd.f32 v55, v53;
	v2 =	vld [tilespmem:s29+$0x20];
	[tilespmem:s28+$0xFFFFFFD0] =	vst v9  }
0xf2: {  	v4 =	vmul.f32 v47, v11;
	v11 =	vld [tilespmem:s26+$0x40];
	[tilespmem:s28+$0xFFFFFF90] =	vst v1  }
0xf3: {  	v9 =	vadd.f32 v57, v54;
	v1 =	vld [tilespmem:s29+$0x30];
	[tilespmem:s28+$0x0] =	vst v58  }
0xf4: {  	[tilespmem:s28+$0xFFFFFFE0] =	vst v4  }
0xf5: {  	v12 =	vld [tilespmem:$0x1FF50];
	[tilespmem:s28+$0x10] =	vst v9  }
0xf6: {  	v9 =	vld [tilespmem:$0x1FF60]  }
0xf7: {  	v61 =	vld [tilespmem:$0x1FF70]  }
0xf8: {  	v6 =	vmul.f32 v6, v7;
	v7 =	vmul.f32 v50, v10  }
0xf9: {  	v2 =	vmul.f32 v3, v2  }
0xfa: {  	[tilespmem:s28+$0xFFFFFFF0] =	vst v7;
	v1 =	vmul.f32 v5, v1  }
0xfb: {  	v59 =	vld [tilespmem:s29+$0x90];
	[tilespmem:s28+$0x20] =	vst v2  }
0xfc: {  	v60 =	vmul.f32 v63, v62;
	v62 =	vld [tilespmem:s29+$0xB0];
	[tilespmem:s28+$0x30] =	vst v1;
	v9 =	vmul.f32 v61, v9  }
0xfd: {  	v1 =	vld [tilespmem:$0x1FF80]  }
0xfe: {  	v8 =	vmul.f32 v8, v12;
	v2 =	vadd.f32 v9, v6;
	v6 =	vld [tilespmem:$0x1FF90]  }
0xff: {  	v10 =	vld [tilespmem:s29+$0xA0]  }
0x100: {  	v4 =	vld [tilespmem:s26+$0x90];
	v5 =	vadd.f32 v8, v60  }
0x101: {  	v3 =	vld [tilespmem:s26+$0xA0]  }
0x102: {  	v8 =	vld [tilespmem:s26+$0xB0];
	[tilespmem:s28+$0x50] =	vst v5  }
0x103: {  	v5 =	vld [tilespmem:$0x1FFA0];
	v1 =	vmul.f32 v6, v1;
	v6 =	vmul.f32 v11, v56  }
0x104: {  	v11 =	vld [tilespmem:$0x1FFB0];
	[tilespmem:s28+$0x60] =	vst v2  }
0x105: {  	[tilespmem:s28+$0x40] =	vst v6  }
0x106: {  	v2 =	vld [tilespmem:$0x1FFC0]  }
0x107: {  	v3 =	vmul.f32 v3, v10;
	v10 =	vld [tilespmem:$0x1FFD0];
	_ =	sdelay $0x3  }
0x108: {  	v63 =	vld [tilespmem:$0x1FFF0]  }
0x109: {  	v10 =	vmul.f32 v10, v2;
	v2 =	vld [tilespmem:$0x1FFE0];
	_ =	sdelay $0x2  }
0x10a: {  	v7 =	vld [tilespmem:s26+$0x100]  }
0x10b: {  	v4 =	vmul.f32 v4, v59;
	v9 =	vld [tilespmem:s29+$0x100];
	v11 =	vmul.f32 v11, v5  }
0x10c: {  	v6 =	vld [tilespmem:s26+$0x110];
	v13 =	vmul.f32 v63, v2  }
0x10d: {  	v5 =	vld [tilespmem:s29+$0x110];
	v11 =	vadd.f32 v11, v1;
	[tilespmem:s28+$0x70] =	vst v4  }
0x10e: {  	[tilespmem:s28+$0x80] =	vst v3;
	v3 =	vld [tilespmem:s26+$0x120];
	v1 =	vadd.f32 v13, v10  }
0x10f: {  	s30 =	simm.s32 $0x7740;
	v4 =	vmul.f32 v8, v62;
	v2 =	vld [tilespmem:s29+$0x120];
	s29 =	simm.s32 $0x0;
	[tilespmem:s28+$0xA0] =	vst v11  }
.LBB2_5:
0x110: {  	v8 =	vld [tilespmem:s30+$0x170];
	v7 =	vmul.f32 v7, v9;
	[tilespmem:s28+$0xB0] =	vst v1  }
0x111: {  	s26 =	sadd.s32 $0x380, s26;
	v1 =	vld [tilespmem:s30+$0x160];
	[tilespmem:s28+$0x90] =	vst v4  }
0x112: {  	v4 =	vld [tilespmem:s26+$0x160];
	v5 =	vmul.f32 v6, v5;
	[tilespmem:s28+$0xC0] =	vst v7  }
0x113: {  	v6 =	vld [tilespmem:s30+$0x1B0]  }
0x114: {  	s29 =	sadd.s32 $0x8, s29;
	v7 =	vld [tilespmem:s26+$0x1B0];
	v2 =	vmul.f32 v3, v2;
	[tilespmem:s28+$0xD0] =	vst v5  }
0x115: {  	p0 =	slt.u32 s29, $0xF8;
	v3 =	vld [tilespmem:s26+$0x170]  }
0x116: {  	v5 =	vld [tilespmem:s30+$0x180];
	[tilespmem:s28+$0xE0] =	vst v2  }
0x117: {  	v2 =	vld [tilespmem:s26+$0x180]  }
0x118: {  	v9 =	vld [tilespmem:s30+$0x190]  }
0x119: {  	v1 =	vmul.f32 v4, v1;
	v4 =	vld [tilespmem:s26+$0x190];
	v6 =	vmul.f32 v7, v6  }
0x11a: {  	v7 =	vld [tilespmem:s30+$0x150];
	v3 =	vmul.f32 v3, v8  }
0x11b: {  	v8 =	vld [tilespmem:s26+$0x150];
	v1 =	vadd.f32 v6, v1  }
0x11c: {  	s28 =	sadd.s32 $0x280, s28;
	v2 =	vmul.f32 v2, v5;
	v5 =	vld [tilespmem:s30+$0x1A0]  }
0x11d: {  	v6 =	vld [tilespmem:s26+$0x1A0];
	[tilespmem:s28+$0x100] =	vst v1  }
0x11e: {  	v1 =	vld [tilespmem:s26+$0xFFFFFE40];
	v4 =	vmul.f32 v4, v9;
	[tilespmem:s28+$0x110] =	vst v3  }
0x11f: {  	v3 =	vld [tilespmem:s30+$0xFFFFFE50];
	[tilespmem:s28+$0x120] =	vst v2  }
0x120: {  	v2 =	vld [tilespmem:s26+$0xFFFFFE50];
	v7 =	vmul.f32 v8, v7;
	[tilespmem:s28+$0x130] =	vst v4  }
0x121: {  	v4 =	vld [tilespmem:s30+$0xFFFFFE90]  }
0x122: {  	v8 =	vld [tilespmem:s26+$0xFFFFFE90];
	v5 =	vmul.f32 v6, v5  }
0x123: {  	v6 =	vld [tilespmem:s30+$0xFFFFFEA0]  }
0x124: {  	v9 =	vld [tilespmem:s26+$0xFFFFFEA0];
	v5 =	vadd.f32 v5, v7  }
0x125: {  	v3 =	vmul.f32 v2, v3;
	v7 =	vld [tilespmem:s30+$0xFFFFFEB0]  }
0x126: {  	v10 =	vld [tilespmem:s26+$0xFFFFFEB0];
	[tilespmem:s28+$0xF0] =	vst v5  }
0x127: {  	v2 =	vmul.f32 v8, v4;
	v4 =	vld [tilespmem:s30+$0xFFFFFEC0]  }
0x128: {  	v5 =	vld [tilespmem:s26+$0xFFFFFEC0]  }
0x129: {  	v6 =	vmul.f32 v9, v6;
	v8 =	vld [tilespmem:s30+$0xFFFFFF00]  }
0x12a: {  	v9 =	vld [tilespmem:s26+$0xFFFFFF00]  }
0x12b: {  	v6 =	vadd.f32 v6, v3;
	v3 =	vmul.f32 v10, v7;
	v7 =	vld [tilespmem:s30+$0xFFFFFF10]  }
0x12c: {  	v10 =	vld [tilespmem:s26+$0xFFFFFF10]  }
0x12d: {  	v4 =	vmul.f32 v5, v4;
	v5 =	vld [tilespmem:s30+$0xFFFFFF20]  }
0x12e: {  	v11 =	vld [tilespmem:s26+$0xFFFFFF20]  }
0x12f: {  	v8 =	vmul.f32 v9, v8;
	v9 =	vld [tilespmem:s30+$0xFFFFFF30]  }
0x130: {  	v12 =	vld [tilespmem:s26+$0xFFFFFF30]  }
0x131: {  	v7 =	vmul.f32 v10, v7;
	v3 =	vadd.f32 v8, v3;
	v8 =	vld [tilespmem:s30+$0xFFFFFF70]  }
0x132: {  	v10 =	vld [tilespmem:s26+$0xFFFFFF70]  }
0x133: {  	v4 =	vadd.f32 v7, v4;
	v5 =	vmul.f32 v11, v5;
	v7 =	vld [tilespmem:s30+$0xFFFFFF80]  }
0x134: {  	v11 =	vld [tilespmem:s26+$0xFFFFFF80]  }
0x135: {  	v9 =	vmul.f32 v12, v9;
	v12 =	vld [tilespmem:s30+$0xFFFFFF90]  }
0x136: {  	v13 =	vld [tilespmem:s26+$0xFFFFFF90]  }
0x137: {  	v8 =	vmul.f32 v10, v8;
	v10 =	vld [tilespmem:s30+$0xFFFFFFA0]  }
0x138: {  	v14 =	vld [tilespmem:s26+$0xFFFFFFA0]  }
0x139: {  	v7 =	vmul.f32 v11, v7;
	v5 =	vadd.f32 v8, v5;
	v8 =	vld [tilespmem:s30+$0xFFFFFFE0]  }
0x13a: {  	v11 =	vld [tilespmem:s26+$0xFFFFFFE0]  }
0x13b: {  	v7 =	vadd.f32 v7, v9;
	v9 =	vmul.f32 v13, v12;
	v12 =	vld [tilespmem:s30+$0xFFFFFFF0]  }
0x13c: {  	v13 =	vld [tilespmem:s26+$0xFFFFFFF0]  }
0x13d: {  	v10 =	vmul.f32 v14, v10;
	v14 =	vld [tilespmem:s30+$0x0]  }
0x13e: {  	v15 =	vld [tilespmem:s26+$0x0]  }
0x13f: {  	v8 =	vmul.f32 v11, v8;
	v11 =	vld [tilespmem:s30+$0x10]  }
0x140: {  	v16 =	vld [tilespmem:s26+$0x10]  }
0x141: {  	v12 =	vmul.f32 v13, v12;
	v8 =	vadd.f32 v8, v9;
	v13 =	vld [tilespmem:s30+$0x50]  }
0x142: {  	v17 =	vld [tilespmem:s26+$0x50]  }
0x143: {  	v9 =	vadd.f32 v12, v10;
	v10 =	vmul.f32 v15, v14;
	v12 =	vld [tilespmem:s30+$0x60]  }
0x144: {  	v14 =	vld [tilespmem:s26+$0x60]  }
0x145: {  	v11 =	vmul.f32 v16, v11;
	v15 =	vld [tilespmem:s30+$0x70]  }
0x146: {  	v16 =	vld [tilespmem:s26+$0x70]  }
0x147: {  	v13 =	vmul.f32 v17, v13;
	v17 =	vld [tilespmem:s30+$0x80]  }
0x148: {  	v18 =	vld [tilespmem:s26+$0x80]  }
0x149: {  	v12 =	vmul.f32 v14, v12;
	v10 =	vadd.f32 v13, v10;
	v13 =	vld [tilespmem:s30+$0xC0]  }
0x14a: {  	v14 =	vld [tilespmem:s26+$0xC0]  }
0x14b: {  	v11 =	vadd.f32 v12, v11;
	v12 =	vmul.f32 v16, v15;
	v15 =	vld [tilespmem:s30+$0xD0]  }
0x14c: {  	v16 =	vld [tilespmem:s26+$0xD0]  }
0x14d: {  	v17 =	vmul.f32 v18, v17;
	v18 =	vld [tilespmem:s30+$0xE0]  }
0x14e: {  	v19 =	vld [tilespmem:s26+$0xE0]  }
0x14f: {  	v13 =	vmul.f32 v14, v13;
	v14 =	vld [tilespmem:s30+$0xF0]  }
0x150: {  	v20 =	vld [tilespmem:s26+$0xF0]  }
0x151: {  	v15 =	vmul.f32 v16, v15;
	v12 =	vadd.f32 v13, v12;
	v13 =	vld [tilespmem:s30+$0x130]  }
0x152: {  	v16 =	vld [tilespmem:s26+$0x130]  }
0x153: {  	v15 =	vadd.f32 v15, v17;
	v17 =	vmul.f32 v19, v18;
	v18 =	vld [tilespmem:s30+$0x140]  }
0x154: {  	v19 =	vld [tilespmem:s26+$0x140]  }
0x155: {  	v21 =	vld [tilespmem:s30+$0xFFFFFE40];
	v14 =	vmul.f32 v20, v14  }
0x156: {  	v20 =	vld [tilespmem:s30+$0xFFFFFE60]  }
0x157: {  	v22 =	vld [tilespmem:s26+$0xFFFFFE60];
	v13 =	vmul.f32 v16, v13  }
0x158: {  	v16 =	vld [tilespmem:s30+$0xFFFFFE70]  }
0x159: {  	v23 =	vld [tilespmem:s26+$0xFFFFFE70];
	v18 =	vmul.f32 v19, v18;
	v13 =	vadd.f32 v13, v17  }
0x15a: {  	v17 =	vmul.f32 v1, v21;
	v19 =	vld [tilespmem:s30+$0xFFFFFE80]  }
0x15b: {  	v21 =	vld [tilespmem:s26+$0xFFFFFE80];
	[tilespmem:s28+$0xFFFFFED0] =	vst v6;
	v1 =	vadd.f32 v18, v14  }
0x15c: {  	v6 =	vmul.f32 v22, v20;
	v2 =	vadd.f32 v2, v17;
	v14 =	vld [tilespmem:s30+$0xFFFFFED0]  }
0x15d: {  	v17 =	vld [tilespmem:s26+$0xFFFFFED0]  }
0x15e: {  	v16 =	vmul.f32 v23, v16;
	[tilespmem:s28+$0xFFFFFEC0] =	vst v2;
	v2 =	vld [tilespmem:s30+$0xFFFFFEE0]  }
0x15f: {  	[tilespmem:s28+$0xFFFFFEE0] =	vst v6;
	v6 =	vld [tilespmem:s26+$0xFFFFFEE0]  }
0x160: {  	v18 =	vmul.f32 v21, v19;
	[tilespmem:s28+$0xFFFFFEF0] =	vst v16;
	v16 =	vld [tilespmem:s30+$0xFFFFFEF0]  }
0x161: {  	v19 =	vld [tilespmem:s26+$0xFFFFFEF0];
	[tilespmem:s28+$0xFFFFFF10] =	vst v3  }
0x162: {  	v3 =	vmul.f32 v17, v14;
	[tilespmem:s28+$0xFFFFFF20] =	vst v4;
	v4 =	vld [tilespmem:s30+$0xFFFFFF40]  }
0x163: {  	[tilespmem:s28+$0xFFFFFF00] =	vst v18;
	v14 =	vld [tilespmem:s26+$0xFFFFFF40]  }
0x164: {  	v2 =	vmul.f32 v6, v2;
	[tilespmem:s28+$0xFFFFFF30] =	vst v3;
	v3 =	vld [tilespmem:s30+$0xFFFFFF50]  }
0x165: {  	v6 =	vld [tilespmem:s26+$0xFFFFFF50]  }
0x166: {  	v16 =	vmul.f32 v19, v16;
	[tilespmem:s28+$0xFFFFFF40] =	vst v2;
	v2 =	vld [tilespmem:s30+$0xFFFFFF60]  }
0x167: {  	v17 =	vld [tilespmem:s26+$0xFFFFFF60];
	[tilespmem:s28+$0xFFFFFF60] =	vst v5  }
0x168: {  	v4 =	vmul.f32 v14, v4;
	[tilespmem:s28+$0xFFFFFF70] =	vst v7;
	v5 =	vld [tilespmem:s30+$0xFFFFFFB0]  }
0x169: {  	[tilespmem:s28+$0xFFFFFF50] =	vst v16;
	v7 =	vld [tilespmem:s26+$0xFFFFFFB0]  }
0x16a: {  	v3 =	vmul.f32 v6, v3;
	[tilespmem:s28+$0xFFFFFF80] =	vst v4;
	v4 =	vld [tilespmem:s30+$0xFFFFFFC0]  }
0x16b: {  	v6 =	vld [tilespmem:s26+$0xFFFFFFC0]  }
0x16c: {  	v2 =	vmul.f32 v17, v2;
	[tilespmem:s28+$0xFFFFFF90] =	vst v3;
	v3 =	vld [tilespmem:s30+$0xFFFFFFD0]  }
0x16d: {  	v14 =	vld [tilespmem:s26+$0xFFFFFFD0];
	[tilespmem:s28+$0xFFFFFFB0] =	vst v8  }
0x16e: {  	v5 =	vmul.f32 v7, v5;
	[tilespmem:s28+$0xFFFFFFC0] =	vst v9;
	v7 =	vld [tilespmem:s30+$0x20]  }
0x16f: {  	[tilespmem:s28+$0xFFFFFFA0] =	vst v2;
	v2 =	vld [tilespmem:s26+$0x20]  }
0x170: {  	v4 =	vmul.f32 v6, v4;
	[tilespmem:s28+$0xFFFFFFD0] =	vst v5;
	v5 =	vld [tilespmem:s30+$0x30]  }
0x171: {  	v6 =	vld [tilespmem:s26+$0x30]  }
0x172: {  	v3 =	vmul.f32 v14, v3;
	[tilespmem:s28+$0xFFFFFFE0] =	vst v4;
	v4 =	vld [tilespmem:s30+$0x40]  }
0x173: {  	v8 =	vld [tilespmem:s26+$0x40];
	[tilespmem:s28+$0x0] =	vst v10  }
0x174: {  	v2 =	vmul.f32 v2, v7;
	[tilespmem:s28+$0x10] =	vst v11;
	v7 =	vld [tilespmem:s30+$0x90]  }
0x175: {  	[tilespmem:s28+$0xFFFFFFF0] =	vst v3;
	v3 =	vld [tilespmem:s26+$0x90]  }
0x176: {  	v5 =	vmul.f32 v6, v5;
	[tilespmem:s28+$0x20] =	vst v2;
	v2 =	vld [tilespmem:s30+$0xA0]  }
0x177: {  	v6 =	vld [tilespmem:s26+$0xA0]  }
0x178: {  	v4 =	vmul.f32 v8, v4;
	[tilespmem:s28+$0x30] =	vst v5;
	v8 =	vld [tilespmem:s30+$0xB0]  }
0x179: {  	v10 =	vld [tilespmem:s26+$0xB0];
	[tilespmem:s28+$0x50] =	vst v12  }
0x17a: {  	v3 =	vmul.f32 v3, v7;
	[tilespmem:s28+$0x60] =	vst v15;
	v9 =	vld [tilespmem:s30+$0x100]  }
.Ltmp1:
0x17b: {  	[tilespmem:s28+$0x40] =	vst v4;
	v7 =	vld [tilespmem:s26+$0x100];
	(pc) =	sbr.rel @p0 .LBB2_5-.Ltmp1, $4  }
0x17c: {  	v2 =	vmul.f32 v6, v2;
	[tilespmem:s28+$0x70] =	vst v3;
	v5 =	vld [tilespmem:s30+$0x110]  }
0x17d: {  	v6 =	vld [tilespmem:s26+$0x110]  }
0x17e: {  	v4 =	vmul.f32 v10, v8;
	[tilespmem:s28+$0x80] =	vst v2;
	v2 =	vld [tilespmem:s30+$0x120]  }
0x17f: {  	s30 =	sadd.s32 $0x380, s30;
	v3 =	vld [tilespmem:s26+$0x120];
	[tilespmem:s28+$0xA0] =	vst v13  }
0x180: {  	_ =	sdelay $0x1  }
0x181: {  	v7 =	vmul.f32 v7, v9;
	[tilespmem:s28+$0xB0] =	vst v1  }
0x182: {  	[tilespmem:s28+$0x90] =	vst v4;
	v1 =	vmul.f32 v6, v5  }
0x183: {  	[tilespmem:s28+$0xC0] =	vst v7;
	v2 =	vmul.f32 v3, v2  }
0x184: {  	[tilespmem:s28+$0xD0] =	vst v1  }
0x185: {  	[tilespmem:s28+$0xE0] =	vst v2  }
0x186: {  	[spmem:s1] =	stream.indirect.scatter.add.f32 [tilespmem:s13], [sflag:$0x2], $0x50, s15, s17, $0xb8;
	[tilespmem:$0x1F780] =	vst v63  }
0x187: {  	s25 =	sadd.s32 $0x1, s25;
	_ =	swait.ge [sflag:s14], $0x2800  }
0x188: {  	p0 =	sne.s32 s25, $0x14;
	[sflag:s14] =	ssyncset.done $0x0  }
.Ltmp2:
0x189: {  	[sflag:s14] =	ssyncadd.s32 $0xFFFFD800;
	(pc) =	sbr.rel @p0 .LBB2_4-.Ltmp2, $4  }
0x18a: {  	[spmem:s1] =	stream.indirect.scatter.add.f32 [tilespmem:s22], [sflag:$0x2], $0x50, s21, s17, $0xb8;
	[tilespmem:$0x1F780] =	vst v63  }
0x18b: {  	_ =	swait.ge [sflag:s14], $0x2800  }
0x18c: {  	[sflag:s14] =	ssyncset.done $0x0  }
0x18d: {  	[sflag:s14] =	ssyncadd.s32 $0xFFFFD800  }
0x18e: {  	s24 =	sadd.s32 $0x1, s24  }
0x18f: {  	s25 =	sshll.u32 s3, $0x6;
	[bflag:$0x0] =	sbarrier.arrive $0xFFFF;
	p0 =	sne.s32 s24, s12  }
.Ltmp3:
0x190: {  	s26 =	sshrl.u32 s9, $0x3;
	s25 =	sor.u32 $0x1C02, s25;
	(pc) =	sbr.rel @p0 .LBB2_1-.Ltmp3, $4  }
0x191: {  	[hbm:s23], [sflag:s25] =	dma.local [spmem:s26], $0x18B0  }
0x192: {  	_ =	swait.ge [sflag:s14], $0x18B0  }
0x193: {  	[sflag:s14] =	ssyncset.done $0x0  }
0x194: {  	[sflag:s14] =	ssyncadd.s32 $0xFFFFE750  }
0x195: {  	_ =	sfence.sel $0x180000  }
0x196: {  	[bflag:$0x0] =	sbarrier.arrive $0xFFFF  }
0x197: {  	p0 =	sne.s32 s3, $0x0;
	_ =	strace $0x9000004A  }
0x198: {  	s0 =	sadd.s32 @!p0 $0x100000, s0;
	[bflag:$0x2] =	sbarrier.arrive $0xFFFF  }
0x199: {  	[sflag:s0] =	ssyncadd.tile.s32 @!p0 $0x1;
	_ =	shalt  }
.Lfunc_end2:
_tile_overlayer_lowered:
.L_overlay_start_2:
0x19a: {  	(tag) =	ssettag $0x2  }
0x19b: {  	s0 =	rddreg [dreg:$0x0];
	s2 =	stileid.u32  }
0x19c: {  	s1 =	rddreg [dreg:$0x1];
	p0 =	sne.s32 s2, $0x0  }
0x19d: {  	s3 =	rddreg [dreg:$0x2];
	[bflag:$0x3] =	sbarrier.arrive $0xFFFF;
	s2 =	simm.s32 @!p0 $0x1C02  }
0x19e: {  	[timem:s3], [sflag:s2] =	dma.local @!p0 [hbm:s0], s1  }
0x19f: {  	s0 =	simm.s32 @!p0 $0x2  }
0x1a0: {  	_ =	swait.ge @!p0 [sflag:s0], s1  }
0x1a1: {  	s1 =	ssub.s32 @!p0 $0x0, s1;
	[sflag:s0] =	ssyncset.done @!p0 $0x0  }
0x1a2: {  	[sflag:s0] =	ssyncadd.s32 @!p0 s1  }
0x1a3: {  	[bflag:$0x3] =	sbarrier.arrive $0xFFFF  }
0x1a4: {  	_ =	shalt  }

// kernel: kernel.13.cloned.1.call-start
scs
__scs_entry_jumppad:
0x0: {  	(pc) =	sbr.rel $0x88, $3  }
0x1: {  	(tag) =	ssettag $0x0;
	lr =	simm.s32 $0x1  }
0x2: {  	[smem:$0x3F8E] =	sst lr;
	_ =	strace $0xD0000000  }
0x3: {  	_ = 	snop  }
0x4: {  	_ = 	snop  }
0x5: {  	_ = 	snop  }
0x6: {  	_ = 	snop  }
0x7: {  	_ = 	snop  }
__scs_overlays_trampoline_lowered:
0x8: {  	[smem:$0x3F9D] =	sst s0  }
0x9: {  	[smem:$0x3F9E] =	sst s1  }
0xa: {  	[smem:$0x3F9F] =	sst s2  }
0xb: {  	[smem:$0x3FA0] =	sst s3  }
0xc: {  	[smem:$0x3FA1] =	sst s4  }
0xd: {  	[smem:$0x3FA2] =	sst s5  }
0xe: {  	[smem:$0x3FA3] =	sst s6  }
0xf: {  	[smem:$0x3FA4] =	sst s7  }
0x10: {  	[smem:$0x3FA5] =	sst s8  }
0x11: {  	[smem:$0x3FA6] =	sst s9;
	s0 =	simm.s32 @!p0 $0x0  }
0x12: {  	s1 =	sld [smem:$0x3F8C];
	s0 =	simm.s32 @p0 $0x1  }
0x13: {  	[smem:$0x3FA7] =	sst s0;
	s0 =	simm.s32 @!p1 $0x0  }
0x14: {  	s2 =	sld [smem:$0x3F8B];
	s0 =	simm.s32 @p1 $0x1  }
0x15: {  	[smem:$0x3FA8] =	sst s0;
	s0 =	simm.s32 @!p2 $0x0  }
0x16: {  	s3 =	sld [smem:$0x3FDB];
	s0 =	simm.s32 @p2 $0x1  }
0x17: {  	s4 =	simm.s32 $0x1BF5;
	[smem:$0x3FAA] =	sst s0  }
0x18: {  	s0 =	sld [smem:$0x3F8D];
	_ =	swait.ge [sflag:s4], $0x0  }
0x19: {  	s7 =	sld [smem:$0x3F8E]  }
0x1a: {  	s8 =	sadd.s32 $0xFFFFE003, lr  }
0x1b: {  	s9 =	sadd.s32 $0xFFFFFEF7, lr;
	s5 =	simm.s32 $0xFFFFFFFF;
	p2 =	slt.u32 s8, $0xFFFFF086  }
0x1c: {  	p1 =	slt.u32 s9, $0xF7A;
	s5 =	simm.s32 @!p2 $0x0  }
0x1d: {  	s5 =	simm.s32 @p1 $0x1;
	p0 =	seq.s32 s7, s2  }
0x1e: {  	s7 =	smul.u32 @!p0 $0xF7A, s2;
	p2 =	seq.s32 @!p0 s5, $0x0  }
0x1f: {  	s9 =	smul.u32 $0xF7A, s1;
	s8 =	simm.s32 @!p0 $0x1BF5;
	p2 =	por !p2, p0  }
0x20: {  	[sflag:s8] =	ssyncset.s32 @!p0 $0xFFFFF086;
	s6 =	sadd.s32 @!p0 s3, s7;
	s7 =	simm.s32 @!p0 $0x108  }
0x21: {  	s3 =	sadd.s32 s3, s9;
	s6 =	sadd.s32 @!p0 $0x88, s6;
	s7 =	simm.s32 @p2 $0x1082  }
0x22: {  	[simem:s7], [sflag:s8] =	dma.local @!p0 [hbm:s6], $0xF7A  }
0x23: {  	s9 =	sor.u32 $0xD0000000, s2;
	s6 =	simm.s32 $0x108;
	_ =	swait.ge @!p0 [sflag:s8], $0x0  }
0x24: {  	s3 =	sadd.s32 $0x88, s3;
	s6 =	simm.s32 @!p1 $0x1082;
	[sflag:s4] =	ssyncset.s32 $0xFFFFF086  }
0x25: {  	[simem:s6], [sflag:s4] =	dma.local [hbm:s3], $0xF7A  }
0x26: {  	[smem:$0x3F8E] =	sst s1;
	(tag) =	ssettag s2;
	_ =	strace s9  }
0x27: {  	s1 =	sld [smem:$0x3F9E]  }
0x28: {  	s2 =	sld [smem:$0x3F9F]  }
0x29: {  	s4 =	sld [smem:$0x3FA1]  }
0x2a: {  	p0 =	seq.s32 s5, $0x0;
	s5 =	sld [smem:$0x3FA2]  }
0x2b: {  	s6 =	sld [smem:$0x3FA3]  }
0x2c: {  	s7 =	sld [smem:$0x3FA4]  }
0x2d: {  	s3 =	simm.s32 $0x108;
	s8 =	sld [smem:$0x3FA5]  }
0x2e: {  	s3 =	simm.s32 @!p0 $0x1082;
	s9 =	sld [smem:$0x3FA6]  }
0x2f: {  	lr =	sadd.s32 s0, s3;
	s0 =	sld [smem:$0x3F9D]  }
0x30: {  	s3 =	sld [smem:$0x3FA0]  }
0x31: {  	[smem:$0x3FA9] =	sst s10  }
0x32: {  	s10 =	sld [smem:$0x3FA7];
	_ =	sdelay $0x3  }
0x33: {  	p0 =	seq.s32 s10, $0x1;
	s10 =	sld [smem:$0x3FA9];
	_ =	sdelay $0x3  }
0x34: {  	[smem:$0x3FA9] =	sst s10  }
0x35: {  	s10 =	sld [smem:$0x3FA8];
	_ =	sdelay $0x3  }
0x36: {  	p1 =	seq.s32 s10, $0x1;
	s10 =	sld [smem:$0x3FA9];
	_ =	sdelay $0x3  }
0x37: {  	[smem:$0x3FA9] =	sst s10  }
0x38: {  	s10 =	sld [smem:$0x3FAA]  }
0x39: {  	_ = 	snop;
	(pc) =	sbr.ind lr, $3  }
0x3a: {  	_ = 	snop  }
0x3b: {  	_ = 	snop  }
0x3c: {  	p2 =	seq.s32 s10, $0x1;
	s10 =	sld [smem:$0x3FA9]  }
0x3d: {  	_ =	shalt  }
0x3e: {  	_ =	shalt  }
0x3f: {  	_ =	shalt  }
0x40: {  	_ =	shalt  }
0x41: {  	_ =	shalt  }
0x42: {  	_ =	shalt  }
0x43: {  	_ =	shalt  }
0x44: {  	_ =	shalt  }
0x45: {  	_ =	shalt  }
0x46: {  	_ =	shalt  }
0x47: {  	_ =	shalt  }
0x48: {  	_ =	shalt  }
0x49: {  	_ =	shalt  }
0x4a: {  	_ =	shalt  }
0x4b: {  	_ =	shalt  }
0x4c: {  	_ =	shalt  }
0x4d: {  	_ =	shalt  }
0x4e: {  	_ =	shalt  }
0x4f: {  	_ =	shalt  }
0x50: {  	_ =	shalt  }
0x51: {  	_ =	shalt  }
0x52: {  	_ =	shalt  }
0x53: {  	_ =	shalt  }
0x54: {  	_ =	shalt  }
0x55: {  	_ =	shalt  }
0x56: {  	_ =	shalt  }
0x57: {  	_ =	shalt  }
0x58: {  	_ =	shalt  }
0x59: {  	_ =	shalt  }
0x5a: {  	_ =	shalt  }
0x5b: {  	_ =	shalt  }
0x5c: {  	_ =	shalt  }
0x5d: {  	_ =	shalt  }
0x5e: {  	_ =	shalt  }
0x5f: {  	_ =	shalt  }
0x60: {  	_ =	shalt  }
0x61: {  	_ =	shalt  }
0x62: {  	_ =	shalt  }
0x63: {  	_ =	shalt  }
0x64: {  	_ =	shalt  }
0x65: {  	_ =	shalt  }
0x66: {  	_ =	shalt  }
0x67: {  	_ =	shalt  }
0x68: {  	_ =	shalt  }
0x69: {  	_ =	shalt  }
0x6a: {  	_ =	shalt  }
0x6b: {  	_ =	shalt  }
0x6c: {  	_ =	shalt  }
0x6d: {  	_ =	shalt  }
0x6e: {  	_ =	shalt  }
0x6f: {  	_ =	shalt  }
0x70: {  	_ =	shalt  }
0x71: {  	_ =	shalt  }
0x72: {  	_ =	shalt  }
0x73: {  	_ =	shalt  }
0x74: {  	_ =	shalt  }
0x75: {  	_ =	shalt  }
0x76: {  	_ =	shalt  }
0x77: {  	_ =	shalt  }
0x78: {  	_ =	shalt  }
0x79: {  	_ =	shalt  }
0x7a: {  	_ =	shalt  }
0x7b: {  	_ =	shalt  }
0x7c: {  	_ =	shalt  }
0x7d: {  	_ =	shalt  }
0x7e: {  	_ =	shalt  }
0x7f: {  	_ =	shalt  }
0x80: {  	_ =	shalt  }
0x81: {  	_ =	shalt  }
0x82: {  	_ =	shalt  }
0x83: {  	_ =	shalt  }
0x84: {  	_ =	shalt  }
0x85: {  	_ =	shalt  }
0x86: {  	_ =	shalt  }
0x87: {  	_ =	shalt  }
.Lfunc_end0:
.L_simem_size_0:
called_computation.2_lowered:
.L_overlay_start_0:
0x88: {  	s2 =	sld [smem:$0x3FD9]  }
0x89: {  	s3 =	sld [smem:$0x3FFE];
	_ =	sdelay $0x1  }
0x8a: {  	s1 =	srdreg.scid  }
0x8b: {  	s0 =	sand.u32 $0x1, s1  }
0x8c: {  	s17 =	sshll.u32 s0, $0xA;
	s2 =	sadd.s32 s3, s2  }
0x8d: {  	s2 =	sadd.s32 s2, s17  }
0x8e: {  	[smem:$0x3FB5] =	sst s2  }
0x8f: {  	_ = 	snop  }
0x90: {  	s2 =	sld [smem:$0x3FD0];
	(tm) =	ssettm $0x1  }
0x91: {  	s18 =	sld [smem:$0x3FFB];
	_ =	sdelay $0x3  }
0x92: {  	_ =	strace s18  }
0x93: {  	s3 =	sld [smem:$0x3FFC];
	_ =	sdelay $0x3  }
0x94: {  	_ =	strace s3  }
0x95: {  	s3 =	sld [smem:$0x3FFD];
	_ =	sdelay $0x3  }
0x96: {  	_ =	strace s3  }
0x97: {  	_ =	strace $0x8FFFFFFF  }
0x98: {  	s19 =	sld [smem:$0x3FDB];
	_ =	sdelay $0x1  }
0x99: {  	s4 =	simm.s32 $_scs_section_size  }
0x9a: {  	s5 =	simm.s32 $_size__tile_overlayer_lowered;
	s6 =	simm.s32 $_tile_overlayer_lowered  }
0x9b: {  	s22 =	simm.s32 $0x1BFF;
	s21 =	sshll.u32 s6, $0x1;
	s3 =	sadd.s32 s4, s19  }
0x9c: {  	s7 =	simm.s32 $0x0;
	s20 =	sshll.u32 s5, $0x1;
	s5 =	sadd.s32 s21, s3  }
0x9d: {  	[timem:s7], [sflag:s22] =	dma.local [hbm:s5], s20  }
0x9e: {  	_ =	swait.ge [sflag:s22], s20  }
0x9f: {  	s4 =	ssub.s32 $0x0, s20;
	[sflag:s22] =	ssyncset.done $0x0  }
0xa0: {  	[sflag:s22] =	ssyncadd.s32 s4;
	_ =	sdelay $0x1  }
0xa1: {  	s23 =	simm.s32 $0x1B8B  }
0xa2: {  	_ =	swait.ge [sflag:s23], $0x1  }
0xa3: {  	[sflag:s23] =	ssyncset.done $0x0  }
0xa4: {  	s25 =	simm.s32 $0x1B8E;
	s24 =	sld [smem:$0x3FFE];
	[sflag:s23] =	ssyncadd.s32 $0xFFFFFFFF  }
0xa5: {  	s26 =	simm.s32 $execute0_lowered;
	[smem:$0x3FD2] =	sst s25  }
0xa6: {  	s5 =	sshll.u32 s26, $0x1;
	_ =	strace $0x8000004C;
	[dreg:$0x1] =	wrdreg $0xFFFFFFFF  }
0xa7: {  	s28 =	simm.s32 $_size_execute0_lowered;
	s3 =	sadd.s32 s3, s5;
	[dreg:$0x0] =	wrdreg $0x0  }
0xa8: {  	s5 =	sshll.u32 s28, $0x1;
	[dreg:$0x2] =	wrdreg s3  }
0xa9: {  	[dreg:$0x3] =	wrdreg s5  }
0xaa: {  	[dreg:$0x4] =	wrdreg $0xC0  }
0xab: {  	_ =	task [dreg:s7], $0x5FFFF  }
0xac: {  	[dreg:$0x1] =	wrdreg $0xFFFFFFFF  }
0xad: {  	[dreg:$0x0] =	wrdreg $0x60  }
0xae: {  	[dreg:$0x2] =	wrdreg s2  }
0xaf: {  	[dreg:$0x3] =	wrdreg s24  }
0xb0: {  	[dreg:$0x4] =	wrdreg $0x9  }
0xb1: {  	_ =	task.clear_ibuf [dreg:s7], $0x5FFFF;
	_ =	strace $0x9000004C  }
0xb2: {  	s29 =	simm.s32 $0x9;
	_ =	strace $0x8000004E  }
0xb3: {  	_ =	swait.ge [sflag:s29], $0x1  }
0xb4: {  	[sflag:s29] =	ssyncadd.s32 $0xFFFFFFFF  }
0xb5: {  	_ =	strace $0x9000004E  }
0xb6: {  	_ =	sfence  }
0xb7: {  	s30 =	sld [smem:$0x0];
	_ =	sdelay $0x2  }
0xb8: {  	s31 =	sshll.u32 s1, $0xD;
	s1 =	sshrl.u32 s1, $0x2  }
0xb9: {  	s3 =	sand.u32 $0x4000, s31;
	s1 =	sadd.s32 s1, s30  }
0xba: {  	s0 =	sor.u32 s3, s0;
	s1 =	sshll.u32 s1, $0x11  }
0xbb: {  	s0 =	sor.u32 s1, s0  }
0xbc: {  	s0 =	sadd.s32 $0x8F2B, s0  }
0xbd: {  	[sflag:s0] =	ssyncadd.remote.s32 $0x1  }
0xbe: {  	_ =	sfence.sel $0xFFFF  }
0xbf: {  	[dreg:$0x0] =	wrdreg $0xFFFFFFFF;
	(pc) =	sbr.abs _section_cstart, $3  }
0xc0: {  	[dreg:$0x1] =	wrdreg $0xFFFFFFFF  }
0xc1: {  	_ =	task.clear_ibuf [dreg:s7], $0x2FFFF;
	_ =	strace $0x9FFFFFFF  }
0xc2: {  	(tm) =	ssettm $0x7FFFFFFF  }
0xc3: {  	_ =	shalt  }
tec
execute0_lowered:
.L_overlay_start_1:
0x0: {  	(tag) =	ssettag $0x1  }
0x1: {  	s1 =	rddreg [dreg:$0x0]  }
0x2: {  	s7 =	rddreg [dreg:$0x1]  }
0x3: {  	s0 =	rddreg [dreg:$0x2];
	s3 =	simm.s32 $0x0;
	s4 =	srdreg.scid  }
0x4: {  	s2 =	stileid.u32;
	s11 =	simm.s32 $0x80;
	s12 =	simm.s32 $0x2200  }
0x5: {  	s13 =	simm.s32 $0x2A00;
	s14 =	simm.s32 $0x100;
	s15 =	simm.s32 $0x3200  }
0x6: {  	s16 =	simm.s32 $0x180;
	s17 =	simm.s32 $0x3A00;
	s18 =	simm.s32 $0x1  }
0x7: {  	s19 =	simm.s32 $0x4200;
	s20 =	simm.s32 $0x0;
	[smem:$0x7FF] =	sst s3  }
0x8: {  	s6 =	sand.u32 $0x1, s4;
	s9 =	smul.u32 $0xA, s2;
	s4 =	sadd.s32 $0x2C1800, s7  }
0x9: {  	s5 =	sadd.s32 $0x2E00, s7;
	s7 =	sadd.s32 $0x7E00, s7;
	s8 =	ssub.s32 $0x2, s6  }
0xa: {  	p0 =	seq.s32 s6, $0x0;
	s10 =	sshrl.u32 s8, $0x1;
	s6 =	sadd.s32 $0xA0, s9  }
0xb: {  	_ =	strace $0x8000004D;
	s8 =	ssub.s32 s8, s10;
	s6 =	smov.u32 @p0 s9  }
0xc: {  	s9 =	simm.s32 $0x2;
	s10 =	simm.s32 $0x200;
	s8 =	smax.u32 s8, $0x1  }
.LBB2_1:
0xd: {  	s21 =	simm.s32 $0x0  }
.LBB2_2:
0xe: {  	s22 =	sadd.s32 s6, s21  }
0xf: {  	s23 =	sshll.u32 s22, $0x6  }
0x10: {  	s23 =	sadd.s32 s5, s23  }
0x11: {  	[tilespmem:s3], [sflag:$0x2] =	stream.linear.gather [hbm4b:s23+s3], $0x200, $0x38;
	[tilespmem:$0x6200] =	vst v63  }
0x12: {  	_ =	swait.ge [sflag:s9], $0x200  }
0x13: {  	s22 =	sshll.u32 s22, $0xA;
	[sflag:s9] =	ssyncset.done $0x0  }
0x14: {  	s31 =	sadd.s32 s4, s22;
	[sflag:s9] =	ssyncadd.s32 $0xFFFFFE00  }
0x15: {  	[tilespmem:s10], [sflag:$0x2] =	stream.linear.gather [hbm4b:s31+s3], $0x2000, $0x38;
	[tilespmem:$0x6200] =	vst v63  }
0x16: {  	_ =	swait.ge [sflag:s9], $0x2000  }
0x17: {  	[sflag:s9] =	ssyncset.done $0x0  }
0x18: {  	[sflag:s9] =	ssyncadd.s32 $0xFFFFE000  }
0x19: {  	[tilespmem:s12], [sflag:$0x1] =	stream.indirect.gather [hbm4b:s1+s11], $0x10, s3, s11, $0xb8;
	[tilespmem:$0x6200] =	vst v63  }
0x1a: {  	_ = 	snop  }
0x1b: {  	[tilespmem:s13], [sflag:$0x1] =	stream.indirect.gather [hbm4b:s1+s11], $0x10, s11, s11, $0xb8;
	[tilespmem:$0x6200] =	vst v63  }
0x1c: {  	_ = 	snop  }
0x1d: {  	[tilespmem:s15], [sflag:$0x1] =	stream.indirect.gather [hbm4b:s1+s11], $0x10, s14, s11, $0xb8;
	[tilespmem:$0x6200] =	vst v63  }
0x1e: {  	_ = 	snop  }
0x1f: {  	[tilespmem:s17], [sflag:$0x1] =	stream.indirect.gather [hbm4b:s1+s11], $0x10, s16, s11, $0xb8;
	[tilespmem:$0x6200] =	vst v63  }
0x20: {  	_ =	swait.ge [sflag:s18], $0x800  }
0x21: {  	[sflag:s18] =	ssyncset.done $0x0  }
0x22: {  	[sflag:s18] =	ssyncadd.s32 $0xFFFFF800  }
0x23: {  	_ =	swait.ge [sflag:s18], $0x800  }
0x24: {  	[sflag:s18] =	ssyncset.done $0x0  }
0x25: {  	[sflag:s18] =	ssyncadd.s32 $0xFFFFF800  }
0x26: {  	_ =	swait.ge [sflag:s18], $0x800  }
0x27: {  	[sflag:s18] =	ssyncset.done $0x0  }
0x28: {  	[sflag:s18] =	ssyncadd.s32 $0xFFFFF800  }
0x29: {  	_ =	swait.ge [sflag:s18], $0x800  }
0x2a: {  	[sflag:s18] =	ssyncset.done $0x0  }
0x2b: {  	s26 =	simm.s32 $0x240;
	[sflag:s18] =	ssyncadd.s32 $0xFFFFF800  }
0x2c: {  	s23 =	simm.s32 $0x2240;
	v1 =	vld [tilespmem:s26+$0x30]  }
0x2d: {  	v2 =	vld [tilespmem:s23+$0x30]  }
0x2e: {  	v0 =	vld [tilespmem:s23+$0xFFFFFFC0]  }
0x2f: {  	v3 =	vld [tilespmem:s26+$0xFFFFFFD0]  }
0x30: {  	v4 =	vld [tilespmem:s23+$0xFFFFFFD0]  }
0x31: {  	v5 =	vld [tilespmem:s26+$0xFFFFFFE0]  }
0x32: {  	v6 =	vld [tilespmem:s23+$0xFFFFFFE0]  }
0x33: {  	v7 =	vld [tilespmem:s26+$0xFFFFFFF0]  }
0x34: {  	v8 =	vld [tilespmem:s23+$0xFFFFFFF0]  }
0x35: {  	v9 =	vld [tilespmem:s26+$0x0]  }
0x36: {  	v10 =	vld [tilespmem:s23+$0x0];
	v2 =	vadd.f32 v2, v1  }
0x37: {  	v4 =	vadd.f32 v4, v3;
	v1 =	vld [tilespmem:s26+$0x10]  }
0x38: {  	s24 =	simm.s32 $0x4240;
	v5 =	vadd.f32 v6, v5;
	v3 =	vld [tilespmem:s23+$0x10];
	v2 =	vmax.f32 v2, $0.0e+00  }
0x39: {  	v6 =	vadd.f32 v8, v7;
	v4 =	vmax.f32 v4, $0.0e+00;
	[tilespmem:s24+$0x30] =	vst v2;
	v2 =	vld [tilespmem:s26+$0x20]  }
0x3a: {  	[tilespmem:s24+$0xFFFFFFD0] =	vst v4;
	v4 =	vmax.f32 v5, $0.0e+00;
	v5 =	vld [tilespmem:s23+$0x20]  }
0x3b: {  	s25 =	simm.s32 $0x0;
	v7 =	vmax.f32 v6, $0.0e+00;
	v6 =	vadd.f32 v10, v9;
	[tilespmem:s24+$0xFFFFFFE0] =	vst v4;
	v4 =	vld [tilespmem:s26+$0xFFFFFFC0];
	s26 =	simm.s32 $0x2C0  }
.LBB2_3:
0x3c: {  	v8 =	vld [tilespmem:s26+$0x30];
	[tilespmem:s24+$0xFFFFFFF0] =	vst v7;
	s23 =	sadd.s32 $0x80, s23  }
0x3d: {  	s25 =	sadd.s32 $0x8, s25;
	v7 =	vld [tilespmem:s23+$0x30];
	v6 =	vmax.f32 v6, $0.0e+00;
	v1 =	vadd.f32 v3, v1  }
0x3e: {  	p0 =	slt.u32 s25, $0x1F8;
	v3 =	vld [tilespmem:s23+$0xFFFFFFC0];
	[tilespmem:s24+$0x0] =	vst v6  }
0x3f: {  	v6 =	vld [tilespmem:s26+$0xFFFFFFD0];
	v1 =	vmax.f32 v1, $0.0e+00;
	v2 =	vadd.f32 v5, v2  }
0x40: {  	v5 =	vld [tilespmem:s23+$0xFFFFFFD0];
	v9 =	vadd.f32 v0, v4;
	[tilespmem:s24+$0x10] =	vst v1  }
0x41: {  	v1 =	vld [tilespmem:s26+$0xFFFFFFE0];
	v2 =	vmax.f32 v2, $0.0e+00  }
0x42: {  	v4 =	vld [tilespmem:s23+$0xFFFFFFE0];
	v7 =	vadd.f32 v7, v8;
	v8 =	vmax.f32 v9, $0.0e+00;
	[tilespmem:s24+$0x20] =	vst v2  }
0x43: {  	v2 =	vld [tilespmem:s26+$0xFFFFFFF0];
	[tilespmem:s24+$0xFFFFFFC0] =	vst v8;
	v0 =	vmov v3  }
0x44: {  	s24 =	sadd.s32 $0x80, s24;
	v8 =	vld [tilespmem:s23+$0xFFFFFFF0];
	v3 =	vmax.f32 v7, $0.0e+00  }
0x45: {  	v5 =	vadd.f32 v5, v6;
	v6 =	vld [tilespmem:s26+$0x0];
	[tilespmem:s24+$0x30] =	vst v3  }
0x46: {  	v9 =	vld [tilespmem:s23+$0x0]  }
.Ltmp0:
0x47: {  	v3 =	vmax.f32 v5, $0.0e+00;
	v4 =	vadd.f32 v4, v1;
	v1 =	vld [tilespmem:s26+$0x10];
	(pc) =	sbr.rel @p0 .LBB2_3-.Ltmp0, $4  }
0x48: {  	[tilespmem:s24+$0xFFFFFFD0] =	vst v3;
	v3 =	vld [tilespmem:s23+$0x10]  }
0x49: {  	v4 =	vmax.f32 v4, $0.0e+00;
	v7 =	vadd.f32 v8, v2;
	v2 =	vld [tilespmem:s26+$0x20]  }
0x4a: {  	[tilespmem:s24+$0xFFFFFFE0] =	vst v4;
	v5 =	vld [tilespmem:s23+$0x20]  }
0x4b: {  	v4 =	vld [tilespmem:s26+$0xFFFFFFC0];
	v7 =	vmax.f32 v7, $0.0e+00;
	v6 =	vadd.f32 v9, v6;
	s26 =	sadd.s32 $0x80, s26  }
0x4c: {  	_ =	sdelay $0x1  }
0x4d: {  	v1 =	vadd.f32 v3, v1  }
0x4e: {  	[tilespmem:s24+$0xFFFFFFF0] =	vst v7;
	v62 =	vmax.f32 v6, $0.0e+00;
	v2 =	vadd.f32 v5, v2  }
0x4f: {  	[tilespmem:s24+$0x0] =	vst v62;
	v1 =	vmax.f32 v1, $0.0e+00;
	v0 =	vadd.f32 v0, v4  }
0x50: {  	s21 =	sadd.s32 $0x1, s21;
	[tilespmem:s24+$0x10] =	vst v1;
	v63 =	vmax.f32 v2, $0.0e+00  }
0x51: {  	p0 =	sne.s32 s21, $0xA;
	v0 =	vmax.f32 v0, $0.0e+00;
	[tilespmem:s24+$0x20] =	vst v63  }
.Ltmp1:
0x52: {  	s22 =	sadd.s32 s7, s22;
	[tilespmem:s24+$0xFFFFFFC0] =	vst v0;
	(pc) =	sbr.rel @p0 .LBB2_2-.Ltmp1, $4  }
0x53: {  	[hbm4b:s22+s3] =	stream.linear.scatter [tilespmem:s19], [sflag:$0x2], $0x2000, $0x38;
	[tilespmem:$0x6200] =	vst v63  }
0x54: {  	_ =	swait.ge [sflag:s9], $0x2000  }
0x55: {  	[sflag:s9] =	ssyncset.done $0x0  }
0x56: {  	[sflag:s9] =	ssyncadd.s32 $0xFFFFE000  }
0x57: {  	s20 =	sadd.s32 $0x1, s20  }
0x58: {  	p0 =	sne.s32 s20, s8  }
.Ltmp2:
0x59: {  	_ = 	snop;
	(pc) =	sbr.rel @p0 .LBB2_1-.Ltmp2, $1  }
0x5a: {  	_ =	sdelay $0x3  }
0x5b: {  	_ =	sfence.sel $0x180000  }
0x5c: {  	[bflag:$0x0] =	sbarrier.arrive $0xFFFF  }
0x5d: {  	p0 =	sne.s32 s2, $0x0;
	_ =	strace $0x9000004D  }
0x5e: {  	s0 =	sadd.s32 @!p0 $0x100000, s0;
	[bflag:$0x2] =	sbarrier.arrive $0xFFFF  }
0x5f: {  	[sflag:s0] =	ssyncadd.tile.s32 @!p0 $0x1;
	_ =	shalt  }
.Lfunc_end2:
_tile_overlayer_lowered:
.L_overlay_start_2:
0x60: {  	(tag) =	ssettag $0x2  }
0x61: {  	s0 =	rddreg [dreg:$0x0];
	s2 =	stileid.u32  }
0x62: {  	s1 =	rddreg [dreg:$0x1];
	p0 =	sne.s32 s2, $0x0  }
0x63: {  	s3 =	rddreg [dreg:$0x2];
	[bflag:$0x3] =	sbarrier.arrive $0xFFFF;
	s2 =	simm.s32 @!p0 $0x1C02  }
0x64: {  	[timem:s3], [sflag:s2] =	dma.local @!p0 [hbm:s0], s1  }
0x65: {  	s0 =	simm.s32 @!p0 $0x2  }
0x66: {  	_ =	swait.ge @!p0 [sflag:s0], s1  }
0x67: {  	s1 =	ssub.s32 @!p0 $0x0, s1;
	[sflag:s0] =	ssyncset.done @!p0 $0x0  }
0x68: {  	[sflag:s0] =	ssyncadd.s32 @!p0 s1  }
0x69: {  	[bflag:$0x3] =	sbarrier.arrive $0xFFFF  }
0x6a: {  	_ =	shalt  }

// kernel: kernel.7.cloned.1.call-start
scs
__scs_entry_jumppad:
0x0: {  	(pc) =	sbr.rel $0x88, $3  }
0x1: {  	(tag) =	ssettag $0x0;
	lr =	simm.s32 $0x1  }
0x2: {  	[smem:$0x3F8E] =	sst lr;
	_ =	strace $0xD0000000  }
0x3: {  	_ = 	snop  }
0x4: {  	_ = 	snop  }
0x5: {  	_ = 	snop  }
0x6: {  	_ = 	snop  }
0x7: {  	_ = 	snop  }
__scs_overlays_trampoline_lowered:
0x8: {  	[smem:$0x3F9D] =	sst s0  }
0x9: {  	[smem:$0x3F9E] =	sst s1  }
0xa: {  	[smem:$0x3F9F] =	sst s2  }
0xb: {  	[smem:$0x3FA0] =	sst s3  }
0xc: {  	[smem:$0x3FA1] =	sst s4  }
0xd: {  	[smem:$0x3FA2] =	sst s5  }
0xe: {  	[smem:$0x3FA3] =	sst s6  }
0xf: {  	[smem:$0x3FA4] =	sst s7  }
0x10: {  	[smem:$0x3FA5] =	sst s8  }
0x11: {  	[smem:$0x3FA6] =	sst s9;
	s0 =	simm.s32 @!p0 $0x0  }
0x12: {  	s1 =	sld [smem:$0x3F8C];
	s0 =	simm.s32 @p0 $0x1  }
0x13: {  	[smem:$0x3FA7] =	sst s0;
	s0 =	simm.s32 @!p1 $0x0  }
0x14: {  	s2 =	sld [smem:$0x3F8B];
	s0 =	simm.s32 @p1 $0x1  }
0x15: {  	[smem:$0x3FA8] =	sst s0;
	s0 =	simm.s32 @!p2 $0x0  }
0x16: {  	s3 =	sld [smem:$0x3FDB];
	s0 =	simm.s32 @p2 $0x1  }
0x17: {  	s4 =	simm.s32 $0x1BF5;
	[smem:$0x3FAA] =	sst s0  }
0x18: {  	s0 =	sld [smem:$0x3F8D];
	_ =	swait.ge [sflag:s4], $0x0  }
0x19: {  	s7 =	sld [smem:$0x3F8E]  }
0x1a: {  	s8 =	sadd.s32 $0xFFFFE003, lr  }
0x1b: {  	s9 =	sadd.s32 $0xFFFFFEF7, lr;
	s5 =	simm.s32 $0xFFFFFFFF;
	p2 =	slt.u32 s8, $0xFFFFF086  }
0x1c: {  	p1 =	slt.u32 s9, $0xF7A;
	s5 =	simm.s32 @!p2 $0x0  }
0x1d: {  	s5 =	simm.s32 @p1 $0x1;
	p0 =	seq.s32 s7, s2  }
0x1e: {  	s7 =	smul.u32 @!p0 $0xF7A, s2;
	p2 =	seq.s32 @!p0 s5, $0x0  }
0x1f: {  	s9 =	smul.u32 $0xF7A, s1;
	s8 =	simm.s32 @!p0 $0x1BF5;
	p2 =	por !p2, p0  }
0x20: {  	[sflag:s8] =	ssyncset.s32 @!p0 $0xFFFFF086;
	s6 =	sadd.s32 @!p0 s3, s7;
	s7 =	simm.s32 @!p0 $0x108  }
0x21: {  	s3 =	sadd.s32 s3, s9;
	s6 =	sadd.s32 @!p0 $0x88, s6;
	s7 =	simm.s32 @p2 $0x1082  }
0x22: {  	[simem:s7], [sflag:s8] =	dma.local @!p0 [hbm:s6], $0xF7A  }
0x23: {  	s9 =	sor.u32 $0xD0000000, s2;
	s6 =	simm.s32 $0x108;
	_ =	swait.ge @!p0 [sflag:s8], $0x0  }
0x24: {  	s3 =	sadd.s32 $0x88, s3;
	s6 =	simm.s32 @!p1 $0x1082;
	[sflag:s4] =	ssyncset.s32 $0xFFFFF086  }
0x25: {  	[simem:s6], [sflag:s4] =	dma.local [hbm:s3], $0xF7A  }
0x26: {  	[smem:$0x3F8E] =	sst s1;
	(tag) =	ssettag s2;
	_ =	strace s9  }
0x27: {  	s1 =	sld [smem:$0x3F9E]  }
0x28: {  	s2 =	sld [smem:$0x3F9F]  }
0x29: {  	s4 =	sld [smem:$0x3FA1]  }
0x2a: {  	p0 =	seq.s32 s5, $0x0;
	s5 =	sld [smem:$0x3FA2]  }
0x2b: {  	s6 =	sld [smem:$0x3FA3]  }
0x2c: {  	s7 =	sld [smem:$0x3FA4]  }
0x2d: {  	s3 =	simm.s32 $0x108;
	s8 =	sld [smem:$0x3FA5]  }
0x2e: {  	s3 =	simm.s32 @!p0 $0x1082;
	s9 =	sld [smem:$0x3FA6]  }
0x2f: {  	lr =	sadd.s32 s0, s3;
	s0 =	sld [smem:$0x3F9D]  }
0x30: {  	s3 =	sld [smem:$0x3FA0]  }
0x31: {  	[smem:$0x3FA9] =	sst s10  }
0x32: {  	s10 =	sld [smem:$0x3FA7];
	_ =	sdelay $0x3  }
0x33: {  	p0 =	seq.s32 s10, $0x1;
	s10 =	sld [smem:$0x3FA9];
	_ =	sdelay $0x3  }
0x34: {  	[smem:$0x3FA9] =	sst s10  }
0x35: {  	s10 =	sld [smem:$0x3FA8];
	_ =	sdelay $0x3  }
0x36: {  	p1 =	seq.s32 s10, $0x1;
	s10 =	sld [smem:$0x3FA9];
	_ =	sdelay $0x3  }
0x37: {  	[smem:$0x3FA9] =	sst s10  }
0x38: {  	s10 =	sld [smem:$0x3FAA]  }
0x39: {  	_ = 	snop;
	(pc) =	sbr.ind lr, $3  }
0x3a: {  	_ = 	snop  }
0x3b: {  	_ = 	snop  }
0x3c: {  	p2 =	seq.s32 s10, $0x1;
	s10 =	sld [smem:$0x3FA9]  }
0x3d: {  	_ =	shalt  }
0x3e: {  	_ =	shalt  }
0x3f: {  	_ =	shalt  }
0x40: {  	_ =	shalt  }
0x41: {  	_ =	shalt  }
0x42: {  	_ =	shalt  }
0x43: {  	_ =	shalt  }
0x44: {  	_ =	shalt  }
0x45: {  	_ =	shalt  }
0x46: {  	_ =	shalt  }
0x47: {  	_ =	shalt  }
0x48: {  	_ =	shalt  }
0x49: {  	_ =	shalt  }
0x4a: {  	_ =	shalt  }
0x4b: {  	_ =	shalt  }
0x4c: {  	_ =	shalt  }
0x4d: {  	_ =	shalt  }
0x4e: {  	_ =	shalt  }
0x4f: {  	_ =	shalt  }
0x50: {  	_ =	shalt  }
0x51: {  	_ =	shalt  }
0x52: {  	_ =	shalt  }
0x53: {  	_ =	shalt  }
0x54: {  	_ =	shalt  }
0x55: {  	_ =	shalt  }
0x56: {  	_ =	shalt  }
0x57: {  	_ =	shalt  }
0x58: {  	_ =	shalt  }
0x59: {  	_ =	shalt  }
0x5a: {  	_ =	shalt  }
0x5b: {  	_ =	shalt  }
0x5c: {  	_ =	shalt  }
0x5d: {  	_ =	shalt  }
0x5e: {  	_ =	shalt  }
0x5f: {  	_ =	shalt  }
0x60: {  	_ =	shalt  }
0x61: {  	_ =	shalt  }
0x62: {  	_ =	shalt  }
0x63: {  	_ =	shalt  }
0x64: {  	_ =	shalt  }
0x65: {  	_ =	shalt  }
0x66: {  	_ =	shalt  }
0x67: {  	_ =	shalt  }
0x68: {  	_ =	shalt  }
0x69: {  	_ =	shalt  }
0x6a: {  	_ =	shalt  }
0x6b: {  	_ =	shalt  }
0x6c: {  	_ =	shalt  }
0x6d: {  	_ =	shalt  }
0x6e: {  	_ =	shalt  }
0x6f: {  	_ =	shalt  }
0x70: {  	_ =	shalt  }
0x71: {  	_ =	shalt  }
0x72: {  	_ =	shalt  }
0x73: {  	_ =	shalt  }
0x74: {  	_ =	shalt  }
0x75: {  	_ =	shalt  }
0x76: {  	_ =	shalt  }
0x77: {  	_ =	shalt  }
0x78: {  	_ =	shalt  }
0x79: {  	_ =	shalt  }
0x7a: {  	_ =	shalt  }
0x7b: {  	_ =	shalt  }
0x7c: {  	_ =	shalt  }
0x7d: {  	_ =	shalt  }
0x7e: {  	_ =	shalt  }
0x7f: {  	_ =	shalt  }
0x80: {  	_ =	shalt  }
0x81: {  	_ =	shalt  }
0x82: {  	_ =	shalt  }
0x83: {  	_ =	shalt  }
0x84: {  	_ =	shalt  }
0x85: {  	_ =	shalt  }
0x86: {  	_ =	shalt  }
0x87: {  	_ =	shalt  }
.Lfunc_end0:
.L_simem_size_0:
called_computation_lowered:
.L_overlay_start_0:
0x88: {  	s2 =	sld [smem:$0x3FD9]  }
0x89: {  	s3 =	sld [smem:$0x3FFE];
	_ =	sdelay $0x1  }
0x8a: {  	s1 =	srdreg.scid  }
0x8b: {  	s0 =	sand.u32 $0x1, s1  }
0x8c: {  	s16 =	sshll.u32 s0, $0xA;
	s2 =	sadd.s32 s3, s2  }
0x8d: {  	s2 =	sadd.s32 s2, s16  }
0x8e: {  	[smem:$0x3FB5] =	sst s2  }
0x8f: {  	_ = 	snop  }
0x90: {  	(tm) =	ssettm $0x1  }
0x91: {  	s17 =	sld [smem:$0x3FFB];
	_ =	sdelay $0x3  }
0x92: {  	_ =	strace s17  }
0x93: {  	s2 =	sld [smem:$0x3FFC];
	_ =	sdelay $0x3  }
0x94: {  	_ =	strace s2  }
0x95: {  	s2 =	sld [smem:$0x3FFD];
	_ =	sdelay $0x3  }
0x96: {  	_ =	strace s2  }
0x97: {  	_ =	strace $0x8FFFFFFF  }
0x98: {  	s18 =	sld [smem:$0x3FDB];
	_ =	sdelay $0x1  }
0x99: {  	s19 =	simm.s32 $_scs_section_size  }
0x9a: {  	s4 =	simm.s32 $_size__tile_overlayer_lowered;
	s5 =	simm.s32 $_tile_overlayer_lowered  }
0x9b: {  	s22 =	simm.s32 $0x1BFF;
	s21 =	sshll.u32 s5, $0x1;
	s2 =	sadd.s32 s19, s18  }
0x9c: {  	s6 =	simm.s32 $0x0;
	s20 =	sshll.u32 s4, $0x1;
	s4 =	sadd.s32 s21, s2  }
0x9d: {  	[timem:s6], [sflag:s22] =	dma.local [hbm:s4], s20  }
0x9e: {  	_ =	swait.ge [sflag:s22], s20  }
0x9f: {  	s3 =	ssub.s32 $0x0, s20;
	[sflag:s22] =	ssyncset.done $0x0  }
0xa0: {  	[sflag:s22] =	ssyncadd.s32 s3;
	_ =	sdelay $0x1  }
0xa1: {  	s23 =	simm.s32 $0x1B8B  }
0xa2: {  	_ =	swait.ge [sflag:s23], $0x1  }
0xa3: {  	[sflag:s23] =	ssyncset.done $0x0  }
0xa4: {  	s25 =	simm.s32 $0x1B8E;
	s24 =	sld [smem:$0x3FFE];
	[sflag:s23] =	ssyncadd.s32 $0xFFFFFFFF  }
0xa5: {  	s26 =	simm.s32 $execute0_lowered;
	[smem:$0x3FD2] =	sst s25  }
0xa6: {  	s4 =	sshll.u32 s26, $0x1;
	_ =	strace $0x80000046;
	[dreg:$0x1] =	wrdreg $0xFFFFFFFF  }
0xa7: {  	s28 =	simm.s32 $_size_execute0_lowered;
	s2 =	sadd.s32 s2, s4;
	[dreg:$0x0] =	wrdreg $0x0  }
0xa8: {  	s4 =	sshll.u32 s28, $0x1;
	[dreg:$0x2] =	wrdreg s2  }
0xa9: {  	[dreg:$0x3] =	wrdreg s4  }
0xaa: {  	[dreg:$0x4] =	wrdreg $0xC0  }
0xab: {  	_ =	task [dreg:s6], $0x5FFFF  }
0xac: {  	[dreg:$0x1] =	wrdreg $0xFFFFFFFF  }
0xad: {  	[dreg:$0x0] =	wrdreg $0x60  }
0xae: {  	[dreg:$0x2] =	wrdreg s24  }
0xaf: {  	[dreg:$0x3] =	wrdreg $0x112000  }
0xb0: {  	[dreg:$0x4] =	wrdreg $0x9  }
0xb1: {  	_ =	task.clear_ibuf [dreg:s6], $0x5FFFF;
	_ =	strace $0x90000046  }
0xb2: {  	s29 =	simm.s32 $0x9;
	_ =	strace $0x80000048  }
0xb3: {  	_ =	swait.ge [sflag:s29], $0x1  }
0xb4: {  	[sflag:s29] =	ssyncadd.s32 $0xFFFFFFFF  }
0xb5: {  	_ =	strace $0x90000048  }
0xb6: {  	_ =	sfence  }
0xb7: {  	s30 =	sld [smem:$0x0];
	_ =	sdelay $0x2  }
0xb8: {  	s31 =	sshll.u32 s1, $0xD;
	s1 =	sshrl.u32 s1, $0x2  }
0xb9: {  	s3 =	sand.u32 $0x4000, s31;
	s1 =	sadd.s32 s1, s30  }
0xba: {  	s0 =	sor.u32 s3, s0;
	s1 =	sshll.u32 s1, $0x11  }
0xbb: {  	s0 =	sor.u32 s1, s0  }
0xbc: {  	s0 =	sadd.s32 $0x8F2B, s0  }
0xbd: {  	[sflag:s0] =	ssyncadd.remote.s32 $0x1  }
0xbe: {  	_ =	sfence.sel $0xFFFF  }
0xbf: {  	[dreg:$0x0] =	wrdreg $0xFFFFFFFF;
	(pc) =	sbr.abs _section_cstart, $3  }
0xc0: {  	[dreg:$0x1] =	wrdreg $0xFFFFFFFF  }
0xc1: {  	_ =	task.clear_ibuf [dreg:s6], $0x2FFFF;
	_ =	strace $0x9FFFFFFF  }
0xc2: {  	(tm) =	ssettm $0x7FFFFFFF  }
0xc3: {  	_ =	shalt  }
tec
execute0_lowered:
.L_overlay_start_1:
0x0: {  	(tag) =	ssettag $0x1  }
0x1: {  	s8 =	rddreg [dreg:$0x0]  }
0x2: {  	s1 =	rddreg [dreg:$0x1]  }
0x3: {  	s0 =	rddreg [dreg:$0x2];
	s2 =	simm.s32 $0x0;
	s3 =	srdreg.scid  }
0x4: {  	s16 =	simm.s32 $0x200;
	s17 =	simm.s32 $0x80;
	s18 =	simm.s32 $0x8200  }
0x5: {  	s19 =	simm.s32 $0xC200;
	s20 =	simm.s32 $0x1;
	s21 =	simm.s32 $0x180  }
0x6: {  	s22 =	simm.s32 $0x10A00;
	[smem:$0x7FF] =	sst s2;
	s9 =	sand.u32 $0x1, s3  }
0x7: {  	s4 =	sadd.s32 $0xCE00, s8;
	s3 =	stileid.u32;
	s10 =	smul.u32 $0x4F00, s9  }
0x8: {  	s5 =	sadd.s32 $0x27DE00, s8;
	s6 =	sadd.s32 $0x2E00, s8;
	s11 =	smul.u32 $0x14, s3  }
0x9: {  	s7 =	sadd.s32 $0x7E00, s8;
	_ =	strace $0x80000047;
	s13 =	smul.u32 $0x9E00, s3  }
0xa: {  	s12 =	ssub.s32 $0x2, s9;
	p0 =	seq.s32 s9, $0x0;
	s15 =	smul.u32 $0x2780, s3  }
0xb: {  	s29 =	sshrl.u32 s12, $0x1;
	s14 =	sadd.s32 s10, s8;
	s8 =	sadd.s32 $0x140, s11  }
0xc: {  	s30 =	sshrl.u32 s13, $0x2;
	s12 =	ssub.s32 s12, s29;
	s9 =	sadd.s32 s15, s1  }
0xd: {  	s24 =	sshrl.u32 s15, $0x3;
	s13 =	simm.s32 $0x10200;
	s15 =	simm.s32 $0x100  }
0xe: {  	s8 =	smov.u32 @p0 s11;
	s31 =	sadd.s32 s30, s1;
	s23 =	sadd.s32 $0x34000, s14  }
0xf: {  	s12 =	smax.u32 s12, $0x1;
	s14 =	simm.s32 $0x2;
	s10 =	sadd.s32 $0x1000, s31  }
0x10: {  	v0 =	vimm.f32 $0.0e+00;
	s11 =	sadd.s32 $0x2000, s31;
	s23 =	sadd.s32 s24, s23;
	s24 =	simm.s32 $0x0  }
.LBB2_1:
0x11: {  	s25 =	simm.s32 $0x10240  }
0x12: {  	[tilespmem:s25+$0xFFFFFFC0] =	vst v0  }
0x13: {  	[tilespmem:s25+$0x30] =	vst v0  }
0x14: {  	[tilespmem:s25+$0x20] =	vst v0  }
0x15: {  	[tilespmem:s25+$0x10] =	vst v0  }
0x16: {  	[tilespmem:s25+$0x0] =	vst v0  }
0x17: {  	[tilespmem:s25+$0xFFFFFFF0] =	vst v0  }
0x18: {  	s26 =	simm.s32 $0x0;
	[tilespmem:s25+$0xFFFFFFE0] =	vst v0  }
.LBB2_2:
0x19: {  	s26 =	sadd.s32 $0x8, s26;
	[tilespmem:s25+$0xFFFFFFD0] =	vst v0;
	s25 =	sadd.s32 $0x80, s25  }
0x1a: {  	[tilespmem:s25+$0xFFFFFFC0] =	vst v0;
	p0 =	slt.u32 s26, $0xF8  }
0x1b: {  	[tilespmem:s25+$0x30] =	vst v0  }
.Ltmp0:
0x1c: {  	[tilespmem:s25+$0x20] =	vst v0;
	(pc) =	sbr.rel @p0 .LBB2_2-.Ltmp0, $4  }
0x1d: {  	[tilespmem:s25+$0x10] =	vst v0  }
0x1e: {  	[tilespmem:s25+$0x0] =	vst v0  }
0x1f: {  	[tilespmem:s25+$0xFFFFFFF0] =	vst v0  }
0x20: {  	[tilespmem:s25+$0xFFFFFFE0] =	vst v0  }
0x21: {  	[tilespmem:s25+$0xFFFFFFD0] =	vst v0  }
0x22: {  	[spmem:s9] =	stream.linear.scatter [tilespmem:s13], [sflag:$0x2], $0x1000, $0x38;
	[tilespmem:$0x13980] =	vst v63  }
0x23: {  	_ =	swait.ge [sflag:s14], $0x1000  }
0x24: {  	[sflag:s14] =	ssyncset.done $0x0  }
0x25: {  	[sflag:s14] =	ssyncadd.s32 $0xFFFFF000  }
0x26: {  	[spmem:s10] =	stream.linear.scatter [tilespmem:s13], [sflag:$0x2], $0x1000, $0x38;
	[tilespmem:$0x13980] =	vst v63  }
0x27: {  	_ =	swait.ge [sflag:s14], $0x1000  }
0x28: {  	[sflag:s14] =	ssyncset.done $0x0  }
0x29: {  	[sflag:s14] =	ssyncadd.s32 $0xFFFFF000  }
0x2a: {  	[spmem:s11] =	stream.linear.scatter [tilespmem:s13], [sflag:$0x2], $0x780, $0x38;
	[tilespmem:$0x13980] =	vst v63  }
0x2b: {  	_ =	swait.ge [sflag:s14], $0x780  }
0x2c: {  	[sflag:s14] =	ssyncset.done $0x0  }
0x2d: {  	[sflag:s14] =	ssyncadd.s32 $0xFFFFF880  }
0x2e: {  	s25 =	simm.s32 $0x0;
	[bflag:$0x0] =	sbarrier.arrive $0xFFFF  }
.LBB2_4:
0x2f: {  	s26 =	sadd.s32 s8, s25  }
0x30: {  	s28 =	sshll.u32 s26, $0x5  }
0x31: {  	s29 =	sadd.s32 s6, s28  }
0x32: {  	[tilespmem:s2], [sflag:$0x2] =	stream.linear.gather [hbm4b:s29+s2], $0x100, $0x38;
	[tilespmem:$0x13980] =	vst v63  }
0x33: {  	_ =	swait.ge [sflag:s14], $0x100  }
0x34: {  	[sflag:s14] =	ssyncset.done $0x0  }
0x35: {  	s28 =	sadd.s32 s7, s28;
	[sflag:s14] =	ssyncadd.s32 $0xFFFFFF00  }
0x36: {  	[tilespmem:s15], [sflag:$0x2] =	stream.linear.gather [hbm4b:s28+s2], $0x100, $0x38;
	[tilespmem:$0x13980] =	vst v63  }
0x37: {  	_ =	swait.ge [sflag:s14], $0x100  }
0x38: {  	s26 =	sshll.u32 s26, $0xC;
	[sflag:s14] =	ssyncset.done $0x0  }
0x39: {  	s26 =	sadd.s32 s5, s26;
	[sflag:s14] =	ssyncadd.s32 $0xFFFFFF00  }
0x3a: {  	[tilespmem:s16], [sflag:$0x2] =	stream.linear.gather [hbm4b:s26+s2], $0x8000, $0x38;
	[tilespmem:$0x13980] =	vst v63  }
0x3b: {  	_ =	swait.ge [sflag:s14], $0x8000  }
0x3c: {  	[sflag:s14] =	ssyncset.done $0x0  }
0x3d: {  	[sflag:s14] =	ssyncadd.s32 $0xFFFF8000  }
0x3e: {  	[tilespmem:s18], [sflag:$0x1] =	stream.indirect.gather [hbm4b:s4+s17], $0x80, s2, s17, $0xb8;
	[tilespmem:$0x13980] =	vst v63  }
0x3f: {  	_ = 	snop  }
0x40: {  	[tilespmem:s19], [sflag:$0x1] =	stream.indirect.gather [hbm4b:s4+s17], $0x80, s17, s17, $0xb8;
	[tilespmem:$0x13980] =	vst v63  }
0x41: {  	_ =	swait.ge [sflag:s20], $0x4000  }
0x42: {  	[sflag:s20] =	ssyncset.done $0x0  }
0x43: {  	[sflag:s20] =	ssyncadd.s32 $0xFFFFC000  }
0x44: {  	_ =	swait.ge [sflag:s20], $0x4000  }
0x45: {  	[sflag:s20] =	ssyncset.done $0x0  }
0x46: {  	s29 =	simm.s32 $0x8400;
	[sflag:s20] =	ssyncadd.s32 $0xFFFFC000  }
0x47: {  	s26 =	simm.s32 $0x400;
	v1 =	vld [tilespmem:s29+$0x180]  }
0x48: {  	v2 =	vld [tilespmem:s26+$0x180]  }
0x49: {  	v3 =	vld [tilespmem:s29+$0x190]  }
0x4a: {  	v4 =	vld [tilespmem:s26+$0x190]  }
0x4b: {  	v5 =	vld [tilespmem:s29+$0x1A0]  }
0x4c: {  	v6 =	vld [tilespmem:s26+$0x1A0]  }
0x4d: {  	v7 =	vld [tilespmem:s29+$0x1B0]  }
0x4e: {  	v13 =	vld [tilespmem:s26+$0xFFFFFE00]  }
0x4f: {  	v8 =	vld [tilespmem:s26+$0x1B0]  }
0x50: {  	v9 =	vld [tilespmem:s29+$0x1C0]  }
0x51: {  	v10 =	vld [tilespmem:s26+$0x1C0]  }
0x52: {  	v11 =	vld [tilespmem:s29+$0x1D0]  }
0x53: {  	v12 =	vld [tilespmem:s26+$0x1D0];
	[tilespmem:$0x1FFF0] =	vst v13  }
0x54: {  	v14 =	vld [tilespmem:s29+$0xFFFFFE10]  }
0x55: {  	v15 =	vld [tilespmem:s26+$0xFFFFFE10]  }
0x56: {  	v16 =	vld [tilespmem:s29+$0xFFFFFE80]  }
0x57: {  	v17 =	vld [tilespmem:s26+$0xFFFFFE80]  }
0x58: {  	v18 =	vld [tilespmem:s29+$0xFFFFFE90]  }
0x59: {  	v19 =	vld [tilespmem:s26+$0xFFFFFE90]  }
0x5a: {  	v20 =	vld [tilespmem:s29+$0xFFFFFF00]  }
0x5b: {  	v21 =	vld [tilespmem:s26+$0xFFFFFF00]  }
0x5c: {  	v22 =	vld [tilespmem:s29+$0xFFFFFF10]  }
0x5d: {  	v23 =	vld [tilespmem:s26+$0xFFFFFF10]  }
0x5e: {  	v24 =	vld [tilespmem:s29+$0xFFFFFF80]  }
0x5f: {  	v25 =	vld [tilespmem:s26+$0xFFFFFF80]  }
0x60: {  	v26 =	vld [tilespmem:s29+$0xFFFFFF90]  }
0x61: {  	v27 =	vld [tilespmem:s26+$0xFFFFFF90]  }
0x62: {  	v28 =	vld [tilespmem:s29+$0x0]  }
0x63: {  	v29 =	vld [tilespmem:s26+$0x0]  }
0x64: {  	v30 =	vld [tilespmem:s29+$0x10]  }
0x65: {  	v31 =	vld [tilespmem:s26+$0x10]  }
0x66: {  	v32 =	vld [tilespmem:s29+$0x80]  }
0x67: {  	v33 =	vld [tilespmem:s26+$0x80]  }
0x68: {  	v34 =	vld [tilespmem:s29+$0x90]  }
0x69: {  	v35 =	vld [tilespmem:s26+$0x90]  }
0x6a: {  	v36 =	vld [tilespmem:s29+$0x100]  }
0x6b: {  	v37 =	vld [tilespmem:s26+$0x100]  }
0x6c: {  	v38 =	vld [tilespmem:s29+$0x110]  }
0x6d: {  	v39 =	vld [tilespmem:s26+$0x110]  }
0x6e: {  	v40 =	vld [tilespmem:s29+$0xFFFFFE00]  }
0x6f: {  	v41 =	vld [tilespmem:s29+$0xFFFFFE20]  }
0x70: {  	v42 =	vld [tilespmem:s26+$0xFFFFFE20]  }
0x71: {  	v43 =	vld [tilespmem:s29+$0xFFFFFEA0]  }
0x72: {  	v44 =	vld [tilespmem:s26+$0xFFFFFEA0]  }
0x73: {  	v45 =	vld [tilespmem:s29+$0xFFFFFF20]  }
0x74: {  	v46 =	vld [tilespmem:s26+$0xFFFFFF20]  }
0x75: {  	v47 =	vld [tilespmem:s29+$0xFFFFFFA0]  }
0x76: {  	v48 =	vld [tilespmem:s26+$0xFFFFFFA0]  }
0x77: {  	v49 =	vld [tilespmem:s29+$0x20]  }
0x78: {  	v50 =	vld [tilespmem:s26+$0x20]  }
0x79: {  	v51 =	vld [tilespmem:s29+$0xA0]  }
0x7a: {  	v52 =	vld [tilespmem:s26+$0xA0]  }
0x7b: {  	v53 =	vld [tilespmem:s29+$0x120]  }
0x7c: {  	v54 =	vld [tilespmem:s26+$0x120]  }
0x7d: {  	v55 =	vld [tilespmem:s29+$0xFFFFFE30]  }
0x7e: {  	v56 =	vld [tilespmem:s26+$0xFFFFFE30]  }
0x7f: {  	v57 =	vld [tilespmem:s29+$0xFFFFFEB0]  }
0x80: {  	v58 =	vld [tilespmem:s26+$0xFFFFFEB0]  }
0x81: {  	v59 =	vld [tilespmem:s29+$0xFFFFFF30]  }
0x82: {  	v60 =	vld [tilespmem:s26+$0xFFFFFF30]  }
0x83: {  	v61 =	vld [tilespmem:s29+$0xFFFFFFB0]  }
0x84: {  	v62 =	vld [tilespmem:s26+$0xFFFFFFB0]  }
0x85: {  	v1 =	vmul.f32 v2, v1;
	v2 =	vmul.f32 v4, v3;
	v63 =	vld [tilespmem:s29+$0x30]  }
0x86: {  	v13 =	vld [tilespmem:s26+$0x30]  }
0x87: {  	v3 =	vld [tilespmem:s29+$0xB0];
	v1 =	vadd.f32 v2, v1;
	v2 =	vmul.f32 v6, v5  }
0x88: {  	v4 =	vld [tilespmem:s26+$0xB0]  }
0x89: {  	v5 =	vld [tilespmem:s29+$0x130];
	v1 =	vadd.f32 v2, v1;
	v2 =	vmul.f32 v8, v7  }
0x8a: {  	v6 =	vld [tilespmem:s26+$0x130]  }
0x8b: {  	v7 =	vld [tilespmem:s29+$0xFFFFFE40];
	v1 =	vadd.f32 v2, v1;
	v2 =	vmul.f32 v10, v9  }
0x8c: {  	v8 =	vld [tilespmem:s26+$0xFFFFFE40];
	v9 =	vmul.f32 v12, v11;
	v11 =	vmul.f32 v15, v14  }
0x8d: {  	v10 =	vld [tilespmem:s29+$0xFFFFFEC0];
	v12 =	vmul.f32 v17, v16;
	v15 =	vmul.f32 v21, v20  }
0x8e: {  	v14 =	vld [tilespmem:s26+$0xFFFFFEC0];
	v17 =	vmul.f32 v23, v22;
	v20 =	vmul.f32 v29, v28  }
0x8f: {  	v16 =	vld [tilespmem:s29+$0xFFFFFF40];
	v33 =	vmul.f32 v33, v32;
	v34 =	vmul.f32 v35, v34  }
0x90: {  	v21 =	vld [tilespmem:s29+$0xFFFFFFC0];
	v36 =	vmul.f32 v37, v36;
	v37 =	vmul.f32 v39, v38  }
0x91: {  	v23 =	vld [tilespmem:s26+$0xFFFFFFC0];
	v39 =	vmul.f32 v42, v41;
	v41 =	vmul.f32 v44, v43  }
0x92: {  	v35 =	vld [tilespmem:$0x1FFF0];
	v43 =	vmul.f32 v46, v45;
	v44 =	vmul.f32 v48, v47  }
0x93: {  	v38 =	vld [tilespmem:s26+$0x40];
	v46 =	vmul.f32 v50, v49;
	v47 =	vmul.f32 v52, v51  }
0x94: {  	v42 =	vld [tilespmem:s26+$0xC0];
	v49 =	vmul.f32 v54, v53;
	v51 =	vmul.f32 v56, v55  }
0x95: {  	v45 =	vld [tilespmem:s29+$0x140];
	v53 =	vmul.f32 v58, v57;
	v54 =	vmul.f32 v60, v59  }
0x96: {  	v48 =	vld [tilespmem:s26+$0x140];
	v56 =	vmul.f32 v62, v61;
	v13 =	vmul.f32 v13, v63;
	v1 =	vadd.f32 v2, v1  }
0x97: {  	v50 =	vld [tilespmem:s29+$0xFFFFFE50];
	v2 =	vmul.f32 v19, v18;
	v18 =	vmul.f32 v25, v24;
	v15 =	vadd.f32 v17, v15  }
0x98: {  	v52 =	vld [tilespmem:s26+$0xFFFFFE50];
	v17 =	vadd.f32 v34, v33;
	v9 =	vadd.f32 v9, v1;
	v1 =	vmul.f32 v27, v26  }
0x99: {  	v55 =	vld [tilespmem:s29+$0xFFFFFED0];
	v2 =	vadd.f32 v2, v12;
	v12 =	vmul.f32 v31, v30;
	v15 =	vadd.f32 v43, v15  }
0x9a: {  	v57 =	vld [tilespmem:s26+$0xFFFFFED0];
	v17 =	vadd.f32 v47, v17;
	v24 =	vmul.f32 v35, v40;
	v1 =	vadd.f32 v1, v18  }
0x9b: {  	v3 =	vmul.f32 v4, v3;
	v4 =	vld [tilespmem:s29+$0xFFFFFF50];
	v12 =	vadd.f32 v12, v20;
	v18 =	vadd.f32 v37, v36  }
0x9c: {  	v5 =	vmul.f32 v6, v5;
	v19 =	vld [tilespmem:s26+$0xFFFFFF40];
	v2 =	vadd.f32 v41, v2;
	v11 =	vadd.f32 v11, v24  }
0x9d: {  	v59 =	vld [tilespmem:s26+$0xFFFFFFD0];
	v6 =	vmul.f32 v8, v7;
	v15 =	vadd.f32 v54, v15;
	v12 =	vadd.f32 v46, v12  }
0x9e: {  	v25 =	vld [tilespmem:s29+$0x40];
	v7 =	vmul.f32 v14, v10;
	v3 =	vadd.f32 v3, v17;
	v11 =	vadd.f32 v39, v11  }
0x9f: {  	v58 =	vmul.f32 v23, v21;
	v18 =	vadd.f32 v49, v18;
	v12 =	vadd.f32 v13, v12;
	v13 =	vld [tilespmem:s26+$0xFFFFFF50]  }
0xa0: {  	v40 =	vld [tilespmem:s29+$0xC0];
	v62 =	vmul.f32 v48, v45;
	v2 =	vadd.f32 v53, v2;
	v11 =	vadd.f32 v51, v11  }
0xa1: {  	v10 =	vld [tilespmem:s29+$0xFFFFFFD0];
	v8 =	vmul.f32 v19, v16;
	v1 =	vadd.f32 v44, v1;
	v14 =	vadd.f32 v5, v18  }
0xa2: {  	v2 =	vadd.f32 v7, v2;
	v7 =	vmul.f32 v52, v50;
	v5 =	vld [tilespmem:s29+$0x50];
	v11 =	vadd.f32 v6, v11  }
0xa3: {  	s28 =	simm.s32 $0x10240;
	v15 =	vadd.f32 v8, v15;
	v8 =	vmul.f32 v57, v55;
	v1 =	vadd.f32 v56, v1;
	v6 =	vld [tilespmem:s26+$0x50]  }
0xa4: {  	[tilespmem:s28+$0x30] =	vst v9;
	v9 =	vld [tilespmem:s26+$0xD0];
	v60 =	vmul.f32 v38, v25;
	v11 =	vadd.f32 v7, v11;
	v13 =	vmul.f32 v13, v4  }
0xa5: {  	v61 =	vmul.f32 v42, v40;
	v1 =	vadd.f32 v58, v1;
	v63 =	vadd.f32 v8, v2;
	v7 =	vld [tilespmem:s29+$0xD0]  }
0xa6: {  	v8 =	vld [tilespmem:s29+$0x150];
	v4 =	vadd.f32 v60, v12;
	v12 =	vmul.f32 v59, v10;
	[tilespmem:s28+$0xFFFFFFC0] =	vst v11;
	v11 =	vadd.f32 v13, v15  }
0xa7: {  	s30 =	simm.s32 $0x8800;
	v2 =	vadd.f32 v61, v3;
	v3 =	vadd.f32 v62, v14;
	[tilespmem:s28+$0xFFFFFFD0] =	vst v63;
	s29 =	simm.s32 $0x0;
	v10 =	vld [tilespmem:s26+$0x150]  }
.LBB2_5:
0xa8: {  	v13 =	vld [tilespmem:s30+$0x180];
	[tilespmem:s28+$0xFFFFFFE0] =	vst v11;
	v1 =	vadd.f32 v12, v1;
	v5 =	vmul.f32 v6, v5;
	s26 =	sadd.s32 $0x400, s26  }
0xa9: {  	v6 =	vld [tilespmem:s26+$0x180]  }
0xaa: {  	v11 =	vld [tilespmem:s30+$0x190];
	[tilespmem:s28+$0xFFFFFFF0] =	vst v1;
	v1 =	vadd.f32 v5, v4;
	v4 =	vmul.f32 v9, v7  }
0xab: {  	s29 =	sadd.s32 $0x8, s29;
	v5 =	vld [tilespmem:s26+$0x190]  }
0xac: {  	p0 =	slt.u32 s29, $0xF8;
	v7 =	vld [tilespmem:s30+$0x1A0];
	[tilespmem:s28+$0x0] =	vst v1;
	v1 =	vadd.f32 v4, v2;
	v2 =	vmul.f32 v10, v8  }
0xad: {  	v4 =	vld [tilespmem:s26+$0x1A0]  }
0xae: {  	v8 =	vld [tilespmem:s30+$0x1B0];
	[tilespmem:s28+$0x10] =	vst v1;
	v1 =	vadd.f32 v2, v3  }
0xaf: {  	v2 =	vld [tilespmem:s26+$0x1B0]  }
0xb0: {  	v3 =	vmul.f32 v6, v13;
	v5 =	vmul.f32 v5, v11;
	v6 =	vld [tilespmem:s30+$0x1C0];
	[tilespmem:s28+$0x20] =	vst v1  }
0xb1: {  	v1 =	vld [tilespmem:s26+$0x1C0]  }
0xb2: {  	v3 =	vadd.f32 v5, v3;
	v4 =	vmul.f32 v4, v7;
	v5 =	vld [tilespmem:s30+$0x1D0]  }
0xb3: {  	v7 =	vld [tilespmem:s26+$0x1D0]  }
0xb4: {  	v9 =	vld [tilespmem:s26+$0xFFFFFE00];
	v3 =	vadd.f32 v4, v3;
	v2 =	vmul.f32 v2, v8  }
0xb5: {  	v4 =	vld [tilespmem:s30+$0xFFFFFE10]  }
0xb6: {  	v8 =	vld [tilespmem:s26+$0xFFFFFE10];
	v2 =	vadd.f32 v2, v3;
	v1 =	vmul.f32 v1, v6  }
0xb7: {  	v3 =	vld [tilespmem:s30+$0xFFFFFE80]  }
0xb8: {  	v6 =	vld [tilespmem:s26+$0xFFFFFE80];
	v1 =	vadd.f32 v1, v2;
	v2 =	vmul.f32 v7, v5  }
0xb9: {  	v5 =	vld [tilespmem:s30+$0xFFFFFE90]  }
0xba: {  	v7 =	vld [tilespmem:s26+$0xFFFFFE90];
	v1 =	vadd.f32 v2, v1  }
0xbb: {  	s28 =	sadd.s32 $0x80, s28;
	v2 =	vmul.f32 v8, v4;
	v4 =	vld [tilespmem:s30+$0xFFFFFF00]  }
0xbc: {  	v8 =	vld [tilespmem:s26+$0xFFFFFF00];
	[tilespmem:s28+$0x30] =	vst v1  }
0xbd: {  	v1 =	vmul.f32 v6, v3;
	v3 =	vld [tilespmem:s30+$0xFFFFFF10]  }
0xbe: {  	v6 =	vld [tilespmem:s26+$0xFFFFFF10]  }
0xbf: {  	v5 =	vmul.f32 v7, v5;
	v7 =	vld [tilespmem:s30+$0xFFFFFF80]  }
0xc0: {  	v10 =	vld [tilespmem:s26+$0xFFFFFF80]  }
0xc1: {  	v1 =	vadd.f32 v5, v1;
	v4 =	vmul.f32 v8, v4;
	v5 =	vld [tilespmem:s30+$0xFFFFFF90]  }
0xc2: {  	v8 =	vld [tilespmem:s26+$0xFFFFFF90]  }
0xc3: {  	v3 =	vmul.f32 v6, v3;
	v6 =	vld [tilespmem:s30+$0x0]  }
0xc4: {  	v11 =	vld [tilespmem:s26+$0x0]  }
0xc5: {  	v3 =	vadd.f32 v3, v4;
	v4 =	vmul.f32 v10, v7;
	v7 =	vld [tilespmem:s30+$0x10]  }
0xc6: {  	v10 =	vld [tilespmem:s26+$0x10]  }
0xc7: {  	v5 =	vmul.f32 v8, v5;
	v8 =	vld [tilespmem:s30+$0x80]  }
0xc8: {  	v12 =	vld [tilespmem:s26+$0x80]  }
0xc9: {  	v4 =	vadd.f32 v5, v4;
	v5 =	vmul.f32 v11, v6;
	v6 =	vld [tilespmem:s30+$0x90]  }
0xca: {  	v11 =	vld [tilespmem:s26+$0x90]  }
0xcb: {  	v7 =	vmul.f32 v10, v7;
	v10 =	vld [tilespmem:s30+$0x100]  }
0xcc: {  	v13 =	vld [tilespmem:s26+$0x100]  }
0xcd: {  	v5 =	vadd.f32 v7, v5;
	v7 =	vmul.f32 v12, v8;
	v8 =	vld [tilespmem:s30+$0x110]  }
0xce: {  	v12 =	vld [tilespmem:s26+$0x110]  }
0xcf: {  	v14 =	vld [tilespmem:s30+$0xFFFFFE00];
	v6 =	vmul.f32 v11, v6  }
0xd0: {  	v11 =	vld [tilespmem:s30+$0xFFFFFE20]  }
0xd1: {  	v15 =	vld [tilespmem:s26+$0xFFFFFE20];
	v6 =	vadd.f32 v6, v7;
	v7 =	vmul.f32 v13, v10  }
0xd2: {  	v10 =	vld [tilespmem:s30+$0xFFFFFEA0]  }
0xd3: {  	v13 =	vld [tilespmem:s26+$0xFFFFFEA0];
	v8 =	vmul.f32 v12, v8  }
0xd4: {  	v9 =	vmul.f32 v9, v14;
	v12 =	vld [tilespmem:s30+$0xFFFFFF20]  }
0xd5: {  	v14 =	vld [tilespmem:s26+$0xFFFFFF20];
	v7 =	vadd.f32 v8, v7  }
0xd6: {  	v2 =	vadd.f32 v2, v9;
	v8 =	vmul.f32 v15, v11;
	v9 =	vld [tilespmem:s30+$0xFFFFFFA0]  }
0xd7: {  	v11 =	vld [tilespmem:s26+$0xFFFFFFA0]  }
0xd8: {  	v2 =	vadd.f32 v8, v2;
	v8 =	vmul.f32 v13, v10;
	v10 =	vld [tilespmem:s30+$0x20]  }
0xd9: {  	v13 =	vld [tilespmem:s26+$0x20]  }
0xda: {  	v1 =	vadd.f32 v8, v1;
	v8 =	vmul.f32 v14, v12;
	v12 =	vld [tilespmem:s30+$0xA0]  }
0xdb: {  	v14 =	vld [tilespmem:s26+$0xA0]  }
0xdc: {  	v3 =	vadd.f32 v8, v3;
	v8 =	vmul.f32 v11, v9;
	v9 =	vld [tilespmem:s30+$0x120]  }
0xdd: {  	v11 =	vld [tilespmem:s26+$0x120]  }
0xde: {  	v15 =	vld [tilespmem:s30+$0xFFFFFE30];
	v4 =	vadd.f32 v8, v4;
	v8 =	vmul.f32 v13, v10  }
0xdf: {  	v10 =	vld [tilespmem:s26+$0xFFFFFE30]  }
0xe0: {  	v13 =	vld [tilespmem:s30+$0xFFFFFEB0];
	v5 =	vadd.f32 v8, v5;
	v8 =	vmul.f32 v14, v12  }
0xe1: {  	v12 =	vld [tilespmem:s26+$0xFFFFFEB0]  }
0xe2: {  	v14 =	vld [tilespmem:s30+$0xFFFFFF30];
	v6 =	vadd.f32 v8, v6;
	v8 =	vmul.f32 v11, v9  }
0xe3: {  	v9 =	vld [tilespmem:s26+$0xFFFFFF30]  }
0xe4: {  	v10 =	vmul.f32 v10, v15;
	v11 =	vld [tilespmem:s30+$0xFFFFFFB0];
	v7 =	vadd.f32 v8, v7  }
0xe5: {  	v8 =	vld [tilespmem:s26+$0xFFFFFFB0]  }
0xe6: {  	v2 =	vadd.f32 v10, v2;
	v10 =	vmul.f32 v12, v13;
	v12 =	vld [tilespmem:s30+$0x30]  }
0xe7: {  	v13 =	vld [tilespmem:s26+$0x30]  }
0xe8: {  	v1 =	vadd.f32 v10, v1;
	v9 =	vmul.f32 v9, v14;
	v10 =	vld [tilespmem:s30+$0xB0]  }
0xe9: {  	v14 =	vld [tilespmem:s26+$0xB0]  }
0xea: {  	v3 =	vadd.f32 v9, v3;
	v8 =	vmul.f32 v8, v11;
	v9 =	vld [tilespmem:s30+$0x130]  }
0xeb: {  	v11 =	vld [tilespmem:s26+$0x130]  }
0xec: {  	v15 =	vld [tilespmem:s30+$0xFFFFFE40];
	v4 =	vadd.f32 v8, v4;
	v8 =	vmul.f32 v13, v12  }
0xed: {  	v12 =	vld [tilespmem:s26+$0xFFFFFE40]  }
0xee: {  	v13 =	vld [tilespmem:s30+$0xFFFFFEC0];
	v5 =	vadd.f32 v8, v5;
	v8 =	vmul.f32 v14, v10  }
0xef: {  	v10 =	vld [tilespmem:s26+$0xFFFFFEC0]  }
0xf0: {  	v14 =	vld [tilespmem:s30+$0xFFFFFF40];
	v6 =	vadd.f32 v8, v6;
	v8 =	vmul.f32 v11, v9  }
0xf1: {  	v9 =	vld [tilespmem:s26+$0xFFFFFF40]  }
0xf2: {  	v11 =	vmul.f32 v12, v15;
	v12 =	vld [tilespmem:s30+$0xFFFFFFC0];
	v7 =	vadd.f32 v8, v7  }
0xf3: {  	v8 =	vld [tilespmem:s26+$0xFFFFFFC0]  }
0xf4: {  	v11 =	vadd.f32 v11, v2;
	v2 =	vmul.f32 v10, v13;
	v10 =	vld [tilespmem:s30+$0x40]  }
0xf5: {  	v13 =	vld [tilespmem:s26+$0x40]  }
0xf6: {  	v15 =	vadd.f32 v2, v1;
	v1 =	vmul.f32 v9, v14;
	v2 =	vld [tilespmem:s30+$0xC0]  }
0xf7: {  	v9 =	vld [tilespmem:s26+$0xC0]  }
0xf8: {  	v14 =	vadd.f32 v1, v3;
	v1 =	vmul.f32 v8, v12;
	v3 =	vld [tilespmem:s30+$0x140]  }
0xf9: {  	v8 =	vld [tilespmem:s26+$0x140]  }
0xfa: {  	v12 =	vld [tilespmem:s30+$0xFFFFFE50];
	v1 =	vadd.f32 v1, v4;
	v4 =	vmul.f32 v13, v10  }
0xfb: {  	v10 =	vld [tilespmem:s26+$0xFFFFFE50]  }
0xfc: {  	v13 =	vld [tilespmem:s30+$0xFFFFFED0];
	v4 =	vadd.f32 v4, v5;
	v2 =	vmul.f32 v9, v2  }
0xfd: {  	v5 =	vld [tilespmem:s26+$0xFFFFFED0]  }
0xfe: {  	v9 =	vld [tilespmem:s30+$0xFFFFFF50];
	v2 =	vadd.f32 v2, v6;
	v3 =	vmul.f32 v8, v3  }
0xff: {  	v8 =	vld [tilespmem:s26+$0xFFFFFF50]  }
0x100: {  	v6 =	vmul.f32 v10, v12;
	v10 =	vld [tilespmem:s30+$0xFFFFFFD0];
	v3 =	vadd.f32 v3, v7  }
0x101: {  	v12 =	vld [tilespmem:s26+$0xFFFFFFD0]  }
0x102: {  	v7 =	vadd.f32 v6, v11;
	v11 =	vmul.f32 v5, v13;
	v5 =	vld [tilespmem:s30+$0x50]  }
.Ltmp1:
0x103: {  	v6 =	vld [tilespmem:s26+$0x50];
	(pc) =	sbr.rel @p0 .LBB2_5-.Ltmp1, $4  }
0x104: {  	[tilespmem:s28+$0xFFFFFFC0] =	vst v7;
	v11 =	vadd.f32 v11, v15;
	v8 =	vmul.f32 v8, v9;
	v7 =	vld [tilespmem:s30+$0xD0]  }
0x105: {  	v9 =	vld [tilespmem:s26+$0xD0]  }
0x106: {  	[tilespmem:s28+$0xFFFFFFD0] =	vst v11;
	v11 =	vadd.f32 v8, v14;
	v12 =	vmul.f32 v12, v10;
	v8 =	vld [tilespmem:s30+$0x150]  }
0x107: {  	s30 =	sadd.s32 $0x400, s30;
	v10 =	vld [tilespmem:s26+$0x150]  }
0x108: {  	_ =	sdelay $0x1  }
0x109: {  	v5 =	vmul.f32 v6, v5  }
0x10a: {  	v1 =	vadd.f32 v12, v1;
	v62 =	vmul.f32 v9, v7  }
0x10b: {  	[tilespmem:s28+$0xFFFFFFE0] =	vst v11;
	v4 =	vadd.f32 v5, v4;
	v63 =	vmul.f32 v10, v8  }
0x10c: {  	[tilespmem:s28+$0xFFFFFFF0] =	vst v1;
	v1 =	vadd.f32 v62, v2  }
0x10d: {  	[tilespmem:s28+$0x0] =	vst v4;
	v2 =	vadd.f32 v63, v3  }
0x10e: {  	[tilespmem:s28+$0x10] =	vst v1  }
0x10f: {  	[tilespmem:s28+$0x20] =	vst v2  }
0x110: {  	[spmem:s1] =	stream.indirect.scatter.add.f32 [tilespmem:s13], [sflag:$0x2], $0x10, s15, s17, $0xb8;
	[tilespmem:$0x13980] =	vst v63  }
0x111: {  	s25 =	sadd.s32 $0x1, s25;
	_ =	swait.ge [sflag:s14], $0x800  }
0x112: {  	p0 =	sne.s32 s25, $0x14;
	[sflag:s14] =	ssyncset.done $0x0  }
.Ltmp2:
0x113: {  	[sflag:s14] =	ssyncadd.s32 $0xFFFFF800;
	(pc) =	sbr.rel @p0 .LBB2_4-.Ltmp2, $4  }
0x114: {  	[spmem:s1] =	stream.indirect.scatter.add.f32 [tilespmem:s22], [sflag:$0x2], $0x10, s21, s17, $0xb8;
	[tilespmem:$0x13980] =	vst v63  }
0x115: {  	_ =	swait.ge [sflag:s14], $0x800  }
0x116: {  	[sflag:s14] =	ssyncset.done $0x0  }
0x117: {  	[sflag:s14] =	ssyncadd.s32 $0xFFFFF800  }
0x118: {  	s24 =	sadd.s32 $0x1, s24  }
0x119: {  	s25 =	sshll.u32 s3, $0x6;
	[bflag:$0x0] =	sbarrier.arrive $0xFFFF;
	p0 =	sne.s32 s24, s12  }
.Ltmp3:
0x11a: {  	s26 =	sshrl.u32 s9, $0x3;
	s25 =	sor.u32 $0x1C02, s25;
	(pc) =	sbr.rel @p0 .LBB2_1-.Ltmp3, $4  }
0x11b: {  	[hbm:s23], [sflag:s25] =	dma.local [spmem:s26], $0x4F0  }
0x11c: {  	_ =	swait.ge [sflag:s14], $0x4F0  }
0x11d: {  	[sflag:s14] =	ssyncset.done $0x0  }
0x11e: {  	[sflag:s14] =	ssyncadd.s32 $0xFFFFFB10  }
0x11f: {  	_ =	sfence.sel $0x180000  }
0x120: {  	[bflag:$0x0] =	sbarrier.arrive $0xFFFF  }
0x121: {  	p0 =	sne.s32 s3, $0x0;
	_ =	strace $0x90000047  }
0x122: {  	s0 =	sadd.s32 @!p0 $0x100000, s0;
	[bflag:$0x2] =	sbarrier.arrive $0xFFFF  }
0x123: {  	[sflag:s0] =	ssyncadd.tile.s32 @!p0 $0x1;
	_ =	shalt  }
.Lfunc_end2:
_tile_overlayer_lowered:
.L_overlay_start_2:
0x124: {  	(tag) =	ssettag $0x2  }
0x125: {  	s0 =	rddreg [dreg:$0x0];
	s2 =	stileid.u32  }
0x126: {  	s1 =	rddreg [dreg:$0x1];
	p0 =	sne.s32 s2, $0x0  }
0x127: {  	s3 =	rddreg [dreg:$0x2];
	[bflag:$0x3] =	sbarrier.arrive $0xFFFF;
	s2 =	simm.s32 @!p0 $0x1C02  }
0x128: {  	[timem:s3], [sflag:s2] =	dma.local @!p0 [hbm:s0], s1  }
0x129: {  	s0 =	simm.s32 @!p0 $0x2  }
0x12a: {  	_ =	swait.ge @!p0 [sflag:s0], s1  }
0x12b: {  	s1 =	ssub.s32 @!p0 $0x0, s1;
	[sflag:s0] =	ssyncset.done @!p0 $0x0  }
0x12c: {  	[sflag:s0] =	ssyncadd.s32 @!p0 s1  }
0x12d: {  	[bflag:$0x3] =	sbarrier.arrive $0xFFFF  }
0x12e: {  	_ =	shalt  }

</sc_bundles>
